<compile_context>
chip_gen: v7x
topology: tpu7x:2x2x1
jax: 0.10.2.dev20260603
libtpu: 0.0.44.dev20260713+nightly
codegen_flags: <defaults>
</compile_context>

<pallas_src>
import functools

import jax
import jax.numpy as jnp
from jax import lax
from jax.experimental import pallas as pl
from jax.experimental.pallas import tpu as pltpu
from jax.experimental.pallas import tpu_sc as plsc

N_NODES = 10000
N_EDGES = 320000
D = 128
N_GRAPHS = 64

N_PAD = 10112
NC, NS = 2, 16
NW = NC * NS
CHUNK = 128
F_CHUNK = 144
S_CHUNK = 16
TOT_CHUNK = 2704
E_PAD = TOT_CHUNK * CHUNK
DEG_NCHUNK = 79
E_DEG_PAD = DEG_NCHUNK * NW * CHUNK
ROWS_PER_TILE = N_PAD // NS

_mesh = plsc.VectorSubcoreMesh(core_axis_name="c", subcore_axis_name="s")



@functools.partial(
    pl.kernel,
    out_type=jax.ShapeDtypeStruct((NC, N_PAD, D), jnp.float32),
    mesh=_mesh,
    scratch_types=[
        pltpu.VMEM((DEG_NCHUNK, CHUNK), jnp.int32),
        pltpu.VMEM((CHUNK, D), jnp.float32),
        pltpu.VMEM_SHARED((N_PAD, D), jnp.float32),
    ],
)
def _sc_degree(dst_hbm, ones_hbm, zeros_hbm, cnt_hbm, dst_v, ones_v, acc):
    c = lax.axis_index("c")
    s = lax.axis_index("s")
    wid = c * NS + s
    r0 = s * ROWS_PER_TILE
    pltpu.sync_copy(zeros_hbm.at[pl.ds(r0, ROWS_PER_TILE)],
                    acc.at[pl.ds(r0, ROWS_PER_TILE)])
    pltpu.sync_copy(ones_hbm, ones_v)
    pltpu.sync_copy(dst_hbm.at[wid], dst_v)
    plsc.subcore_barrier()

    def body(i, carry):
        pltpu.sync_copy(ones_v, acc.at[dst_v.at[i]], add=True)
        return carry

    lax.fori_loop(0, DEG_NCHUNK, body, 0)
    plsc.subcore_barrier()
    pltpu.sync_copy(acc.at[pl.ds(r0, ROWS_PER_TILE)],
                    cnt_hbm.at[c, pl.ds(r0, ROWS_PER_TILE)])


@functools.partial(
    pl.kernel,
    out_type=jax.ShapeDtypeStruct((NC, N_PAD, D), jnp.float32),
    mesh=_mesh,
    scratch_types=[
        pltpu.VMEM((CHUNK,), jnp.int32),
        pltpu.VMEM((CHUNK,), jnp.int32),
        pltpu.VMEM((CHUNK,), jnp.int32),
        pltpu.VMEM((CHUNK,), jnp.int32),
        pltpu.VMEM((CHUNK, D), jnp.float32),
        pltpu.VMEM((CHUNK, D), jnp.float32),
        pltpu.VMEM_SHARED((N_PAD, D), jnp.float32),
        pltpu.SemaphoreType.DMA,
        pltpu.SemaphoreType.DMA,
        pltpu.SemaphoreType.DMA,
        pltpu.SemaphoreType.DMA,
        pltpu.SemaphoreType.DMA,
        pltpu.SemaphoreType.DMA,
        pltpu.SemaphoreType.DMA,
    ],
)
def _sc_gather_scatter(hn_hbm, src_hbm, dst_hbm, zeros_hbm, out_hbm,
                       src0_v, src1_v, dst0_v, dst1_v, rows0_v, rows1_v, acc,
                       gsem0, gsem1, isem0, isem1, dsem0, dsem1, ssem):
    c = lax.axis_index("c")
    s = lax.axis_index("s")
    r0 = s * ROWS_PER_TILE
    base = jnp.where(c == 0, s * F_CHUNK, NS * F_CHUNK + s * S_CHUNK)
    nchunk = jnp.where(c == 0, F_CHUNK, S_CHUNK)
    pltpu.sync_copy(zeros_hbm.at[pl.ds(r0, ROWS_PER_TILE)],
                    acc.at[pl.ds(r0, ROWS_PER_TILE)])
    plsc.subcore_barrier()

    rows = (rows0_v, rows1_v)
    srcs = (src0_v, src1_v)
    dsts = (dst0_v, dst1_v)
    gsems = (gsem0, gsem1)
    isems = (isem0, isem1)
    dsems = (dsem0, dsem1)

    def src_slice(i):
        return src_hbm.at[pl.ds((base + i) * CHUNK, CHUNK)]

    def dst_slice(i):
        return dst_hbm.at[pl.ds((base + i) * CHUNK, CHUNK)]

    hn_c = hn_hbm.at[c]

    @pl.when(nchunk > 0)
    def _():
        pltpu.sync_copy(src_slice(0), src0_v)
        pltpu.sync_copy(src_slice(1), src1_v)
        pltpu.sync_copy(dst_slice(0), dst0_v)
        pltpu.sync_copy(dst_slice(1), dst1_v)
        pltpu.async_copy(hn_c.at[src0_v], rows[0], gsems[0])
        pltpu.async_copy(hn_c.at[src1_v], rows[1], gsems[1])

    def body(i2, carry):
        for j in range(2):
            i = i2 + j
            b = rows[j]
            sv = srcs[j]
            dv = dsts[j]
            pltpu.make_async_copy(hn_c.at[sv], b, gsems[j]).wait()

            @pl.when(i >= 2)
            def _():
                pltpu.make_async_copy(dst_slice(i), dv, dsems[j]).wait()

            sc = pltpu.async_copy(b, acc.at[dv], ssem, add=True)

            @pl.when(i + 2 < nchunk)
            def _():
                pltpu.async_copy(src_slice(i + 2), sv, isems[j])

            sc.wait()

            @pl.when(i + 2 < nchunk)
            def _():
                pltpu.async_copy(dst_slice(i + 2), dv, dsems[j])
                pltpu.make_async_copy(src_slice(i + 2), sv, isems[j]).wait()
                pltpu.async_copy(hn_c.at[sv], b, gsems[j])
        return carry

    lax.fori_loop(0, nchunk // 2, lambda k, cc: body(k * 2, cc), 0)
    plsc.subcore_barrier()
    pltpu.sync_copy(acc.at[pl.ds(r0, ROWS_PER_TILE)],
                    out_hbm.at[c, pl.ds(r0, ROWS_PER_TILE)])



def _tc1_body(cnt_ref, x_ref, w_ref, hn_ref, dis_ref):
    cnt = cnt_ref[0, :, 0:1] + cnt_ref[1, :, 0:1]
    deg = cnt + 1.0
    rid = lax.broadcasted_iota(jnp.int32, (N_PAD, 1), 0)
    dis = jnp.where(rid < N_NODES, lax.rsqrt(deg), 0.0)
    dis_ref[...] = dis
    t = jnp.dot(x_ref[...], w_ref[...], preferred_element_type=jnp.float32)
    hn = t * dis
    hn_ref[0] = hn
    hn_ref[1] = hn


def _tc_mid_body(s_ref, hn_ref, dis_ref, b_ref, w_ref, hn2_ref):
    dis = dis_ref[...]
    y = (s_ref[0] + s_ref[1] + hn_ref[0]) * dis + b_ref[...]
    h = jnp.maximum(y, 0.0)
    t = jnp.dot(h, w_ref[...], preferred_element_type=jnp.float32)
    hn2 = t * dis
    hn2_ref[0] = hn2
    hn2_ref[1] = hn2


def _tc_final_body(s_ref, hn_ref, dis_ref, b_ref, batch_ref,
                   wl1t_ref, bl1_ref, wl2t_ref, bl2_ref, out_ref):
    dis = dis_ref[...]
    y = (s_ref[0] + s_ref[1] + hn_ref[0]) * dis + b_ref[...]
    h = jnp.maximum(y, 0.0)
    gid = lax.broadcasted_iota(jnp.int32, (N_PAD, N_GRAPHS), 1)
    m = (batch_ref[...] == gid).astype(jnp.float32)
    gt = lax.dot_general(h, m, (((0,), (0,)), ((), ())),
                         preferred_element_type=jnp.float32)
    counts = jnp.sum(m, axis=0, keepdims=True)
    gt = gt / jnp.maximum(counts, 1.0)
    zt = jnp.maximum(
        jnp.dot(wl1t_ref[...], gt, preferred_element_type=jnp.float32)
        + bl1_ref[...], 0.0)
    out_ref[...] = (
        jnp.dot(wl2t_ref[...], zt, preferred_element_type=jnp.float32)
        + bl2_ref[...])


_tc1 = pl.pallas_call(
    _tc1_body,
    out_shape=(jax.ShapeDtypeStruct((2, N_PAD, D), jnp.float32),
               jax.ShapeDtypeStruct((N_PAD, 1), jnp.float32)),
)

_tc_mid = pl.pallas_call(
    _tc_mid_body,
    out_shape=jax.ShapeDtypeStruct((2, N_PAD, D), jnp.float32),
)

_tc_final = pl.pallas_call(
    _tc_final_body,
    out_shape=jax.ShapeDtypeStruct((D, N_GRAPHS), jnp.float32),
)



def kernel(x, edge_index, batch, W1, b1, W2, b2, W3, b3, Wl1, bl1, Wl2, bl2):
    f32 = jnp.float32
    src = edge_index[0].astype(jnp.int32)
    dst = edge_index[1].astype(jnp.int32)
    pad = jnp.full((E_PAD - N_EDGES,), N_NODES, dtype=jnp.int32)
    src_p = jnp.concatenate([src, pad])
    dst_p = jnp.concatenate([dst, pad])
    pad_deg = jnp.full((E_DEG_PAD - N_EDGES,), N_NODES, dtype=jnp.int32)
    dst_deg = jnp.concatenate([dst, pad_deg]).reshape(NW, DEG_NCHUNK, CHUNK)

    x_p = jnp.zeros((N_PAD, D), f32).at[:N_NODES].set(x.astype(f32))
    batch_col = jnp.full((N_PAD, 1), N_GRAPHS, jnp.int32) \
        .at[:N_NODES, 0].set(batch.astype(jnp.int32))

    zeros128 = jnp.zeros((N_PAD, D), f32)
    ones128 = jnp.ones((CHUNK, D), f32)

    b1r = b1.reshape(1, D)
    b2r = b2.reshape(1, D)
    b3r = b3.reshape(1, D)
    wl1t = Wl1.T
    bl1c = bl1.reshape(N_GRAPHS, 1)
    wl2t = jnp.zeros((D, N_GRAPHS), f32).at[:Wl2.shape[1]].set(Wl2.T)
    bl2c = jnp.zeros((D, 1), f32).at[:Wl2.shape[1], 0].set(bl2)

    cnt = _sc_degree(dst_deg, ones128, zeros128)
    hn1, dis = _tc1(cnt, x_p, W1)
    s1 = _sc_gather_scatter(hn1, src_p, dst_p, zeros128)
    hn2 = _tc_mid(s1, hn1, dis, b1r, W2)
    s2 = _sc_gather_scatter(hn2, src_p, dst_p, zeros128)
    hn3 = _tc_mid(s2, hn2, dis, b2r, W3)
    s3 = _sc_gather_scatter(hn3, src_p, dst_p, zeros128)
    out_t = _tc_final(s3, hn3, dis, b3r, batch_col, wl1t, bl1c, wl2t, bl2c)
    return out_t[:Wl2.shape[1], :].T

# --- scband reference (transcript-rebuilt; emitter-appended) ---
"""Pipeline reference for scband-gcn3-conv-57724360458562 (READ-ONLY COPY).

The authoritative reference and input builder live on the scoring server;
editing this copy changes nothing except your own understanding.
"""

import jax, jax.numpy as jnp
import numpy as np

N_NODES = 10000
N_EDGES = 320000
D_IN = 128
D_HID = 128
N_CLASSES = 40
N_GRAPHS = 64


def gcn_conv(x, edge_index, W, b, num_nodes):
    # GCNConv: D^{-1/2} (A + I) D^{-1/2} X W + b
    src = jnp.concatenate([edge_index[0], jnp.arange(num_nodes, dtype=edge_index.dtype)])
    dst = jnp.concatenate([edge_index[1], jnp.arange(num_nodes, dtype=edge_index.dtype)])
    ones = jnp.ones(src.shape[0], dtype=x.dtype)
    deg = jax.ops.segment_sum(ones, dst, num_segments=num_nodes)
    deg_inv_sqrt = jnp.where(deg > 0, deg ** -0.5, 0.0)
    norm = deg_inv_sqrt[src] * deg_inv_sqrt[dst]
    h = x @ W
    msg = h[src] * norm[:, None]
    out = jax.ops.segment_sum(msg, dst, num_segments=num_nodes)
    return out + b


def global_mean_pool(x, batch, num_graphs):
    sums = jax.ops.segment_sum(x, batch, num_segments=num_graphs)
    counts = jax.ops.segment_sum(jnp.ones(x.shape[0], dtype=x.dtype), batch, num_segments=num_graphs)
    return sums / jnp.clip(counts, 1.0)[:, None]


def setup_inputs(seed: int = 0) -> dict:
    key = jax.random.key(seed)
    ks = [jax.random.fold_in(key, i) for i in range(16)]
    x = jax.random.normal(ks[0], (N_NODES, D_IN), dtype=jnp.float32)
    edge_index = jax.random.randint(ks[1], (2, N_EDGES), 0, N_NODES, dtype=jnp.int64)
    batch = jnp.sort(jax.random.randint(ks[2], (N_NODES,), 0, N_GRAPHS, dtype=jnp.int64))
    W1 = jax.random.normal(ks[3], (D_IN, D_HID), dtype=jnp.float32) * 0.05
    b1 = jnp.zeros((D_HID,), dtype=jnp.float32)
    W2 = jax.random.normal(ks[4], (D_HID, D_HID), dtype=jnp.float32) * 0.05
    b2 = jnp.zeros((D_HID,), dtype=jnp.float32)
    W3 = jax.random.normal(ks[5], (D_HID, D_HID), dtype=jnp.float32) * 0.05
    b3 = jnp.zeros((D_HID,), dtype=jnp.float32)
    Wl1 = jax.random.normal(ks[6], (D_HID, D_HID // 2), dtype=jnp.float32) * 0.05
    bl1 = jnp.zeros((D_HID // 2,), dtype=jnp.float32)
    Wl2 = jax.random.normal(ks[7], (D_HID // 2, N_CLASSES), dtype=jnp.float32) * 0.05
    bl2 = jnp.zeros((N_CLASSES,), dtype=jnp.float32)
    return {"x": x, "edge_index": edge_index, "batch": batch,
            "W1": W1, "b1": b1, "W2": W2, "b2": b2, "W3": W3, "b3": b3,
            "Wl1": Wl1, "bl1": bl1, "Wl2": Wl2, "bl2": bl2}


def reference(x, edge_index, batch, W1, b1, W2, b2, W3, b3, Wl1, bl1, Wl2, bl2):
    # eval mode: dropout is identity
    h = gcn_conv(x, edge_index, W1, b1, N_NODES)
    h = jax.nn.relu(h)
    h = gcn_conv(h, edge_index, W2, b2, N_NODES)
    h = jax.nn.relu(h)
    h = gcn_conv(h, edge_index, W3, b3, N_NODES)
    h = jax.nn.relu(h)
    g = global_mean_pool(h, batch, N_GRAPHS)
    g = jax.nn.relu(g @ Wl1 + bl1)
    out = g @ Wl2 + bl2
    return out

if __name__ == "__main__":
    import jax
    _d = setup_inputs()
    print(jax.jit(kernel)(*tuple(_d.values())))

</pallas_src>

<mosaic_0001>
#map = affine_map<(d0, d1) -> (0, 0, 0)>
#map1 = affine_map<(d0, d1) -> (0)>
#map2 = affine_map<(d0, d1) -> (0, 0)>
module attributes {stable_mosaic.version = 14 : i64} {
  func.func @_sc_gather_scatter(%arg0: i32, %arg1: i32, %arg2: memref<2x10112x128xf32, #tpu.memory_space<hbm>>, %arg3: memref<346112xi32, #tpu.memory_space<hbm>>, %arg4: memref<346112xi32, #tpu.memory_space<hbm>>, %arg5: memref<10112x128xf32, #tpu.memory_space<hbm>>, %arg6: memref<2x10112x128xf32, #tpu.memory_space<hbm>>, %arg7: memref<128xi32, #tpu.memory_space<vmem>>, %arg8: memref<128xi32, #tpu.memory_space<vmem>>, %arg9: memref<128xi32, #tpu.memory_space<vmem>>, %arg10: memref<128xi32, #tpu.memory_space<vmem>>, %arg11: memref<128x128xf32, #tpu.memory_space<vmem>>, %arg12: memref<128x128xf32, #tpu.memory_space<vmem>>, %arg13: memref<10112x128xf32, #tpu.memory_space<vmem_shared>>, %arg14: memref<!tpu.dma_semaphore, #tpu.memory_space<semaphore_mem>>, %arg15: memref<!tpu.dma_semaphore, #tpu.memory_space<semaphore_mem>>, %arg16: memref<!tpu.dma_semaphore, #tpu.memory_space<semaphore_mem>>, %arg17: memref<!tpu.dma_semaphore, #tpu.memory_space<semaphore_mem>>, %arg18: memref<!tpu.dma_semaphore, #tpu.memory_space<semaphore_mem>>, %arg19: memref<!tpu.dma_semaphore, #tpu.memory_space<semaphore_mem>>, %arg20: memref<!tpu.dma_semaphore, #tpu.memory_space<semaphore_mem>>) attributes {dimension_semantics = [#tpu.dimension_semantics<core_parallel>, #tpu.dimension_semantics<subcore_parallel>], iteration_bounds = array<i64: 2, 16>, scalar_prefetch = 0 : i64, scratch_operands = 14 : i64, tpu.core_type = #tpu.core_type<sc_vector_subcore>, window_params = [{transform_indices = #map}, {transform_indices = #map1}, {transform_indices = #map1}, {transform_indices = #map2}, {transform_indices = #map}]} {
    %mul3A = arith.constant 632 : i32
    %mul3A_0 = arith.muli %arg1, %mul3A : i32
    %eq3A = arith.constant 0 : i32
    %eq3A_1 = arith.cmpi eq, %arg0, %eq3A : i32
    %mul3A_2 = arith.constant 144 : i32
    %mul3A_3 = arith.muli %arg1, %mul3A_2 : i32
    %mul3A_4 = arith.constant 16 : i32
    %mul3A_5 = arith.muli %arg1, %mul3A_4 : i32
    %add3A = arith.constant 2304 : i32
    %add3A_6 = arith.addi %add3A, %mul3A_5 : i32
    %select_n3A = arith.select %eq3A_1, %mul3A_3, %add3A_6 : i32
    %eq3A_7 = arith.constant 0 : i32
    %eq3A_8 = arith.cmpi eq, %arg0, %eq3A_7 : i32
    %jit3A = arith.constant 144 : i32
    %jit3A_9 = arith.constant 16 : i32
    %select_n3A_10 = arith.select %eq3A_8, %jit3A, %jit3A_9 : i32
    "tpu.region"() ({
      %run_scoped3A = tpu.sem_alloc : memref<!tpu.dma_semaphore, #tpu.memory_space<semaphore_mem>>
      %dma_start3A = arith.constant 0 : i32
      %dma_start3A_41 = tpu.memref_slice %arg13[%mul3A_0, %dma_start3A] : memref<10112x128xf32, #tpu.memory_space<vmem_shared>> -> memref<632x128xf32, #tpu.memory_space<vmem_shared>>
      %dma_start3A_42 = arith.constant 0 : i32
      %dma_start3A_43 = tpu.memref_slice %arg5[%mul3A_0, %dma_start3A_42] : memref<10112x128xf32, #tpu.memory_space<hbm>> -> memref<632x128xf32, #tpu.memory_space<hbm>>
      tpu.enqueue_dma source(%dma_start3A_43 : memref<632x128xf32, #tpu.memory_space<hbm>>) target(%dma_start3A_41 : memref<632x128xf32, #tpu.memory_space<vmem_shared>>) target_semaphore(%run_scoped3A : memref<!tpu.dma_semaphore, #tpu.memory_space<semaphore_mem>>)
      %dma_wait3A = arith.constant 0 : i32
      %dma_wait3A_44 = tpu.memref_slice %arg13[%mul3A_0, %dma_wait3A] : memref<10112x128xf32, #tpu.memory_space<vmem_shared>> -> memref<632x128xf32, #tpu.memory_space<vmem_shared>>
      %dma_wait3A_45 = arith.constant 0 : i32
      %dma_wait3A_46 = tpu.memref_slice %arg5[%mul3A_0, %dma_wait3A_45] : memref<10112x128xf32, #tpu.memory_space<hbm>> -> memref<632x128xf32, #tpu.memory_space<hbm>>
      tpu.wait_dma2 semaphore(%run_scoped3A : memref<!tpu.dma_semaphore, #tpu.memory_space<semaphore_mem>>) src(%dma_wait3A_46 : memref<632x128xf32, #tpu.memory_space<hbm>>) dst(%dma_wait3A_44 : memref<632x128xf32, #tpu.memory_space<vmem_shared>>)
      tpu.yield
    }) : () -> ()
    %barrier3A = arith.constant 0 : index
    tpu.barrier barrier_id(%barrier3A)
    %gt3A = arith.constant 0 : i32
    %gt3A_11 = arith.cmpi sgt, %select_n3A_10, %gt3A : i32
    %convert_element_type3A = arith.extui %gt3A_11 : i1 to i32
    %cond3A = arith.constant 0 : i32
    %cond3A_12 = arith.cmpi ne, %convert_element_type3A, %cond3A : i32
    scf.if %cond3A_12 {
      %add3A_41 = arith.constant 0 : i32
      %add3A_42 = arith.addi %select_n3A, %add3A_41 : i32
      %mul3A_43 = arith.constant 128 : i32
      %mul3A_44 = arith.muli %add3A_42, %mul3A_43 : i32
      "tpu.region"() ({
        %run_scoped3A = tpu.sem_alloc : memref<!tpu.dma_semaphore, #tpu.memory_space<semaphore_mem>>
        %dma_start3A_70 = tpu.memref_slice %arg3[%mul3A_44] : memref<346112xi32, #tpu.memory_space<hbm>> -> memref<128xi32, #tpu.memory_space<hbm>>
        %dma_start3A_71 = tpu.memref_slice %arg3[%mul3A_44] : memref<346112xi32, #tpu.memory_space<hbm>> -> memref<128xi32, #tpu.memory_space<hbm>>
        tpu.enqueue_dma source(%dma_start3A_71 : memref<128xi32, #tpu.memory_space<hbm>>) target(%arg7 : memref<128xi32, #tpu.memory_space<vmem>>) target_semaphore(%run_scoped3A : memref<!tpu.dma_semaphore, #tpu.memory_space<semaphore_mem>>)
        %dma_wait3A = tpu.memref_slice %arg3[%mul3A_44] : memref<346112xi32, #tpu.memory_space<hbm>> -> memref<128xi32, #tpu.memory_space<hbm>>
        %dma_wait3A_72 = tpu.memref_slice %arg3[%mul3A_44] : memref<346112xi32, #tpu.memory_space<hbm>> -> memref<128xi32, #tpu.memory_space<hbm>>
        tpu.wait_dma2 semaphore(%run_scoped3A : memref<!tpu.dma_semaphore, #tpu.memory_space<semaphore_mem>>) src(%dma_wait3A_72 : memref<128xi32, #tpu.memory_space<hbm>>) dst(%arg7 : memref<128xi32, #tpu.memory_space<vmem>>)
        tpu.yield
      }) : () -> ()
      %add3A_45 = arith.constant 1 : i32
      %add3A_46 = arith.addi %select_n3A, %add3A_45 : i32
      %mul3A_47 = arith.constant 128 : i32
      %mul3A_48 = arith.muli %add3A_46, %mul3A_47 : i32
      "tpu.region"() ({
        %run_scoped3A = tpu.sem_alloc : memref<!tpu.dma_semaphore, #tpu.memory_space<semaphore_mem>>
        %dma_start3A_70 = tpu.memref_slice %arg3[%mul3A_48] : memref<346112xi32, #tpu.memory_space<hbm>> -> memref<128xi32, #tpu.memory_space<hbm>>
        %dma_start3A_71 = tpu.memref_slice %arg3[%mul3A_48] : memref<346112xi32, #tpu.memory_space<hbm>> -> memref<128xi32, #tpu.memory_space<hbm>>
        tpu.enqueue_dma source(%dma_start3A_71 : memref<128xi32, #tpu.memory_space<hbm>>) target(%arg8 : memref<128xi32, #tpu.memory_space<vmem>>) target_semaphore(%run_scoped3A : memref<!tpu.dma_semaphore, #tpu.memory_space<semaphore_mem>>)
        %dma_wait3A = tpu.memref_slice %arg3[%mul3A_48] : memref<346112xi32, #tpu.memory_space<hbm>> -> memref<128xi32, #tpu.memory_space<hbm>>
        %dma_wait3A_72 = tpu.memref_slice %arg3[%mul3A_48] : memref<346112xi32, #tpu.memory_space<hbm>> -> memref<128xi32, #tpu.memory_space<hbm>>
        tpu.wait_dma2 semaphore(%run_scoped3A : memref<!tpu.dma_semaphore, #tpu.memory_space<semaphore_mem>>) src(%dma_wait3A_72 : memref<128xi32, #tpu.memory_space<hbm>>) dst(%arg8 : memref<128xi32, #tpu.memory_space<vmem>>)
        tpu.yield
      }) : () -> ()
      %add3A_49 = arith.constant 0 : i32
      %add3A_50 = arith.addi %select_n3A, %add3A_49 : i32
      %mul3A_51 = arith.constant 128 : i32
      %mul3A_52 = arith.muli %add3A_50, %mul3A_51 : i32
      "tpu.region"() ({
        %run_scoped3A = tpu.sem_alloc : memref<!tpu.dma_semaphore, #tpu.memory_space<semaphore_mem>>
        %dma_start3A_70 = tpu.memref_slice %arg4[%mul3A_52] : memref<346112xi32, #tpu.memory_space<hbm>> -> memref<128xi32, #tpu.memory_space<hbm>>
        %dma_start3A_71 = tpu.memref_slice %arg4[%mul3A_52] : memref<346112xi32, #tpu.memory_space<hbm>> -> memref<128xi32, #tpu.memory_space<hbm>>
        tpu.enqueue_dma source(%dma_start3A_71 : memref<128xi32, #tpu.memory_space<hbm>>) target(%arg9 : memref<128xi32, #tpu.memory_space<vmem>>) target_semaphore(%run_scoped3A : memref<!tpu.dma_semaphore, #tpu.memory_space<semaphore_mem>>)
        %dma_wait3A = tpu.memref_slice %arg4[%mul3A_52] : memref<346112xi32, #tpu.memory_space<hbm>> -> memref<128xi32, #tpu.memory_space<hbm>>
        %dma_wait3A_72 = tpu.memref_slice %arg4[%mul3A_52] : memref<346112xi32, #tpu.memory_space<hbm>> -> memref<128xi32, #tpu.memory_space<hbm>>
        tpu.wait_dma2 semaphore(%run_scoped3A : memref<!tpu.dma_semaphore, #tpu.memory_space<semaphore_mem>>) src(%dma_wait3A_72 : memref<128xi32, #tpu.memory_space<hbm>>) dst(%arg9 : memref<128xi32, #tpu.memory_space<vmem>>)
        tpu.yield
      }) : () -> ()
      %add3A_53 = arith.constant 1 : i32
      %add3A_54 = arith.addi %select_n3A, %add3A_53 : i32
      %mul3A_55 = arith.constant 128 : i32
      %mul3A_56 = arith.muli %add3A_54, %mul3A_55 : i32
      "tpu.region"() ({
        %run_scoped3A = tpu.sem_alloc : memref<!tpu.dma_semaphore, #tpu.memory_space<semaphore_mem>>
        %dma_start3A_70 = tpu.memref_slice %arg4[%mul3A_56] : memref<346112xi32, #tpu.memory_space<hbm>> -> memref<128xi32, #tpu.memory_space<hbm>>
        %dma_start3A_71 = tpu.memref_slice %arg4[%mul3A_56] : memref<346112xi32, #tpu.memory_space<hbm>> -> memref<128xi32, #tpu.memory_space<hbm>>
        tpu.enqueue_dma source(%dma_start3A_71 : memref<128xi32, #tpu.memory_space<hbm>>) target(%arg10 : memref<128xi32, #tpu.memory_space<vmem>>) target_semaphore(%run_scoped3A : memref<!tpu.dma_semaphore, #tpu.memory_space<semaphore_mem>>)
        %dma_wait3A = tpu.memref_slice %arg4[%mul3A_56] : memref<346112xi32, #tpu.memory_space<hbm>> -> memref<128xi32, #tpu.memory_space<hbm>>
        %dma_wait3A_72 = tpu.memref_slice %arg4[%mul3A_56] : memref<346112xi32, #tpu.memory_space<hbm>> -> memref<128xi32, #tpu.memory_space<hbm>>
        tpu.wait_dma2 semaphore(%run_scoped3A : memref<!tpu.dma_semaphore, #tpu.memory_space<semaphore_mem>>) src(%dma_wait3A_72 : memref<128xi32, #tpu.memory_space<hbm>>) dst(%arg10 : memref<128xi32, #tpu.memory_space<vmem>>)
        tpu.yield
      }) : () -> ()
      %dma_start3A = arith.constant 0 : i32
      %dma_start3A_57 = arith.constant 0 : i32
      %dma_start3A_58 = tpu.memref_slice %arg2[%arg0, %dma_start3A, %dma_start3A_57] : memref<2x10112x128xf32, #tpu.memory_space<hbm>> -> memref<1x10112x128xf32, #tpu.memory_space<hbm>>
      %dma_start3A_59 = tpu.memref_squeeze %dma_start3A_58 : memref<1x10112x128xf32, #tpu.memory_space<hbm>> -> memref<10112x128xf32, #tpu.memory_space<hbm>>
      %dma_start3A_60 = arith.constant 0 : i32
      %dma_start3A_61 = arith.constant 0 : i32
      %dma_start3A_62 = tpu.memref_slice %dma_start3A_59[%dma_start3A_60, %dma_start3A_61] : memref<10112x128xf32, #tpu.memory_space<hbm>> -> memref<10112x128xf32, #tpu.memory_space<hbm>>
      tpu.enqueue_indirect_dma source(%dma_start3A_62 : memref<10112x128xf32, #tpu.memory_space<hbm>>) target(%arg11 : memref<128x128xf32, #tpu.memory_space<vmem>>) offsets(%arg7 : memref<128xi32, #tpu.memory_space<vmem>>) semaphore(%arg14 : memref<!tpu.dma_semaphore, #tpu.memory_space<semaphore_mem>>)
      %dma_start3A_63 = arith.constant 0 : i32
      %dma_start3A_64 = arith.constant 0 : i32
      %dma_start3A_65 = tpu.memref_slice %arg2[%arg0, %dma_start3A_63, %dma_start3A_64] : memref<2x10112x128xf32, #tpu.memory_space<hbm>> -> memref<1x10112x128xf32, #tpu.memory_space<hbm>>
      %dma_start3A_66 = tpu.memref_squeeze %dma_start3A_65 : memref<1x10112x128xf32, #tpu.memory_space<hbm>> -> memref<10112x128xf32, #tpu.memory_space<hbm>>
      %dma_start3A_67 = arith.constant 0 : i32
      %dma_start3A_68 = arith.constant 0 : i32
      %dma_start3A_69 = tpu.memref_slice %dma_start3A_66[%dma_start3A_67, %dma_start3A_68] : memref<10112x128xf32, #tpu.memory_space<hbm>> -> memref<10112x128xf32, #tpu.memory_space<hbm>>
      tpu.enqueue_indirect_dma source(%dma_start3A_69 : memref<10112x128xf32, #tpu.memory_space<hbm>>) target(%arg12 : memref<128x128xf32, #tpu.memory_space<vmem>>) offsets(%arg8 : memref<128xi32, #tpu.memory_space<vmem>>) semaphore(%arg15 : memref<!tpu.dma_semaphore, #tpu.memory_space<semaphore_mem>>)
    } else {
    }
    %jit3A_13 = arith.constant 2 : i32
    %div3A = arith.divsi %select_n3A_10, %jit3A_13 : i32
    %sign3A = arith.constant 0 : i32
    %sign3A_14 = arith.cmpi sgt, %select_n3A_10, %sign3A : i32
    %sign3A_15 = arith.extui %sign3A_14 : i1 to i32
    %sign3A_16 = arith.constant 0 : i32
    %sign3A_17 = arith.cmpi slt, %select_n3A_10, %sign3A_16 : i32
    %sign3A_18 = arith.extui %sign3A_17 : i1 to i32
    %sign3A_19 = arith.subi %sign3A_15, %sign3A_18 : i32
    %sign3A_20 = arith.constant 0 : i32
    %sign3A_21 = arith.cmpi sgt, %jit3A_13, %sign3A_20 : i32
    %sign3A_22 = arith.extui %sign3A_21 : i1 to i32
    %sign3A_23 = arith.constant 0 : i32
    %sign3A_24 = arith.cmpi slt, %jit3A_13, %sign3A_23 : i32
    %sign3A_25 = arith.extui %sign3A_24 : i1 to i32
    %sign3A_26 = arith.subi %sign3A_22, %sign3A_25 : i32
    %ne3A = arith.cmpi ne, %sign3A_19, %sign3A_26 : i32
    %rem3A = arith.remsi %select_n3A_10, %jit3A_13 : i32
    %ne3A_27 = arith.constant 0 : i32
    %ne3A_28 = arith.cmpi ne, %rem3A, %ne3A_27 : i32
    %and3A = arith.andi %ne3A, %ne3A_28 : i1
    %sub3A = arith.constant 1 : i32
    %sub3A_29 = arith.subi %div3A, %sub3A : i32
    %select_n3A_30 = arith.select %and3A, %sub3A_29, %div3A : i32
    %while3A = arith.constant 0 : i32
    %while3A_31 = arith.constant 0 : i32
    %while3A_32 = arith.subi %select_n3A_30, %while3A_31 : i32
    %while3A_33 = arith.addi %while3A_31, %while3A_32 : i32
    %while3A_34 = arith.constant 1 : i32
    %while3A_35 = arith.divsi %while3A_32, %while3A_34 : i32
    %while3A_36 = arith.muli %while3A_35, %while3A_34 : i32
    %while3A_37 = arith.addi %while3A_31, %while3A_36 : i32
    %while3A_38 = arith.constant 1 : i32
    scf.for %while3A_41 = %while3A_31 to %while3A_37 step %while3A_38  : i32 {
      %mul3A_42 = arith.constant 2 : i32
      %mul3A_43 = arith.muli %while3A_41, %mul3A_42 : i32
      %add3A_44 = arith.constant 0 : i32
      %add3A_45 = arith.addi %mul3A_43, %add3A_44 : i32
      %dma_wait3A = arith.constant 0 : i32
      %dma_wait3A_46 = arith.constant 0 : i32
      %dma_wait3A_47 = tpu.memref_slice %arg2[%arg0, %dma_wait3A, %dma_wait3A_46] : memref<2x10112x128xf32, #tpu.memory_space<hbm>> -> memref<1x10112x128xf32, #tpu.memory_space<hbm>>
      %dma_wait3A_48 = tpu.memref_squeeze %dma_wait3A_47 : memref<1x10112x128xf32, #tpu.memory_space<hbm>> -> memref<10112x128xf32, #tpu.memory_space<hbm>>
      %dma_wait3A_49 = arith.constant 0 : i32
      %dma_wait3A_50 = arith.constant 0 : i32
      %dma_wait3A_51 = tpu.memref_slice %dma_wait3A_48[%dma_wait3A_49, %dma_wait3A_50] : memref<10112x128xf32, #tpu.memory_space<hbm>> -> memref<10112x128xf32, #tpu.memory_space<hbm>>
      tpu.wait_indirect_dma semaphore(%arg14 : memref<!tpu.dma_semaphore, #tpu.memory_space<semaphore_mem>>) src(%dma_wait3A_51 : memref<10112x128xf32, #tpu.memory_space<hbm>>) dst(%arg11 : memref<128x128xf32, #tpu.memory_space<vmem>>)
      %ge3A = arith.constant 2 : i32
      %ge3A_52 = arith.cmpi sge, %add3A_45, %ge3A : i32
      %convert_element_type3A_53 = arith.extui %ge3A_52 : i1 to i32
      %cond3A_54 = arith.constant 0 : i32
      %cond3A_55 = arith.cmpi ne, %convert_element_type3A_53, %cond3A_54 : i32
      scf.if %cond3A_55 {
        %add3A_104 = arith.addi %select_n3A, %add3A_45 : i32
        %mul3A_105 = arith.constant 128 : i32
        %mul3A_106 = arith.muli %add3A_104, %mul3A_105 : i32
        %dma_wait3A_107 = tpu.memref_slice %arg4[%mul3A_106] : memref<346112xi32, #tpu.memory_space<hbm>> -> memref<128xi32, #tpu.memory_space<hbm>>
        %dma_wait3A_108 = tpu.memref_slice %arg4[%mul3A_106] : memref<346112xi32, #tpu.memory_space<hbm>> -> memref<128xi32, #tpu.memory_space<hbm>>
        tpu.wait_dma2 semaphore(%arg18 : memref<!tpu.dma_semaphore, #tpu.memory_space<semaphore_mem>>) src(%dma_wait3A_108 : memref<128xi32, #tpu.memory_space<hbm>>) dst(%arg9 : memref<128xi32, #tpu.memory_space<vmem>>)
      } else {
      }
      %dma_start3A = arith.constant 0 : i32
      %dma_start3A_56 = arith.constant 0 : i32
      %dma_start3A_57 = tpu.memref_slice %arg13[%dma_start3A, %dma_start3A_56] : memref<10112x128xf32, #tpu.memory_space<vmem_shared>> -> memref<10112x128xf32, #tpu.memory_space<vmem_shared>>
      tpu.enqueue_indirect_dma source(%arg11 : memref<128x128xf32, #tpu.memory_space<vmem>>) target(%dma_start3A_57 : memref<10112x128xf32, #tpu.memory_space<vmem_shared>>) offsets(%arg9 : memref<128xi32, #tpu.memory_space<vmem>>) semaphore(%arg20 : memref<!tpu.dma_semaphore, #tpu.memory_space<semaphore_mem>>) {add = true}
      %add3A_58 = arith.constant 2 : i32
      %add3A_59 = arith.addi %add3A_45, %add3A_58 : i32
      %lt3A = arith.cmpi slt, %add3A_59, %select_n3A_10 : i32
      %convert_element_type3A_60 = arith.extui %lt3A : i1 to i32
      %cond3A_61 = arith.constant 0 : i32
      %cond3A_62 = arith.cmpi ne, %convert_element_type3A_60, %cond3A_61 : i32
      scf.if %cond3A_62 {
        %add3A_104 = arith.constant 2 : i32
        %add3A_105 = arith.addi %add3A_45, %add3A_104 : i32
        %add3A_106 = arith.addi %select_n3A, %add3A_105 : i32
        %mul3A_107 = arith.constant 128 : i32
        %mul3A_108 = arith.muli %add3A_106, %mul3A_107 : i32
        %dma_start3A_109 = tpu.memref_slice %arg3[%mul3A_108] : memref<346112xi32, #tpu.memory_space<hbm>> -> memref<128xi32, #tpu.memory_space<hbm>>
        %dma_start3A_110 = tpu.memref_slice %arg3[%mul3A_108] : memref<346112xi32, #tpu.memory_space<hbm>> -> memref<128xi32, #tpu.memory_space<hbm>>
        tpu.enqueue_dma source(%dma_start3A_110 : memref<128xi32, #tpu.memory_space<hbm>>) target(%arg7 : memref<128xi32, #tpu.memory_space<vmem>>) target_semaphore(%arg16 : memref<!tpu.dma_semaphore, #tpu.memory_space<semaphore_mem>>)
      } else {
      }
      %dma_wait3A_63 = arith.constant 0 : i32
      %dma_wait3A_64 = arith.constant 0 : i32
      %dma_wait3A_65 = tpu.memref_slice %arg13[%dma_wait3A_63, %dma_wait3A_64] : memref<10112x128xf32, #tpu.memory_space<vmem_shared>> -> memref<10112x128xf32, #tpu.memory_space<vmem_shared>>
      tpu.wait_indirect_dma semaphore(%arg20 : memref<!tpu.dma_semaphore, #tpu.memory_space<semaphore_mem>>) src(%arg11 : memref<128x128xf32, #tpu.memory_space<vmem>>) dst(%dma_wait3A_65 : memref<10112x128xf32, #tpu.memory_space<vmem_shared>>)
      %add3A_66 = arith.constant 2 : i32
      %add3A_67 = arith.addi %add3A_45, %add3A_66 : i32
      %lt3A_68 = arith.cmpi slt, %add3A_67, %select_n3A_10 : i32
      %convert_element_type3A_69 = arith.extui %lt3A_68 : i1 to i32
      %cond3A_70 = arith.constant 0 : i32
      %cond3A_71 = arith.cmpi ne, %convert_element_type3A_69, %cond3A_70 : i32
      scf.if %cond3A_71 {
        %add3A_104 = arith.constant 2 : i32
        %add3A_105 = arith.addi %add3A_45, %add3A_104 : i32
        %add3A_106 = arith.addi %select_n3A, %add3A_105 : i32
        %mul3A_107 = arith.constant 128 : i32
        %mul3A_108 = arith.muli %add3A_106, %mul3A_107 : i32
        %dma_start3A_109 = tpu.memref_slice %arg4[%mul3A_108] : memref<346112xi32, #tpu.memory_space<hbm>> -> memref<128xi32, #tpu.memory_space<hbm>>
        %dma_start3A_110 = tpu.memref_slice %arg4[%mul3A_108] : memref<346112xi32, #tpu.memory_space<hbm>> -> memref<128xi32, #tpu.memory_space<hbm>>
        tpu.enqueue_dma source(%dma_start3A_110 : memref<128xi32, #tpu.memory_space<hbm>>) target(%arg9 : memref<128xi32, #tpu.memory_space<vmem>>) target_semaphore(%arg18 : memref<!tpu.dma_semaphore, #tpu.memory_space<semaphore_mem>>)
        %add3A_111 = arith.constant 2 : i32
        %add3A_112 = arith.addi %add3A_45, %add3A_111 : i32
        %add3A_113 = arith.addi %select_n3A, %add3A_112 : i32
        %mul3A_114 = arith.constant 128 : i32
        %mul3A_115 = arith.muli %add3A_113, %mul3A_114 : i32
        %dma_wait3A_116 = tpu.memref_slice %arg3[%mul3A_115] : memref<346112xi32, #tpu.memory_space<hbm>> -> memref<128xi32, #tpu.memory_space<hbm>>
        %dma_wait3A_117 = tpu.memref_slice %arg3[%mul3A_115] : memref<346112xi32, #tpu.memory_space<hbm>> -> memref<128xi32, #tpu.memory_space<hbm>>
        tpu.wait_dma2 semaphore(%arg16 : memref<!tpu.dma_semaphore, #tpu.memory_space<semaphore_mem>>) src(%dma_wait3A_117 : memref<128xi32, #tpu.memory_space<hbm>>) dst(%arg7 : memref<128xi32, #tpu.memory_space<vmem>>)
        %dma_start3A_118 = arith.constant 0 : i32
        %dma_start3A_119 = arith.constant 0 : i32
        %dma_start3A_120 = tpu.memref_slice %arg2[%arg0, %dma_start3A_118, %dma_start3A_119] : memref<2x10112x128xf32, #tpu.memory_space<hbm>> -> memref<1x10112x128xf32, #tpu.memory_space<hbm>>
        %dma_start3A_121 = tpu.memref_squeeze %dma_start3A_120 : memref<1x10112x128xf32, #tpu.memory_space<hbm>> -> memref<10112x128xf32, #tpu.memory_space<hbm>>
        %dma_start3A_122 = arith.constant 0 : i32
        %dma_start3A_123 = arith.constant 0 : i32
        %dma_start3A_124 = tpu.memref_slice %dma_start3A_121[%dma_start3A_122, %dma_start3A_123] : memref<10112x128xf32, #tpu.memory_space<hbm>> -> memref<10112x128xf32, #tpu.memory_space<hbm>>
        tpu.enqueue_indirect_dma source(%dma_start3A_124 : memref<10112x128xf32, #tpu.memory_space<hbm>>) target(%arg11 : memref<128x128xf32, #tpu.memory_space<vmem>>) offsets(%arg7 : memref<128xi32, #tpu.memory_space<vmem>>) semaphore(%arg14 : memref<!tpu.dma_semaphore, #tpu.memory_space<semaphore_mem>>)
      } else {
      }
      %add3A_72 = arith.constant 1 : i32
      %add3A_73 = arith.addi %mul3A_43, %add3A_72 : i32
      %dma_wait3A_74 = arith.constant 0 : i32
      %dma_wait3A_75 = arith.constant 0 : i32
      %dma_wait3A_76 = tpu.memref_slice %arg2[%arg0, %dma_wait3A_74, %dma_wait3A_75] : memref<2x10112x128xf32, #tpu.memory_space<hbm>> -> memref<1x10112x128xf32, #tpu.memory_space<hbm>>
      %dma_wait3A_77 = tpu.memref_squeeze %dma_wait3A_76 : memref<1x10112x128xf32, #tpu.memory_space<hbm>> -> memref<10112x128xf32, #tpu.memory_space<hbm>>
      %dma_wait3A_78 = arith.constant 0 : i32
      %dma_wait3A_79 = arith.constant 0 : i32
      %dma_wait3A_80 = tpu.memref_slice %dma_wait3A_77[%dma_wait3A_78, %dma_wait3A_79] : memref<10112x128xf32, #tpu.memory_space<hbm>> -> memref<10112x128xf32, #tpu.memory_space<hbm>>
      tpu.wait_indirect_dma semaphore(%arg15 : memref<!tpu.dma_semaphore, #tpu.memory_space<semaphore_mem>>) src(%dma_wait3A_80 : memref<10112x128xf32, #tpu.memory_space<hbm>>) dst(%arg12 : memref<128x128xf32, #tpu.memory_space<vmem>>)
      %ge3A_81 = arith.constant 2 : i32
      %ge3A_82 = arith.cmpi sge, %add3A_73, %ge3A_81 : i32
      %convert_element_type3A_83 = arith.extui %ge3A_82 : i1 to i32
      %cond3A_84 = arith.constant 0 : i32
      %cond3A_85 = arith.cmpi ne, %convert_element_type3A_83, %cond3A_84 : i32
      scf.if %cond3A_85 {
        %add3A_104 = arith.addi %select_n3A, %add3A_73 : i32
        %mul3A_105 = arith.constant 128 : i32
        %mul3A_106 = arith.muli %add3A_104, %mul3A_105 : i32
        %dma_wait3A_107 = tpu.memref_slice %arg4[%mul3A_106] : memref<346112xi32, #tpu.memory_space<hbm>> -> memref<128xi32, #tpu.memory_space<hbm>>
        %dma_wait3A_108 = tpu.memref_slice %arg4[%mul3A_106] : memref<346112xi32, #tpu.memory_space<hbm>> -> memref<128xi32, #tpu.memory_space<hbm>>
        tpu.wait_dma2 semaphore(%arg19 : memref<!tpu.dma_semaphore, #tpu.memory_space<semaphore_mem>>) src(%dma_wait3A_108 : memref<128xi32, #tpu.memory_space<hbm>>) dst(%arg10 : memref<128xi32, #tpu.memory_space<vmem>>)
      } else {
      }
      %dma_start3A_86 = arith.constant 0 : i32
      %dma_start3A_87 = arith.constant 0 : i32
      %dma_start3A_88 = tpu.memref_slice %arg13[%dma_start3A_86, %dma_start3A_87] : memref<10112x128xf32, #tpu.memory_space<vmem_shared>> -> memref<10112x128xf32, #tpu.memory_space<vmem_shared>>
      tpu.enqueue_indirect_dma source(%arg12 : memref<128x128xf32, #tpu.memory_space<vmem>>) target(%dma_start3A_88 : memref<10112x128xf32, #tpu.memory_space<vmem_shared>>) offsets(%arg10 : memref<128xi32, #tpu.memory_space<vmem>>) semaphore(%arg20 : memref<!tpu.dma_semaphore, #tpu.memory_space<semaphore_mem>>) {add = true}
      %add3A_89 = arith.constant 2 : i32
      %add3A_90 = arith.addi %add3A_73, %add3A_89 : i32
      %lt3A_91 = arith.cmpi slt, %add3A_90, %select_n3A_10 : i32
      %convert_element_type3A_92 = arith.extui %lt3A_91 : i1 to i32
      %cond3A_93 = arith.constant 0 : i32
      %cond3A_94 = arith.cmpi ne, %convert_element_type3A_92, %cond3A_93 : i32
      scf.if %cond3A_94 {
        %add3A_104 = arith.constant 2 : i32
        %add3A_105 = arith.addi %add3A_73, %add3A_104 : i32
        %add3A_106 = arith.addi %select_n3A, %add3A_105 : i32
        %mul3A_107 = arith.constant 128 : i32
        %mul3A_108 = arith.muli %add3A_106, %mul3A_107 : i32
        %dma_start3A_109 = tpu.memref_slice %arg3[%mul3A_108] : memref<346112xi32, #tpu.memory_space<hbm>> -> memref<128xi32, #tpu.memory_space<hbm>>
        %dma_start3A_110 = tpu.memref_slice %arg3[%mul3A_108] : memref<346112xi32, #tpu.memory_space<hbm>> -> memref<128xi32, #tpu.memory_space<hbm>>
        tpu.enqueue_dma source(%dma_start3A_110 : memref<128xi32, #tpu.memory_space<hbm>>) target(%arg8 : memref<128xi32, #tpu.memory_space<vmem>>) target_semaphore(%arg17 : memref<!tpu.dma_semaphore, #tpu.memory_space<semaphore_mem>>)
      } else {
      }
      %dma_wait3A_95 = arith.constant 0 : i32
      %dma_wait3A_96 = arith.constant 0 : i32
      %dma_wait3A_97 = tpu.memref_slice %arg13[%dma_wait3A_95, %dma_wait3A_96] : memref<10112x128xf32, #tpu.memory_space<vmem_shared>> -> memref<10112x128xf32, #tpu.memory_space<vmem_shared>>
      tpu.wait_indirect_dma semaphore(%arg20 : memref<!tpu.dma_semaphore, #tpu.memory_space<semaphore_mem>>) src(%arg12 : memref<128x128xf32, #tpu.memory_space<vmem>>) dst(%dma_wait3A_97 : memref<10112x128xf32, #tpu.memory_space<vmem_shared>>)
      %add3A_98 = arith.constant 2 : i32
      %add3A_99 = arith.addi %add3A_73, %add3A_98 : i32
      %lt3A_100 = arith.cmpi slt, %add3A_99, %select_n3A_10 : i32
      %convert_element_type3A_101 = arith.extui %lt3A_100 : i1 to i32
      %cond3A_102 = arith.constant 0 : i32
      %cond3A_103 = arith.cmpi ne, %convert_element_type3A_101, %cond3A_102 : i32
      scf.if %cond3A_103 {
        %add3A_104 = arith.constant 2 : i32
        %add3A_105 = arith.addi %add3A_73, %add3A_104 : i32
        %add3A_106 = arith.addi %select_n3A, %add3A_105 : i32
        %mul3A_107 = arith.constant 128 : i32
        %mul3A_108 = arith.muli %add3A_106, %mul3A_107 : i32
        %dma_start3A_109 = tpu.memref_slice %arg4[%mul3A_108] : memref<346112xi32, #tpu.memory_space<hbm>> -> memref<128xi32, #tpu.memory_space<hbm>>
        %dma_start3A_110 = tpu.memref_slice %arg4[%mul3A_108] : memref<346112xi32, #tpu.memory_space<hbm>> -> memref<128xi32, #tpu.memory_space<hbm>>
        tpu.enqueue_dma source(%dma_start3A_110 : memref<128xi32, #tpu.memory_space<hbm>>) target(%arg10 : memref<128xi32, #tpu.memory_space<vmem>>) target_semaphore(%arg19 : memref<!tpu.dma_semaphore, #tpu.memory_space<semaphore_mem>>)
        %add3A_111 = arith.constant 2 : i32
        %add3A_112 = arith.addi %add3A_73, %add3A_111 : i32
        %add3A_113 = arith.addi %select_n3A, %add3A_112 : i32
        %mul3A_114 = arith.constant 128 : i32
        %mul3A_115 = arith.muli %add3A_113, %mul3A_114 : i32
        %dma_wait3A_116 = tpu.memref_slice %arg3[%mul3A_115] : memref<346112xi32, #tpu.memory_space<hbm>> -> memref<128xi32, #tpu.memory_space<hbm>>
        %dma_wait3A_117 = tpu.memref_slice %arg3[%mul3A_115] : memref<346112xi32, #tpu.memory_space<hbm>> -> memref<128xi32, #tpu.memory_space<hbm>>
        tpu.wait_dma2 semaphore(%arg17 : memref<!tpu.dma_semaphore, #tpu.memory_space<semaphore_mem>>) src(%dma_wait3A_117 : memref<128xi32, #tpu.memory_space<hbm>>) dst(%arg8 : memref<128xi32, #tpu.memory_space<vmem>>)
        %dma_start3A_118 = arith.constant 0 : i32
        %dma_start3A_119 = arith.constant 0 : i32
        %dma_start3A_120 = tpu.memref_slice %arg2[%arg0, %dma_start3A_118, %dma_start3A_119] : memref<2x10112x128xf32, #tpu.memory_space<hbm>> -> memref<1x10112x128xf32, #tpu.memory_space<hbm>>
        %dma_start3A_121 = tpu.memref_squeeze %dma_start3A_120 : memref<1x10112x128xf32, #tpu.memory_space<hbm>> -> memref<10112x128xf32, #tpu.memory_space<hbm>>
        %dma_start3A_122 = arith.constant 0 : i32
        %dma_start3A_123 = arith.constant 0 : i32
        %dma_start3A_124 = tpu.memref_slice %dma_start3A_121[%dma_start3A_122, %dma_start3A_123] : memref<10112x128xf32, #tpu.memory_space<hbm>> -> memref<10112x128xf32, #tpu.memory_space<hbm>>
        tpu.enqueue_indirect_dma source(%dma_start3A_124 : memref<10112x128xf32, #tpu.memory_space<hbm>>) target(%arg12 : memref<128x128xf32, #tpu.memory_space<vmem>>) offsets(%arg8 : memref<128xi32, #tpu.memory_space<vmem>>) semaphore(%arg15 : memref<!tpu.dma_semaphore, #tpu.memory_space<semaphore_mem>>)
      } else {
      }
    }
    %while3A_39 = arith.constant 1 : i32
    scf.for %while3A_41 = %while3A_37 to %while3A_33 step %while3A_39  : i32 {
      %mul3A_42 = arith.constant 2 : i32
      %mul3A_43 = arith.muli %while3A_41, %mul3A_42 : i32
      %add3A_44 = arith.constant 0 : i32
      %add3A_45 = arith.addi %mul3A_43, %add3A_44 : i32
      %dma_wait3A = arith.constant 0 : i32
      %dma_wait3A_46 = arith.constant 0 : i32
      %dma_wait3A_47 = tpu.memref_slice %arg2[%arg0, %dma_wait3A, %dma_wait3A_46] : memref<2x10112x128xf32, #tpu.memory_space<hbm>> -> memref<1x10112x128xf32, #tpu.memory_space<hbm>>
      %dma_wait3A_48 = tpu.memref_squeeze %dma_wait3A_47 : memref<1x10112x128xf32, #tpu.memory_space<hbm>> -> memref<10112x128xf32, #tpu.memory_space<hbm>>
      %dma_wait3A_49 = arith.constant 0 : i32
      %dma_wait3A_50 = arith.constant 0 : i32
      %dma_wait3A_51 = tpu.memref_slice %dma_wait3A_48[%dma_wait3A_49, %dma_wait3A_50] : memref<10112x128xf32, #tpu.memory_space<hbm>> -> memref<10112x128xf32, #tpu.memory_space<hbm>>
      tpu.wait_indirect_dma semaphore(%arg14 : memref<!tpu.dma_semaphore, #tpu.memory_space<semaphore_mem>>) src(%dma_wait3A_51 : memref<10112x128xf32, #tpu.memory_space<hbm>>) dst(%arg11 : memref<128x128xf32, #tpu.memory_space<vmem>>)
      %ge3A = arith.constant 2 : i32
      %ge3A_52 = arith.cmpi sge, %add3A_45, %ge3A : i32
      %convert_element_type3A_53 = arith.extui %ge3A_52 : i1 to i32
      %cond3A_54 = arith.constant 0 : i32
      %cond3A_55 = arith.cmpi ne, %convert_element_type3A_53, %cond3A_54 : i32
      scf.if %cond3A_55 {
        %add3A_104 = arith.addi %select_n3A, %add3A_45 : i32
        %mul3A_105 = arith.constant 128 : i32
        %mul3A_106 = arith.muli %add3A_104, %mul3A_105 : i32
        %dma_wait3A_107 = tpu.memref_slice %arg4[%mul3A_106] : memref<346112xi32, #tpu.memory_space<hbm>> -> memref<128xi32, #tpu.memory_space<hbm>>
        %dma_wait3A_108 = tpu.memref_slice %arg4[%mul3A_106] : memref<346112xi32, #tpu.memory_space<hbm>> -> memref<128xi32, #tpu.memory_space<hbm>>
        tpu.wait_dma2 semaphore(%arg18 : memref<!tpu.dma_semaphore, #tpu.memory_space<semaphore_mem>>) src(%dma_wait3A_108 : memref<128xi32, #tpu.memory_space<hbm>>) dst(%arg9 : memref<128xi32, #tpu.memory_space<vmem>>)
      } else {
      }
      %dma_start3A = arith.constant 0 : i32
      %dma_start3A_56 = arith.constant 0 : i32
      %dma_start3A_57 = tpu.memref_slice %arg13[%dma_start3A, %dma_start3A_56] : memref<10112x128xf32, #tpu.memory_space<vmem_shared>> -> memref<10112x128xf32, #tpu.memory_space<vmem_shared>>
      tpu.enqueue_indirect_dma source(%arg11 : memref<128x128xf32, #tpu.memory_space<vmem>>) target(%dma_start3A_57 : memref<10112x128xf32, #tpu.memory_space<vmem_shared>>) offsets(%arg9 : memref<128xi32, #tpu.memory_space<vmem>>) semaphore(%arg20 : memref<!tpu.dma_semaphore, #tpu.memory_space<semaphore_mem>>) {add = true}
      %add3A_58 = arith.constant 2 : i32
      %add3A_59 = arith.addi %add3A_45, %add3A_58 : i32
      %lt3A = arith.cmpi slt, %add3A_59, %select_n3A_10 : i32
      %convert_element_type3A_60 = arith.extui %lt3A : i1 to i32
      %cond3A_61 = arith.constant 0 : i32
      %cond3A_62 = arith.cmpi ne, %convert_element_type3A_60, %cond3A_61 : i32
      scf.if %cond3A_62 {
        %add3A_104 = arith.constant 2 : i32
        %add3A_105 = arith.addi %add3A_45, %add3A_104 : i32
        %add3A_106 = arith.addi %select_n3A, %add3A_105 : i32
        %mul3A_107 = arith.constant 128 : i32
        %mul3A_108 = arith.muli %add3A_106, %mul3A_107 : i32
        %dma_start3A_109 = tpu.memref_slice %arg3[%mul3A_108] : memref<346112xi32, #tpu.memory_space<hbm>> -> memref<128xi32, #tpu.memory_space<hbm>>
        %dma_start3A_110 = tpu.memref_slice %arg3[%mul3A_108] : memref<346112xi32, #tpu.memory_space<hbm>> -> memref<128xi32, #tpu.memory_space<hbm>>
        tpu.enqueue_dma source(%dma_start3A_110 : memref<128xi32, #tpu.memory_space<hbm>>) target(%arg7 : memref<128xi32, #tpu.memory_space<vmem>>) target_semaphore(%arg16 : memref<!tpu.dma_semaphore, #tpu.memory_space<semaphore_mem>>)
      } else {
      }
      %dma_wait3A_63 = arith.constant 0 : i32
      %dma_wait3A_64 = arith.constant 0 : i32
      %dma_wait3A_65 = tpu.memref_slice %arg13[%dma_wait3A_63, %dma_wait3A_64] : memref<10112x128xf32, #tpu.memory_space<vmem_shared>> -> memref<10112x128xf32, #tpu.memory_space<vmem_shared>>
      tpu.wait_indirect_dma semaphore(%arg20 : memref<!tpu.dma_semaphore, #tpu.memory_space<semaphore_mem>>) src(%arg11 : memref<128x128xf32, #tpu.memory_space<vmem>>) dst(%dma_wait3A_65 : memref<10112x128xf32, #tpu.memory_space<vmem_shared>>)
      %add3A_66 = arith.constant 2 : i32
      %add3A_67 = arith.addi %add3A_45, %add3A_66 : i32
      %lt3A_68 = arith.cmpi slt, %add3A_67, %select_n3A_10 : i32
      %convert_element_type3A_69 = arith.extui %lt3A_68 : i1 to i32
      %cond3A_70 = arith.constant 0 : i32
      %cond3A_71 = arith.cmpi ne, %convert_element_type3A_69, %cond3A_70 : i32
      scf.if %cond3A_71 {
        %add3A_104 = arith.constant 2 : i32
        %add3A_105 = arith.addi %add3A_45, %add3A_104 : i32
        %add3A_106 = arith.addi %select_n3A, %add3A_105 : i32
        %mul3A_107 = arith.constant 128 : i32
        %mul3A_108 = arith.muli %add3A_106, %mul3A_107 : i32
        %dma_start3A_109 = tpu.memref_slice %arg4[%mul3A_108] : memref<346112xi32, #tpu.memory_space<hbm>> -> memref<128xi32, #tpu.memory_space<hbm>>
        %dma_start3A_110 = tpu.memref_slice %arg4[%mul3A_108] : memref<346112xi32, #tpu.memory_space<hbm>> -> memref<128xi32, #tpu.memory_space<hbm>>
        tpu.enqueue_dma source(%dma_start3A_110 : memref<128xi32, #tpu.memory_space<hbm>>) target(%arg9 : memref<128xi32, #tpu.memory_space<vmem>>) target_semaphore(%arg18 : memref<!tpu.dma_semaphore, #tpu.memory_space<semaphore_mem>>)
        %add3A_111 = arith.constant 2 : i32
        %add3A_112 = arith.addi %add3A_45, %add3A_111 : i32
        %add3A_113 = arith.addi %select_n3A, %add3A_112 : i32
        %mul3A_114 = arith.constant 128 : i32
        %mul3A_115 = arith.muli %add3A_113, %mul3A_114 : i32
        %dma_wait3A_116 = tpu.memref_slice %arg3[%mul3A_115] : memref<346112xi32, #tpu.memory_space<hbm>> -> memref<128xi32, #tpu.memory_space<hbm>>
        %dma_wait3A_117 = tpu.memref_slice %arg3[%mul3A_115] : memref<346112xi32, #tpu.memory_space<hbm>> -> memref<128xi32, #tpu.memory_space<hbm>>
        tpu.wait_dma2 semaphore(%arg16 : memref<!tpu.dma_semaphore, #tpu.memory_space<semaphore_mem>>) src(%dma_wait3A_117 : memref<128xi32, #tpu.memory_space<hbm>>) dst(%arg7 : memref<128xi32, #tpu.memory_space<vmem>>)
        %dma_start3A_118 = arith.constant 0 : i32
        %dma_start3A_119 = arith.constant 0 : i32
        %dma_start3A_120 = tpu.memref_slice %arg2[%arg0, %dma_start3A_118, %dma_start3A_119] : memref<2x10112x128xf32, #tpu.memory_space<hbm>> -> memref<1x10112x128xf32, #tpu.memory_space<hbm>>
        %dma_start3A_121 = tpu.memref_squeeze %dma_start3A_120 : memref<1x10112x128xf32, #tpu.memory_space<hbm>> -> memref<10112x128xf32, #tpu.memory_space<hbm>>
        %dma_start3A_122 = arith.constant 0 : i32
        %dma_start3A_123 = arith.constant 0 : i32
        %dma_start3A_124 = tpu.memref_slice %dma_start3A_121[%dma_start3A_122, %dma_start3A_123] : memref<10112x128xf32, #tpu.memory_space<hbm>> -> memref<10112x128xf32, #tpu.memory_space<hbm>>
        tpu.enqueue_indirect_dma source(%dma_start3A_124 : memref<10112x128xf32, #tpu.memory_space<hbm>>) target(%arg11 : memref<128x128xf32, #tpu.memory_space<vmem>>) offsets(%arg7 : memref<128xi32, #tpu.memory_space<vmem>>) semaphore(%arg14 : memref<!tpu.dma_semaphore, #tpu.memory_space<semaphore_mem>>)
      } else {
      }
      %add3A_72 = arith.constant 1 : i32
      %add3A_73 = arith.addi %mul3A_43, %add3A_72 : i32
      %dma_wait3A_74 = arith.constant 0 : i32
      %dma_wait3A_75 = arith.constant 0 : i32
      %dma_wait3A_76 = tpu.memref_slice %arg2[%arg0, %dma_wait3A_74, %dma_wait3A_75] : memref<2x10112x128xf32, #tpu.memory_space<hbm>> -> memref<1x10112x128xf32, #tpu.memory_space<hbm>>
      %dma_wait3A_77 = tpu.memref_squeeze %dma_wait3A_76 : memref<1x10112x128xf32, #tpu.memory_space<hbm>> -> memref<10112x128xf32, #tpu.memory_space<hbm>>
      %dma_wait3A_78 = arith.constant 0 : i32
      %dma_wait3A_79 = arith.constant 0 : i32
      %dma_wait3A_80 = tpu.memref_slice %dma_wait3A_77[%dma_wait3A_78, %dma_wait3A_79] : memref<10112x128xf32, #tpu.memory_space<hbm>> -> memref<10112x128xf32, #tpu.memory_space<hbm>>
      tpu.wait_indirect_dma semaphore(%arg15 : memref<!tpu.dma_semaphore, #tpu.memory_space<semaphore_mem>>) src(%dma_wait3A_80 : memref<10112x128xf32, #tpu.memory_space<hbm>>) dst(%arg12 : memref<128x128xf32, #tpu.memory_space<vmem>>)
      %ge3A_81 = arith.constant 2 : i32
      %ge3A_82 = arith.cmpi sge, %add3A_73, %ge3A_81 : i32
      %convert_element_type3A_83 = arith.extui %ge3A_82 : i1 to i32
      %cond3A_84 = arith.constant 0 : i32
      %cond3A_85 = arith.cmpi ne, %convert_element_type3A_83, %cond3A_84 : i32
      scf.if %cond3A_85 {
        %add3A_104 = arith.addi %select_n3A, %add3A_73 : i32
        %mul3A_105 = arith.constant 128 : i32
        %mul3A_106 = arith.muli %add3A_104, %mul3A_105 : i32
        %dma_wait3A_107 = tpu.memref_slice %arg4[%mul3A_106] : memref<346112xi32, #tpu.memory_space<hbm>> -> memref<128xi32, #tpu.memory_space<hbm>>
        %dma_wait3A_108 = tpu.memref_slice %arg4[%mul3A_106] : memref<346112xi32, #tpu.memory_space<hbm>> -> memref<128xi32, #tpu.memory_space<hbm>>
        tpu.wait_dma2 semaphore(%arg19 : memref<!tpu.dma_semaphore, #tpu.memory_space<semaphore_mem>>) src(%dma_wait3A_108 : memref<128xi32, #tpu.memory_space<hbm>>) dst(%arg10 : memref<128xi32, #tpu.memory_space<vmem>>)
      } else {
      }
      %dma_start3A_86 = arith.constant 0 : i32
      %dma_start3A_87 = arith.constant 0 : i32
      %dma_start3A_88 = tpu.memref_slice %arg13[%dma_start3A_86, %dma_start3A_87] : memref<10112x128xf32, #tpu.memory_space<vmem_shared>> -> memref<10112x128xf32, #tpu.memory_space<vmem_shared>>
      tpu.enqueue_indirect_dma source(%arg12 : memref<128x128xf32, #tpu.memory_space<vmem>>) target(%dma_start3A_88 : memref<10112x128xf32, #tpu.memory_space<vmem_shared>>) offsets(%arg10 : memref<128xi32, #tpu.memory_space<vmem>>) semaphore(%arg20 : memref<!tpu.dma_semaphore, #tpu.memory_space<semaphore_mem>>) {add = true}
      %add3A_89 = arith.constant 2 : i32
      %add3A_90 = arith.addi %add3A_73, %add3A_89 : i32
      %lt3A_91 = arith.cmpi slt, %add3A_90, %select_n3A_10 : i32
      %convert_element_type3A_92 = arith.extui %lt3A_91 : i1 to i32
      %cond3A_93 = arith.constant 0 : i32
      %cond3A_94 = arith.cmpi ne, %convert_element_type3A_92, %cond3A_93 : i32
      scf.if %cond3A_94 {
        %add3A_104 = arith.constant 2 : i32
        %add3A_105 = arith.addi %add3A_73, %add3A_104 : i32
        %add3A_106 = arith.addi %select_n3A, %add3A_105 : i32
        %mul3A_107 = arith.constant 128 : i32
        %mul3A_108 = arith.muli %add3A_106, %mul3A_107 : i32
        %dma_start3A_109 = tpu.memref_slice %arg3[%mul3A_108] : memref<346112xi32, #tpu.memory_space<hbm>> -> memref<128xi32, #tpu.memory_space<hbm>>
        %dma_start3A_110 = tpu.memref_slice %arg3[%mul3A_108] : memref<346112xi32, #tpu.memory_space<hbm>> -> memref<128xi32, #tpu.memory_space<hbm>>
        tpu.enqueue_dma source(%dma_start3A_110 : memref<128xi32, #tpu.memory_space<hbm>>) target(%arg8 : memref<128xi32, #tpu.memory_space<vmem>>) target_semaphore(%arg17 : memref<!tpu.dma_semaphore, #tpu.memory_space<semaphore_mem>>)
      } else {
      }
      %dma_wait3A_95 = arith.constant 0 : i32
      %dma_wait3A_96 = arith.constant 0 : i32
      %dma_wait3A_97 = tpu.memref_slice %arg13[%dma_wait3A_95, %dma_wait3A_96] : memref<10112x128xf32, #tpu.memory_space<vmem_shared>> -> memref<10112x128xf32, #tpu.memory_space<vmem_shared>>
      tpu.wait_indirect_dma semaphore(%arg20 : memref<!tpu.dma_semaphore, #tpu.memory_space<semaphore_mem>>) src(%arg12 : memref<128x128xf32, #tpu.memory_space<vmem>>) dst(%dma_wait3A_97 : memref<10112x128xf32, #tpu.memory_space<vmem_shared>>)
      %add3A_98 = arith.constant 2 : i32
      %add3A_99 = arith.addi %add3A_73, %add3A_98 : i32
      %lt3A_100 = arith.cmpi slt, %add3A_99, %select_n3A_10 : i32
      %convert_element_type3A_101 = arith.extui %lt3A_100 : i1 to i32
      %cond3A_102 = arith.constant 0 : i32
      %cond3A_103 = arith.cmpi ne, %convert_element_type3A_101, %cond3A_102 : i32
      scf.if %cond3A_103 {
        %add3A_104 = arith.constant 2 : i32
        %add3A_105 = arith.addi %add3A_73, %add3A_104 : i32
        %add3A_106 = arith.addi %select_n3A, %add3A_105 : i32
        %mul3A_107 = arith.constant 128 : i32
        %mul3A_108 = arith.muli %add3A_106, %mul3A_107 : i32
        %dma_start3A_109 = tpu.memref_slice %arg4[%mul3A_108] : memref<346112xi32, #tpu.memory_space<hbm>> -> memref<128xi32, #tpu.memory_space<hbm>>
        %dma_start3A_110 = tpu.memref_slice %arg4[%mul3A_108] : memref<346112xi32, #tpu.memory_space<hbm>> -> memref<128xi32, #tpu.memory_space<hbm>>
        tpu.enqueue_dma source(%dma_start3A_110 : memref<128xi32, #tpu.memory_space<hbm>>) target(%arg10 : memref<128xi32, #tpu.memory_space<vmem>>) target_semaphore(%arg19 : memref<!tpu.dma_semaphore, #tpu.memory_space<semaphore_mem>>)
        %add3A_111 = arith.constant 2 : i32
        %add3A_112 = arith.addi %add3A_73, %add3A_111 : i32
        %add3A_113 = arith.addi %select_n3A, %add3A_112 : i32
        %mul3A_114 = arith.constant 128 : i32
        %mul3A_115 = arith.muli %add3A_113, %mul3A_114 : i32
        %dma_wait3A_116 = tpu.memref_slice %arg3[%mul3A_115] : memref<346112xi32, #tpu.memory_space<hbm>> -> memref<128xi32, #tpu.memory_space<hbm>>
        %dma_wait3A_117 = tpu.memref_slice %arg3[%mul3A_115] : memref<346112xi32, #tpu.memory_space<hbm>> -> memref<128xi32, #tpu.memory_space<hbm>>
        tpu.wait_dma2 semaphore(%arg17 : memref<!tpu.dma_semaphore, #tpu.memory_space<semaphore_mem>>) src(%dma_wait3A_117 : memref<128xi32, #tpu.memory_space<hbm>>) dst(%arg8 : memref<128xi32, #tpu.memory_space<vmem>>)
        %dma_start3A_118 = arith.constant 0 : i32
        %dma_start3A_119 = arith.constant 0 : i32
        %dma_start3A_120 = tpu.memref_slice %arg2[%arg0, %dma_start3A_118, %dma_start3A_119] : memref<2x10112x128xf32, #tpu.memory_space<hbm>> -> memref<1x10112x128xf32, #tpu.memory_space<hbm>>
        %dma_start3A_121 = tpu.memref_squeeze %dma_start3A_120 : memref<1x10112x128xf32, #tpu.memory_space<hbm>> -> memref<10112x128xf32, #tpu.memory_space<hbm>>
        %dma_start3A_122 = arith.constant 0 : i32
        %dma_start3A_123 = arith.constant 0 : i32
        %dma_start3A_124 = tpu.memref_slice %dma_start3A_121[%dma_start3A_122, %dma_start3A_123] : memref<10112x128xf32, #tpu.memory_space<hbm>> -> memref<10112x128xf32, #tpu.memory_space<hbm>>
        tpu.enqueue_indirect_dma source(%dma_start3A_124 : memref<10112x128xf32, #tpu.memory_space<hbm>>) target(%arg12 : memref<128x128xf32, #tpu.memory_space<vmem>>) offsets(%arg8 : memref<128xi32, #tpu.memory_space<vmem>>) semaphore(%arg15 : memref<!tpu.dma_semaphore, #tpu.memory_space<semaphore_mem>>)
      } else {
      }
    }
    %barrier3A_40 = arith.constant 0 : index
    tpu.barrier barrier_id(%barrier3A_40)
    "tpu.region"() ({
      %run_scoped3A = tpu.sem_alloc : memref<!tpu.dma_semaphore, #tpu.memory_space<semaphore_mem>>
      %dma_start3A = arith.constant 0 : i32
      %dma_start3A_41 = tpu.memref_slice %arg6[%arg0, %mul3A_0, %dma_start3A] : memref<2x10112x128xf32, #tpu.memory_space<hbm>> -> memref<1x632x128xf32, #tpu.memory_space<hbm>>
      %dma_start3A_42 = tpu.memref_squeeze %dma_start3A_41 : memref<1x632x128xf32, #tpu.memory_space<hbm>> -> memref<632x128xf32, #tpu.memory_space<hbm>>
      %dma_start3A_43 = arith.constant 0 : i32
      %dma_start3A_44 = tpu.memref_slice %arg13[%mul3A_0, %dma_start3A_43] : memref<10112x128xf32, #tpu.memory_space<vmem_shared>> -> memref<632x128xf32, #tpu.memory_space<vmem_shared>>
      tpu.enqueue_dma source(%dma_start3A_44 : memref<632x128xf32, #tpu.memory_space<vmem_shared>>) target(%dma_start3A_42 : memref<632x128xf32, #tpu.memory_space<hbm>>) target_semaphore(%run_scoped3A : memref<!tpu.dma_semaphore, #tpu.memory_space<semaphore_mem>>)
      %dma_wait3A = arith.constant 0 : i32
      %dma_wait3A_45 = tpu.memref_slice %arg6[%arg0, %mul3A_0, %dma_wait3A] : memref<2x10112x128xf32, #tpu.memory_space<hbm>> -> memref<1x632x128xf32, #tpu.memory_space<hbm>>
      %dma_wait3A_46 = tpu.memref_squeeze %dma_wait3A_45 : memref<1x632x128xf32, #tpu.memory_space<hbm>> -> memref<632x128xf32, #tpu.memory_space<hbm>>
      %dma_wait3A_47 = arith.constant 0 : i32
      %dma_wait3A_48 = tpu.memref_slice %arg13[%mul3A_0, %dma_wait3A_47] : memref<10112x128xf32, #tpu.memory_space<vmem_shared>> -> memref<632x128xf32, #tpu.memory_space<vmem_shared>>
      tpu.wait_dma2 semaphore(%run_scoped3A : memref<!tpu.dma_semaphore, #tpu.memory_space<semaphore_mem>>) src(%dma_wait3A_48 : memref<632x128xf32, #tpu.memory_space<vmem_shared>>) dst(%dma_wait3A_46 : memref<632x128xf32, #tpu.memory_space<hbm>>)
      tpu.yield
    }) : () -> ()
    return
  }
}

#map = affine_map<(d0, d1) -> (0, 0, 0)>
#map1 = affine_map<(d0, d1) -> (0, 0)>
module attributes {stable_mosaic.version = 14 : i64} {
  func.func @_sc_degree(%arg0: i32, %arg1: i32, %arg2: memref<32x79x128xi32, #tpu.memory_space<hbm>>, %arg3: memref<128x128xf32, #tpu.memory_space<hbm>>, %arg4: memref<10112x128xf32, #tpu.memory_space<hbm>>, %arg5: memref<2x10112x128xf32, #tpu.memory_space<hbm>>, %arg6: memref<79x128xi32, #tpu.memory_space<vmem>>, %arg7: memref<128x128xf32, #tpu.memory_space<vmem>>, %arg8: memref<10112x128xf32, #tpu.memory_space<vmem_shared>>) attributes {dimension_semantics = [#tpu.dimension_semantics<core_parallel>, #tpu.dimension_semantics<subcore_parallel>], iteration_bounds = array<i64: 2, 16>, scalar_prefetch = 0 : i64, scratch_operands = 3 : i64, tpu.core_type = #tpu.core_type<sc_vector_subcore>, window_params = [{transform_indices = #map}, {transform_indices = #map1}, {transform_indices = #map1}, {transform_indices = #map}]} {
    %mul3A = arith.constant 16 : i32
    %mul3A_0 = arith.muli %arg0, %mul3A : i32
    %add3A = arith.addi %mul3A_0, %arg1 : i32
    %mul3A_1 = arith.constant 632 : i32
    %mul3A_2 = arith.muli %arg1, %mul3A_1 : i32
    "tpu.region"() ({
      %run_scoped3A = tpu.sem_alloc : memref<!tpu.dma_semaphore, #tpu.memory_space<semaphore_mem>>
      %dma_start3A = arith.constant 0 : i32
      %dma_start3A_9 = tpu.memref_slice %arg8[%mul3A_2, %dma_start3A] : memref<10112x128xf32, #tpu.memory_space<vmem_shared>> -> memref<632x128xf32, #tpu.memory_space<vmem_shared>>
      %dma_start3A_10 = arith.constant 0 : i32
      %dma_start3A_11 = tpu.memref_slice %arg4[%mul3A_2, %dma_start3A_10] : memref<10112x128xf32, #tpu.memory_space<hbm>> -> memref<632x128xf32, #tpu.memory_space<hbm>>
      tpu.enqueue_dma source(%dma_start3A_11 : memref<632x128xf32, #tpu.memory_space<hbm>>) target(%dma_start3A_9 : memref<632x128xf32, #tpu.memory_space<vmem_shared>>) target_semaphore(%run_scoped3A : memref<!tpu.dma_semaphore, #tpu.memory_space<semaphore_mem>>)
      %dma_wait3A = arith.constant 0 : i32
      %dma_wait3A_12 = tpu.memref_slice %arg8[%mul3A_2, %dma_wait3A] : memref<10112x128xf32, #tpu.memory_space<vmem_shared>> -> memref<632x128xf32, #tpu.memory_space<vmem_shared>>
      %dma_wait3A_13 = arith.constant 0 : i32
      %dma_wait3A_14 = tpu.memref_slice %arg4[%mul3A_2, %dma_wait3A_13] : memref<10112x128xf32, #tpu.memory_space<hbm>> -> memref<632x128xf32, #tpu.memory_space<hbm>>
      tpu.wait_dma2 semaphore(%run_scoped3A : memref<!tpu.dma_semaphore, #tpu.memory_space<semaphore_mem>>) src(%dma_wait3A_14 : memref<632x128xf32, #tpu.memory_space<hbm>>) dst(%dma_wait3A_12 : memref<632x128xf32, #tpu.memory_space<vmem_shared>>)
      tpu.yield
    }) : () -> ()
    "tpu.region"() ({
      %run_scoped3A = tpu.sem_alloc : memref<!tpu.dma_semaphore, #tpu.memory_space<semaphore_mem>>
      tpu.enqueue_dma source(%arg3 : memref<128x128xf32, #tpu.memory_space<hbm>>) target(%arg7 : memref<128x128xf32, #tpu.memory_space<vmem>>) target_semaphore(%run_scoped3A : memref<!tpu.dma_semaphore, #tpu.memory_space<semaphore_mem>>)
      tpu.wait_dma2 semaphore(%run_scoped3A : memref<!tpu.dma_semaphore, #tpu.memory_space<semaphore_mem>>) src(%arg3 : memref<128x128xf32, #tpu.memory_space<hbm>>) dst(%arg7 : memref<128x128xf32, #tpu.memory_space<vmem>>)
      tpu.yield
    }) : () -> ()
    "tpu.region"() ({
      %run_scoped3A = tpu.sem_alloc : memref<!tpu.dma_semaphore, #tpu.memory_space<semaphore_mem>>
      %dma_start3A = arith.constant 0 : i32
      %dma_start3A_9 = arith.constant 0 : i32
      %dma_start3A_10 = tpu.memref_slice %arg2[%add3A, %dma_start3A, %dma_start3A_9] : memref<32x79x128xi32, #tpu.memory_space<hbm>> -> memref<1x79x128xi32, #tpu.memory_space<hbm>>
      %dma_start3A_11 = tpu.memref_squeeze %dma_start3A_10 : memref<1x79x128xi32, #tpu.memory_space<hbm>> -> memref<79x128xi32, #tpu.memory_space<hbm>>
      %dma_start3A_12 = arith.constant 0 : i32
      %dma_start3A_13 = arith.constant 0 : i32
      %dma_start3A_14 = tpu.memref_slice %arg2[%add3A, %dma_start3A_12, %dma_start3A_13] : memref<32x79x128xi32, #tpu.memory_space<hbm>> -> memref<1x79x128xi32, #tpu.memory_space<hbm>>
      %dma_start3A_15 = tpu.memref_squeeze %dma_start3A_14 : memref<1x79x128xi32, #tpu.memory_space<hbm>> -> memref<79x128xi32, #tpu.memory_space<hbm>>
      tpu.enqueue_dma source(%dma_start3A_15 : memref<79x128xi32, #tpu.memory_space<hbm>>) target(%arg6 : memref<79x128xi32, #tpu.memory_space<vmem>>) target_semaphore(%run_scoped3A : memref<!tpu.dma_semaphore, #tpu.memory_space<semaphore_mem>>)
      %dma_wait3A = arith.constant 0 : i32
      %dma_wait3A_16 = arith.constant 0 : i32
      %dma_wait3A_17 = tpu.memref_slice %arg2[%add3A, %dma_wait3A, %dma_wait3A_16] : memref<32x79x128xi32, #tpu.memory_space<hbm>> -> memref<1x79x128xi32, #tpu.memory_space<hbm>>
      %dma_wait3A_18 = tpu.memref_squeeze %dma_wait3A_17 : memref<1x79x128xi32, #tpu.memory_space<hbm>> -> memref<79x128xi32, #tpu.memory_space<hbm>>
      %dma_wait3A_19 = arith.constant 0 : i32
      %dma_wait3A_20 = arith.constant 0 : i32
      %dma_wait3A_21 = tpu.memref_slice %arg2[%add3A, %dma_wait3A_19, %dma_wait3A_20] : memref<32x79x128xi32, #tpu.memory_space<hbm>> -> memref<1x79x128xi32, #tpu.memory_space<hbm>>
      %dma_wait3A_22 = tpu.memref_squeeze %dma_wait3A_21 : memref<1x79x128xi32, #tpu.memory_space<hbm>> -> memref<79x128xi32, #tpu.memory_space<hbm>>
      tpu.wait_dma2 semaphore(%run_scoped3A : memref<!tpu.dma_semaphore, #tpu.memory_space<semaphore_mem>>) src(%dma_wait3A_22 : memref<79x128xi32, #tpu.memory_space<hbm>>) dst(%arg6 : memref<79x128xi32, #tpu.memory_space<vmem>>)
      tpu.yield
    }) : () -> ()
    %barrier3A = arith.constant 0 : index
    tpu.barrier barrier_id(%barrier3A)
    %scan3A = arith.constant 0 : i32
    %scan3A_3 = arith.constant 0 : i32
    %scan3A_4 = arith.constant 79 : i32
    %scan3A_5 = arith.addi %scan3A_3, %scan3A_4 : i32
    %scan3A_6 = arith.constant 1 : i32
    scf.for %scan3A_9 = %scan3A_3 to %scan3A_5 step %scan3A_6  : i32 {
      "tpu.region"() ({
        %run_scoped3A = tpu.sem_alloc : memref<!tpu.dma_semaphore, #tpu.memory_space<semaphore_mem>>
        %dma_start3A = arith.constant 0 : i32
        %dma_start3A_10 = tpu.memref_slice %arg6[%scan3A_9, %dma_start3A] : memref<79x128xi32, #tpu.memory_space<vmem>> -> memref<1x128xi32, #tpu.memory_space<vmem>>
        %dma_start3A_11 = tpu.memref_squeeze %dma_start3A_10 : memref<1x128xi32, #tpu.memory_space<vmem>> -> memref<128xi32, #tpu.memory_space<vmem>>
        %dma_start3A_12 = arith.constant 0 : i32
        %dma_start3A_13 = arith.constant 0 : i32
        %dma_start3A_14 = tpu.memref_slice %arg8[%dma_start3A_12, %dma_start3A_13] : memref<10112x128xf32, #tpu.memory_space<vmem_shared>> -> memref<10112x128xf32, #tpu.memory_space<vmem_shared>>
        tpu.enqueue_indirect_dma source(%arg7 : memref<128x128xf32, #tpu.memory_space<vmem>>) target(%dma_start3A_14 : memref<10112x128xf32, #tpu.memory_space<vmem_shared>>) offsets(%dma_start3A_11 : memref<128xi32, #tpu.memory_space<vmem>>) semaphore(%run_scoped3A : memref<!tpu.dma_semaphore, #tpu.memory_space<semaphore_mem>>) {add = true}
        %dma_wait3A = arith.constant 0 : i32
        %dma_wait3A_15 = tpu.memref_slice %arg6[%scan3A_9, %dma_wait3A] : memref<79x128xi32, #tpu.memory_space<vmem>> -> memref<1x128xi32, #tpu.memory_space<vmem>>
        %dma_wait3A_16 = tpu.memref_squeeze %dma_wait3A_15 : memref<1x128xi32, #tpu.memory_space<vmem>> -> memref<128xi32, #tpu.memory_space<vmem>>
        %dma_wait3A_17 = arith.constant 0 : i32
        %dma_wait3A_18 = arith.constant 0 : i32
        %dma_wait3A_19 = tpu.memref_slice %arg8[%dma_wait3A_17, %dma_wait3A_18] : memref<10112x128xf32, #tpu.memory_space<vmem_shared>> -> memref<10112x128xf32, #tpu.memory_space<vmem_shared>>
        tpu.wait_indirect_dma semaphore(%run_scoped3A : memref<!tpu.dma_semaphore, #tpu.memory_space<semaphore_mem>>) src(%arg7 : memref<128x128xf32, #tpu.memory_space<vmem>>) dst(%dma_wait3A_19 : memref<10112x128xf32, #tpu.memory_space<vmem_shared>>)
        tpu.yield
      }) : () -> ()
    }
    %scan3A_7 = arith.constant 79 : i32
    %barrier3A_8 = arith.constant 0 : index
    tpu.barrier barrier_id(%barrier3A_8)
    "tpu.region"() ({
      %run_scoped3A = tpu.sem_alloc : memref<!tpu.dma_semaphore, #tpu.memory_space<semaphore_mem>>
      %dma_start3A = arith.constant 0 : i32
      %dma_start3A_9 = tpu.memref_slice %arg5[%arg0, %mul3A_2, %dma_start3A] : memref<2x10112x128xf32, #tpu.memory_space<hbm>> -> memref<1x632x128xf32, #tpu.memory_space<hbm>>
      %dma_start3A_10 = tpu.memref_squeeze %dma_start3A_9 : memref<1x632x128xf32, #tpu.memory_space<hbm>> -> memref<632x128xf32, #tpu.memory_space<hbm>>
      %dma_start3A_11 = arith.constant 0 : i32
      %dma_start3A_12 = tpu.memref_slice %arg8[%mul3A_2, %dma_start3A_11] : memref<10112x128xf32, #tpu.memory_space<vmem_shared>> -> memref<632x128xf32, #tpu.memory_space<vmem_shared>>
      tpu.enqueue_dma source(%dma_start3A_12 : memref<632x128xf32, #tpu.memory_space<vmem_shared>>) target(%dma_start3A_10 : memref<632x128xf32, #tpu.memory_space<hbm>>) target_semaphore(%run_scoped3A : memref<!tpu.dma_semaphore, #tpu.memory_space<semaphore_mem>>)
      %dma_wait3A = arith.constant 0 : i32
      %dma_wait3A_13 = tpu.memref_slice %arg5[%arg0, %mul3A_2, %dma_wait3A] : memref<2x10112x128xf32, #tpu.memory_space<hbm>> -> memref<1x632x128xf32, #tpu.memory_space<hbm>>
      %dma_wait3A_14 = tpu.memref_squeeze %dma_wait3A_13 : memref<1x632x128xf32, #tpu.memory_space<hbm>> -> memref<632x128xf32, #tpu.memory_space<hbm>>
      %dma_wait3A_15 = arith.constant 0 : i32
      %dma_wait3A_16 = tpu.memref_slice %arg8[%mul3A_2, %dma_wait3A_15] : memref<10112x128xf32, #tpu.memory_space<vmem_shared>> -> memref<632x128xf32, #tpu.memory_space<vmem_shared>>
      tpu.wait_dma2 semaphore(%run_scoped3A : memref<!tpu.dma_semaphore, #tpu.memory_space<semaphore_mem>>) src(%dma_wait3A_16 : memref<632x128xf32, #tpu.memory_space<vmem_shared>>) dst(%dma_wait3A_14 : memref<632x128xf32, #tpu.memory_space<hbm>>)
      tpu.yield
    }) : () -> ()
    return
  }
}

#map = affine_map<(d0, d1) -> (0, 0, 0)>
#map1 = affine_map<(d0, d1) -> (0)>
#map2 = affine_map<(d0, d1) -> (0, 0)>
module attributes {stable_mosaic.version = 14 : i64} {
  func.func @_sc_gather_scatter(%arg0: i32, %arg1: i32, %arg2: memref<2x10112x128xf32, #tpu.memory_space<hbm>>, %arg3: memref<346112xi32, #tpu.memory_space<hbm>>, %arg4: memref<346112xi32, #tpu.memory_space<hbm>>, %arg5: memref<10112x128xf32, #tpu.memory_space<hbm>>, %arg6: memref<2x10112x128xf32, #tpu.memory_space<hbm>>, %arg7: memref<128xi32, #tpu.memory_space<vmem>>, %arg8: memref<128xi32, #tpu.memory_space<vmem>>, %arg9: memref<128xi32, #tpu.memory_space<vmem>>, %arg10: memref<128xi32, #tpu.memory_space<vmem>>, %arg11: memref<128x128xf32, #tpu.memory_space<vmem>>, %arg12: memref<128x128xf32, #tpu.memory_space<vmem>>, %arg13: memref<10112x128xf32, #tpu.memory_space<vmem_shared>>, %arg14: memref<!tpu.dma_semaphore, #tpu.memory_space<semaphore_mem>>, %arg15: memref<!tpu.dma_semaphore, #tpu.memory_space<semaphore_mem>>, %arg16: memref<!tpu.dma_semaphore, #tpu.memory_space<semaphore_mem>>, %arg17: memref<!tpu.dma_semaphore, #tpu.memory_space<semaphore_mem>>, %arg18: memref<!tpu.dma_semaphore, #tpu.memory_space<semaphore_mem>>, %arg19: memref<!tpu.dma_semaphore, #tpu.memory_space<semaphore_mem>>, %arg20: memref<!tpu.dma_semaphore, #tpu.memory_space<semaphore_mem>>) attributes {dimension_semantics = [#tpu.dimension_semantics<core_parallel>, #tpu.dimension_semantics<subcore_parallel>], iteration_bounds = array<i64: 2, 16>, scalar_prefetch = 0 : i64, scratch_operands = 14 : i64, tpu.core_type = #tpu.core_type<sc_vector_subcore>, window_params = [{transform_indices = #map}, {transform_indices = #map1}, {transform_indices = #map1}, {transform_indices = #map2}, {transform_indices = #map}]} {
    %mul3A = arith.constant 632 : i32
    %mul3A_0 = arith.muli %arg1, %mul3A : i32
    %eq3A = arith.constant 0 : i32
    %eq3A_1 = arith.cmpi eq, %arg0, %eq3A : i32
    %mul3A_2 = arith.constant 144 : i32
    %mul3A_3 = arith.muli %arg1, %mul3A_2 : i32
    %mul3A_4 = arith.constant 16 : i32
    %mul3A_5 = arith.muli %arg1, %mul3A_4 : i32
    %add3A = arith.constant 2304 : i32
    %add3A_6 = arith.addi %add3A, %mul3A_5 : i32
    %select_n3A = arith.select %eq3A_1, %mul3A_3, %add3A_6 : i32
    %eq3A_7 = arith.constant 0 : i32
    %eq3A_8 = arith.cmpi eq, %arg0, %eq3A_7 : i32
    %jit3A = arith.constant 144 : i32
    %jit3A_9 = arith.constant 16 : i32
    %select_n3A_10 = arith.select %eq3A_8, %jit3A, %jit3A_9 : i32
    "tpu.region"() ({
      %run_scoped3A = tpu.sem_alloc : memref<!tpu.dma_semaphore, #tpu.memory_space<semaphore_mem>>
      %dma_start3A = arith.constant 0 : i32
      %dma_start3A_41 = tpu.memref_slice %arg13[%mul3A_0, %dma_start3A] : memref<10112x128xf32, #tpu.memory_space<vmem_shared>> -> memref<632x128xf32, #tpu.memory_space<vmem_shared>>
      %dma_start3A_42 = arith.constant 0 : i32
      %dma_start3A_43 = tpu.memref_slice %arg5[%mul3A_0, %dma_start3A_42] : memref<10112x128xf32, #tpu.memory_space<hbm>> -> memref<632x128xf32, #tpu.memory_space<hbm>>
      tpu.enqueue_dma source(%dma_start3A_43 : memref<632x128xf32, #tpu.memory_space<hbm>>) target(%dma_start3A_41 : memref<632x128xf32, #tpu.memory_space<vmem_shared>>) target_semaphore(%run_scoped3A : memref<!tpu.dma_semaphore, #tpu.memory_space<semaphore_mem>>)
      %dma_wait3A = arith.constant 0 : i32
      %dma_wait3A_44 = tpu.memref_slice %arg13[%mul3A_0, %dma_wait3A] : memref<10112x128xf32, #tpu.memory_space<vmem_shared>> -> memref<632x128xf32, #tpu.memory_space<vmem_shared>>
      %dma_wait3A_45 = arith.constant 0 : i32
      %dma_wait3A_46 = tpu.memref_slice %arg5[%mul3A_0, %dma_wait3A_45] : memref<10112x128xf32, #tpu.memory_space<hbm>> -> memref<632x128xf32, #tpu.memory_space<hbm>>
      tpu.wait_dma2 semaphore(%run_scoped3A : memref<!tpu.dma_semaphore, #tpu.memory_space<semaphore_mem>>) src(%dma_wait3A_46 : memref<632x128xf32, #tpu.memory_space<hbm>>) dst(%dma_wait3A_44 : memref<632x128xf32, #tpu.memory_space<vmem_shared>>)
      tpu.yield
    }) : () -> ()
    %barrier3A = arith.constant 0 : index
    tpu.barrier barrier_id(%barrier3A)
    %gt3A = arith.constant 0 : i32
    %gt3A_11 = arith.cmpi sgt, %select_n3A_10, %gt3A : i32
    %convert_element_type3A = arith.extui %gt3A_11 : i1 to i32
    %cond3A = arith.constant 0 : i32
    %cond3A_12 = arith.cmpi ne, %convert_element_type3A, %cond3A : i32
    scf.if %cond3A_12 {
      %add3A_41 = arith.constant 0 : i32
      %add3A_42 = arith.addi %select_n3A, %add3A_41 : i32
      %mul3A_43 = arith.constant 128 : i32
      %mul3A_44 = arith.muli %add3A_42, %mul3A_43 : i32
      "tpu.region"() ({
        %run_scoped3A = tpu.sem_alloc : memref<!tpu.dma_semaphore, #tpu.memory_space<semaphore_mem>>
        %dma_start3A_70 = tpu.memref_slice %arg3[%mul3A_44] : memref<346112xi32, #tpu.memory_space<hbm>> -> memref<128xi32, #tpu.memory_space<hbm>>
        %dma_start3A_71 = tpu.memref_slice %arg3[%mul3A_44] : memref<346112xi32, #tpu.memory_space<hbm>> -> memref<128xi32, #tpu.memory_space<hbm>>
        tpu.enqueue_dma source(%dma_start3A_71 : memref<128xi32, #tpu.memory_space<hbm>>) target(%arg7 : memref<128xi32, #tpu.memory_space<vmem>>) target_semaphore(%run_scoped3A : memref<!tpu.dma_semaphore, #tpu.memory_space<semaphore_mem>>)
        %dma_wait3A = tpu.memref_slice %arg3[%mul3A_44] : memref<346112xi32, #tpu.memory_space<hbm>> -> memref<128xi32, #tpu.memory_space<hbm>>
        %dma_wait3A_72 = tpu.memref_slice %arg3[%mul3A_44] : memref<346112xi32, #tpu.memory_space<hbm>> -> memref<128xi32, #tpu.memory_space<hbm>>
        tpu.wait_dma2 semaphore(%run_scoped3A : memref<!tpu.dma_semaphore, #tpu.memory_space<semaphore_mem>>) src(%dma_wait3A_72 : memref<128xi32, #tpu.memory_space<hbm>>) dst(%arg7 : memref<128xi32, #tpu.memory_space<vmem>>)
        tpu.yield
      }) : () -> ()
      %add3A_45 = arith.constant 1 : i32
      %add3A_46 = arith.addi %select_n3A, %add3A_45 : i32
      %mul3A_47 = arith.constant 128 : i32
      %mul3A_48 = arith.muli %add3A_46, %mul3A_47 : i32
      "tpu.region"() ({
        %run_scoped3A = tpu.sem_alloc : memref<!tpu.dma_semaphore, #tpu.memory_space<semaphore_mem>>
        %dma_start3A_70 = tpu.memref_slice %arg3[%mul3A_48] : memref<346112xi32, #tpu.memory_space<hbm>> -> memref<128xi32, #tpu.memory_space<hbm>>
        %dma_start3A_71 = tpu.memref_slice %arg3[%mul3A_48] : memref<346112xi32, #tpu.memory_space<hbm>> -> memref<128xi32, #tpu.memory_space<hbm>>
        tpu.enqueue_dma source(%dma_start3A_71 : memref<128xi32, #tpu.memory_space<hbm>>) target(%arg8 : memref<128xi32, #tpu.memory_space<vmem>>) target_semaphore(%run_scoped3A : memref<!tpu.dma_semaphore, #tpu.memory_space<semaphore_mem>>)
        %dma_wait3A = tpu.memref_slice %arg3[%mul3A_48] : memref<346112xi32, #tpu.memory_space<hbm>> -> memref<128xi32, #tpu.memory_space<hbm>>
        %dma_wait3A_72 = tpu.memref_slice %arg3[%mul3A_48] : memref<346112xi32, #tpu.memory_space<hbm>> -> memref<128xi32, #tpu.memory_space<hbm>>
        tpu.wait_dma2 semaphore(%run_scoped3A : memref<!tpu.dma_semaphore, #tpu.memory_space<semaphore_mem>>) src(%dma_wait3A_72 : memref<128xi32, #tpu.memory_space<hbm>>) dst(%arg8 : memref<128xi32, #tpu.memory_space<vmem>>)
        tpu.yield
      }) : () -> ()
      %add3A_49 = arith.constant 0 : i32
      %add3A_50 = arith.addi %select_n3A, %add3A_49 : i32
      %mul3A_51 = arith.constant 128 : i32
      %mul3A_52 = arith.muli %add3A_50, %mul3A_51 : i32
      "tpu.region"() ({
        %run_scoped3A = tpu.sem_alloc : memref<!tpu.dma_semaphore, #tpu.memory_space<semaphore_mem>>
        %dma_start3A_70 = tpu.memref_slice %arg4[%mul3A_52] : memref<346112xi32, #tpu.memory_space<hbm>> -> memref<128xi32, #tpu.memory_space<hbm>>
        %dma_start3A_71 = tpu.memref_slice %arg4[%mul3A_52] : memref<346112xi32, #tpu.memory_space<hbm>> -> memref<128xi32, #tpu.memory_space<hbm>>
        tpu.enqueue_dma source(%dma_start3A_71 : memref<128xi32, #tpu.memory_space<hbm>>) target(%arg9 : memref<128xi32, #tpu.memory_space<vmem>>) target_semaphore(%run_scoped3A : memref<!tpu.dma_semaphore, #tpu.memory_space<semaphore_mem>>)
        %dma_wait3A = tpu.memref_slice %arg4[%mul3A_52] : memref<346112xi32, #tpu.memory_space<hbm>> -> memref<128xi32, #tpu.memory_space<hbm>>
        %dma_wait3A_72 = tpu.memref_slice %arg4[%mul3A_52] : memref<346112xi32, #tpu.memory_space<hbm>> -> memref<128xi32, #tpu.memory_space<hbm>>
        tpu.wait_dma2 semaphore(%run_scoped3A : memref<!tpu.dma_semaphore, #tpu.memory_space<semaphore_mem>>) src(%dma_wait3A_72 : memref<128xi32, #tpu.memory_space<hbm>>) dst(%arg9 : memref<128xi32, #tpu.memory_space<vmem>>)
        tpu.yield
      }) : () -> ()
      %add3A_53 = arith.constant 1 : i32
      %add3A_54 = arith.addi %select_n3A, %add3A_53 : i32
      %mul3A_55 = arith.constant 128 : i32
      %mul3A_56 = arith.muli %add3A_54, %mul3A_55 : i32
      "tpu.region"() ({
        %run_scoped3A = tpu.sem_alloc : memref<!tpu.dma_semaphore, #tpu.memory_space<semaphore_mem>>
        %dma_start3A_70 = tpu.memref_slice %arg4[%mul3A_56] : memref<346112xi32, #tpu.memory_space<hbm>> -> memref<128xi32, #tpu.memory_space<hbm>>
        %dma_start3A_71 = tpu.memref_slice %arg4[%mul3A_56] : memref<346112xi32, #tpu.memory_space<hbm>> -> memref<128xi32, #tpu.memory_space<hbm>>
        tpu.enqueue_dma source(%dma_start3A_71 : memref<128xi32, #tpu.memory_space<hbm>>) target(%arg10 : memref<128xi32, #tpu.memory_space<vmem>>) target_semaphore(%run_scoped3A : memref<!tpu.dma_semaphore, #tpu.memory_space<semaphore_mem>>)
        %dma_wait3A = tpu.memref_slice %arg4[%mul3A_56] : memref<346112xi32, #tpu.memory_space<hbm>> -> memref<128xi32, #tpu.memory_space<hbm>>
        %dma_wait3A_72 = tpu.memref_slice %arg4[%mul3A_56] : memref<346112xi32, #tpu.memory_space<hbm>> -> memref<128xi32, #tpu.memory_space<hbm>>
        tpu.wait_dma2 semaphore(%run_scoped3A : memref<!tpu.dma_semaphore, #tpu.memory_space<semaphore_mem>>) src(%dma_wait3A_72 : memref<128xi32, #tpu.memory_space<hbm>>) dst(%arg10 : memref<128xi32, #tpu.memory_space<vmem>>)
        tpu.yield
      }) : () -> ()
      %dma_start3A = arith.constant 0 : i32
      %dma_start3A_57 = arith.constant 0 : i32
      %dma_start3A_58 = tpu.memref_slice %arg2[%arg0, %dma_start3A, %dma_start3A_57] : memref<2x10112x128xf32, #tpu.memory_space<hbm>> -> memref<1x10112x128xf32, #tpu.memory_space<hbm>>
      %dma_start3A_59 = tpu.memref_squeeze %dma_start3A_58 : memref<1x10112x128xf32, #tpu.memory_space<hbm>> -> memref<10112x128xf32, #tpu.memory_space<hbm>>
      %dma_start3A_60 = arith.constant 0 : i32
      %dma_start3A_61 = arith.constant 0 : i32
      %dma_start3A_62 = tpu.memref_slice %dma_start3A_59[%dma_start3A_60, %dma_start3A_61] : memref<10112x128xf32, #tpu.memory_space<hbm>> -> memref<10112x128xf32, #tpu.memory_space<hbm>>
      tpu.enqueue_indirect_dma source(%dma_start3A_62 : memref<10112x128xf32, #tpu.memory_space<hbm>>) target(%arg11 : memref<128x128xf32, #tpu.memory_space<vmem>>) offsets(%arg7 : memref<128xi32, #tpu.memory_space<vmem>>) semaphore(%arg14 : memref<!tpu.dma_semaphore, #tpu.memory_space<semaphore_mem>>)
      %dma_start3A_63 = arith.constant 0 : i32
      %dma_start3A_64 = arith.constant 0 : i32
      %dma_start3A_65 = tpu.memref_slice %arg2[%arg0, %dma_start3A_63, %dma_start3A_64] : memref<2x10112x128xf32, #tpu.memory_space<hbm>> -> memref<1x10112x128xf32, #tpu.memory_space<hbm>>
      %dma_start3A_66 = tpu.memref_squeeze %dma_start3A_65 : memref<1x10112x128xf32, #tpu.memory_space<hbm>> -> memref<10112x128xf32, #tpu.memory_space<hbm>>
      %dma_start3A_67 = arith.constant 0 : i32
      %dma_start3A_68 = arith.constant 0 : i32
      %dma_start3A_69 = tpu.memref_slice %dma_start3A_66[%dma_start3A_67, %dma_start3A_68] : memref<10112x128xf32, #tpu.memory_space<hbm>> -> memref<10112x128xf32, #tpu.memory_space<hbm>>
      tpu.enqueue_indirect_dma source(%dma_start3A_69 : memref<10112x128xf32, #tpu.memory_space<hbm>>) target(%arg12 : memref<128x128xf32, #tpu.memory_space<vmem>>) offsets(%arg8 : memref<128xi32, #tpu.memory_space<vmem>>) semaphore(%arg15 : memref<!tpu.dma_semaphore, #tpu.memory_space<semaphore_mem>>)
    } else {
    }
    %jit3A_13 = arith.constant 2 : i32
    %div3A = arith.divsi %select_n3A_10, %jit3A_13 : i32
    %sign3A = arith.constant 0 : i32
    %sign3A_14 = arith.cmpi sgt, %select_n3A_10, %sign3A : i32
    %sign3A_15 = arith.extui %sign3A_14 : i1 to i32
    %sign3A_16 = arith.constant 0 : i32
    %sign3A_17 = arith.cmpi slt, %select_n3A_10, %sign3A_16 : i32
    %sign3A_18 = arith.extui %sign3A_17 : i1 to i32
    %sign3A_19 = arith.subi %sign3A_15, %sign3A_18 : i32
    %sign3A_20 = arith.constant 0 : i32
    %sign3A_21 = arith.cmpi sgt, %jit3A_13, %sign3A_20 : i32
    %sign3A_22 = arith.extui %sign3A_21 : i1 to i32
    %sign3A_23 = arith.constant 0 : i32
    %sign3A_24 = arith.cmpi slt, %jit3A_13, %sign3A_23 : i32
    %sign3A_25 = arith.extui %sign3A_24 : i1 to i32
    %sign3A_26 = arith.subi %sign3A_22, %sign3A_25 : i32
    %ne3A = arith.cmpi ne, %sign3A_19, %sign3A_26 : i32
    %rem3A = arith.remsi %select_n3A_10, %jit3A_13 : i32
    %ne3A_27 = arith.constant 0 : i32
    %ne3A_28 = arith.cmpi ne, %rem3A, %ne3A_27 : i32
    %and3A = arith.andi %ne3A, %ne3A_28 : i1
    %sub3A = arith.constant 1 : i32
    %sub3A_29 = arith.subi %div3A, %sub3A : i32
    %select_n3A_30 = arith.select %and3A, %sub3A_29, %div3A : i32
    %while3A = arith.constant 0 : i32
    %while3A_31 = arith.constant 0 : i32
    %while3A_32 = arith.subi %select_n3A_30, %while3A_31 : i32
    %while3A_33 = arith.addi %while3A_31, %while3A_32 : i32
    %while3A_34 = arith.constant 1 : i32
    %while3A_35 = arith.divsi %while3A_32, %while3A_34 : i32
    %while3A_36 = arith.muli %while3A_35, %while3A_34 : i32
    %while3A_37 = arith.addi %while3A_31, %while3A_36 : i32
    %while3A_38 = arith.constant 1 : i32
    scf.for %while3A_41 = %while3A_31 to %while3A_37 step %while3A_38  : i32 {
      %mul3A_42 = arith.constant 2 : i32
      %mul3A_43 = arith.muli %while3A_41, %mul3A_42 : i32
      %add3A_44 = arith.constant 0 : i32
      %add3A_45 = arith.addi %mul3A_43, %add3A_44 : i32
      %dma_wait3A = arith.constant 0 : i32
      %dma_wait3A_46 = arith.constant 0 : i32
      %dma_wait3A_47 = tpu.memref_slice %arg2[%arg0, %dma_wait3A, %dma_wait3A_46] : memref<2x10112x128xf32, #tpu.memory_space<hbm>> -> memref<1x10112x128xf32, #tpu.memory_space<hbm>>
      %dma_wait3A_48 = tpu.memref_squeeze %dma_wait3A_47 : memref<1x10112x128xf32, #tpu.memory_space<hbm>> -> memref<10112x128xf32, #tpu.memory_space<hbm>>
      %dma_wait3A_49 = arith.constant 0 : i32
      %dma_wait3A_50 = arith.constant 0 : i32
      %dma_wait3A_51 = tpu.memref_slice %dma_wait3A_48[%dma_wait3A_49, %dma_wait3A_50] : memref<10112x128xf32, #tpu.memory_space<hbm>> -> memref<10112x128xf32, #tpu.memory_space<hbm>>
      tpu.wait_indirect_dma semaphore(%arg14 : memref<!tpu.dma_semaphore, #tpu.memory_space<semaphore_mem>>) src(%dma_wait3A_51 : memref<10112x128xf32, #tpu.memory_space<hbm>>) dst(%arg11 : memref<128x128xf32, #tpu.memory_space<vmem>>)
      %ge3A = arith.constant 2 : i32
      %ge3A_52 = arith.cmpi sge, %add3A_45, %ge3A : i32
      %convert_element_type3A_53 = arith.extui %ge3A_52 : i1 to i32
      %cond3A_54 = arith.constant 0 : i32
      %cond3A_55 = arith.cmpi ne, %convert_element_type3A_53, %cond3A_54 : i32
      scf.if %cond3A_55 {
        %add3A_104 = arith.addi %select_n3A, %add3A_45 : i32
        %mul3A_105 = arith.constant 128 : i32
        %mul3A_106 = arith.muli %add3A_104, %mul3A_105 : i32
        %dma_wait3A_107 = tpu.memref_slice %arg4[%mul3A_106] : memref<346112xi32, #tpu.memory_space<hbm>> -> memref<128xi32, #tpu.memory_space<hbm>>
        %dma_wait3A_108 = tpu.memref_slice %arg4[%mul3A_106] : memref<346112xi32, #tpu.memory_space<hbm>> -> memref<128xi32, #tpu.memory_space<hbm>>
        tpu.wait_dma2 semaphore(%arg18 : memref<!tpu.dma_semaphore, #tpu.memory_space<semaphore_mem>>) src(%dma_wait3A_108 : memref<128xi32, #tpu.memory_space<hbm>>) dst(%arg9 : memref<128xi32, #tpu.memory_space<vmem>>)
      } else {
      }
      %dma_start3A = arith.constant 0 : i32
      %dma_start3A_56 = arith.constant 0 : i32
      %dma_start3A_57 = tpu.memref_slice %arg13[%dma_start3A, %dma_start3A_56] : memref<10112x128xf32, #tpu.memory_space<vmem_shared>> -> memref<10112x128xf32, #tpu.memory_space<vmem_shared>>
      tpu.enqueue_indirect_dma source(%arg11 : memref<128x128xf32, #tpu.memory_space<vmem>>) target(%dma_start3A_57 : memref<10112x128xf32, #tpu.memory_space<vmem_shared>>) offsets(%arg9 : memref<128xi32, #tpu.memory_space<vmem>>) semaphore(%arg20 : memref<!tpu.dma_semaphore, #tpu.memory_space<semaphore_mem>>) {add = true}
      %add3A_58 = arith.constant 2 : i32
      %add3A_59 = arith.addi %add3A_45, %add3A_58 : i32
      %lt3A = arith.cmpi slt, %add3A_59, %select_n3A_10 : i32
      %convert_element_type3A_60 = arith.extui %lt3A : i1 to i32
      %cond3A_61 = arith.constant 0 : i32
      %cond3A_62 = arith.cmpi ne, %convert_element_type3A_60, %cond3A_61 : i32
      scf.if %cond3A_62 {
        %add3A_104 = arith.constant 2 : i32
        %add3A_105 = arith.addi %add3A_45, %add3A_104 : i32
        %add3A_106 = arith.addi %select_n3A, %add3A_105 : i32
        %mul3A_107 = arith.constant 128 : i32
        %mul3A_108 = arith.muli %add3A_106, %mul3A_107 : i32
        %dma_start3A_109 = tpu.memref_slice %arg3[%mul3A_108] : memref<346112xi32, #tpu.memory_space<hbm>> -> memref<128xi32, #tpu.memory_space<hbm>>
        %dma_start3A_110 = tpu.memref_slice %arg3[%mul3A_108] : memref<346112xi32, #tpu.memory_space<hbm>> -> memref<128xi32, #tpu.memory_space<hbm>>
        tpu.enqueue_dma source(%dma_start3A_110 : memref<128xi32, #tpu.memory_space<hbm>>) target(%arg7 : memref<128xi32, #tpu.memory_space<vmem>>) target_semaphore(%arg16 : memref<!tpu.dma_semaphore, #tpu.memory_space<semaphore_mem>>)
      } else {
      }
      %dma_wait3A_63 = arith.constant 0 : i32
      %dma_wait3A_64 = arith.constant 0 : i32
      %dma_wait3A_65 = tpu.memref_slice %arg13[%dma_wait3A_63, %dma_wait3A_64] : memref<10112x128xf32, #tpu.memory_space<vmem_shared>> -> memref<10112x128xf32, #tpu.memory_space<vmem_shared>>
      tpu.wait_indirect_dma semaphore(%arg20 : memref<!tpu.dma_semaphore, #tpu.memory_space<semaphore_mem>>) src(%arg11 : memref<128x128xf32, #tpu.memory_space<vmem>>) dst(%dma_wait3A_65 : memref<10112x128xf32, #tpu.memory_space<vmem_shared>>)
      %add3A_66 = arith.constant 2 : i32
      %add3A_67 = arith.addi %add3A_45, %add3A_66 : i32
      %lt3A_68 = arith.cmpi slt, %add3A_67, %select_n3A_10 : i32
      %convert_element_type3A_69 = arith.extui %lt3A_68 : i1 to i32
      %cond3A_70 = arith.constant 0 : i32
      %cond3A_71 = arith.cmpi ne, %convert_element_type3A_69, %cond3A_70 : i32
      scf.if %cond3A_71 {
        %add3A_104 = arith.constant 2 : i32
        %add3A_105 = arith.addi %add3A_45, %add3A_104 : i32
        %add3A_106 = arith.addi %select_n3A, %add3A_105 : i32
        %mul3A_107 = arith.constant 128 : i32
        %mul3A_108 = arith.muli %add3A_106, %mul3A_107 : i32
        %dma_start3A_109 = tpu.memref_slice %arg4[%mul3A_108] : memref<346112xi32, #tpu.memory_space<hbm>> -> memref<128xi32, #tpu.memory_space<hbm>>
        %dma_start3A_110 = tpu.memref_slice %arg4[%mul3A_108] : memref<346112xi32, #tpu.memory_space<hbm>> -> memref<128xi32, #tpu.memory_space<hbm>>
        tpu.enqueue_dma source(%dma_start3A_110 : memref<128xi32, #tpu.memory_space<hbm>>) target(%arg9 : memref<128xi32, #tpu.memory_space<vmem>>) target_semaphore(%arg18 : memref<!tpu.dma_semaphore, #tpu.memory_space<semaphore_mem>>)
        %add3A_111 = arith.constant 2 : i32
        %add3A_112 = arith.addi %add3A_45, %add3A_111 : i32
        %add3A_113 = arith.addi %select_n3A, %add3A_112 : i32
        %mul3A_114 = arith.constant 128 : i32
        %mul3A_115 = arith.muli %add3A_113, %mul3A_114 : i32
        %dma_wait3A_116 = tpu.memref_slice %arg3[%mul3A_115] : memref<346112xi32, #tpu.memory_space<hbm>> -> memref<128xi32, #tpu.memory_space<hbm>>
        %dma_wait3A_117 = tpu.memref_slice %arg3[%mul3A_115] : memref<346112xi32, #tpu.memory_space<hbm>> -> memref<128xi32, #tpu.memory_space<hbm>>
        tpu.wait_dma2 semaphore(%arg16 : memref<!tpu.dma_semaphore, #tpu.memory_space<semaphore_mem>>) src(%dma_wait3A_117 : memref<128xi32, #tpu.memory_space<hbm>>) dst(%arg7 : memref<128xi32, #tpu.memory_space<vmem>>)
        %dma_start3A_118 = arith.constant 0 : i32
        %dma_start3A_119 = arith.constant 0 : i32
        %dma_start3A_120 = tpu.memref_slice %arg2[%arg0, %dma_start3A_118, %dma_start3A_119] : memref<2x10112x128xf32, #tpu.memory_space<hbm>> -> memref<1x10112x128xf32, #tpu.memory_space<hbm>>
        %dma_start3A_121 = tpu.memref_squeeze %dma_start3A_120 : memref<1x10112x128xf32, #tpu.memory_space<hbm>> -> memref<10112x128xf32, #tpu.memory_space<hbm>>
        %dma_start3A_122 = arith.constant 0 : i32
        %dma_start3A_123 = arith.constant 0 : i32
        %dma_start3A_124 = tpu.memref_slice %dma_start3A_121[%dma_start3A_122, %dma_start3A_123] : memref<10112x128xf32, #tpu.memory_space<hbm>> -> memref<10112x128xf32, #tpu.memory_space<hbm>>
        tpu.enqueue_indirect_dma source(%dma_start3A_124 : memref<10112x128xf32, #tpu.memory_space<hbm>>) target(%arg11 : memref<128x128xf32, #tpu.memory_space<vmem>>) offsets(%arg7 : memref<128xi32, #tpu.memory_space<vmem>>) semaphore(%arg14 : memref<!tpu.dma_semaphore, #tpu.memory_space<semaphore_mem>>)
      } else {
      }
      %add3A_72 = arith.constant 1 : i32
      %add3A_73 = arith.addi %mul3A_43, %add3A_72 : i32
      %dma_wait3A_74 = arith.constant 0 : i32
      %dma_wait3A_75 = arith.constant 0 : i32
      %dma_wait3A_76 = tpu.memref_slice %arg2[%arg0, %dma_wait3A_74, %dma_wait3A_75] : memref<2x10112x128xf32, #tpu.memory_space<hbm>> -> memref<1x10112x128xf32, #tpu.memory_space<hbm>>
      %dma_wait3A_77 = tpu.memref_squeeze %dma_wait3A_76 : memref<1x10112x128xf32, #tpu.memory_space<hbm>> -> memref<10112x128xf32, #tpu.memory_space<hbm>>
      %dma_wait3A_78 = arith.constant 0 : i32
      %dma_wait3A_79 = arith.constant 0 : i32
      %dma_wait3A_80 = tpu.memref_slice %dma_wait3A_77[%dma_wait3A_78, %dma_wait3A_79] : memref<10112x128xf32, #tpu.memory_space<hbm>> -> memref<10112x128xf32, #tpu.memory_space<hbm>>
      tpu.wait_indirect_dma semaphore(%arg15 : memref<!tpu.dma_semaphore, #tpu.memory_space<semaphore_mem>>) src(%dma_wait3A_80 : memref<10112x128xf32, #tpu.memory_space<hbm>>) dst(%arg12 : memref<128x128xf32, #tpu.memory_space<vmem>>)
      %ge3A_81 = arith.constant 2 : i32
      %ge3A_82 = arith.cmpi sge, %add3A_73, %ge3A_81 : i32
      %convert_element_type3A_83 = arith.extui %ge3A_82 : i1 to i32
      %cond3A_84 = arith.constant 0 : i32
      %cond3A_85 = arith.cmpi ne, %convert_element_type3A_83, %cond3A_84 : i32
      scf.if %cond3A_85 {
        %add3A_104 = arith.addi %select_n3A, %add3A_73 : i32
        %mul3A_105 = arith.constant 128 : i32
        %mul3A_106 = arith.muli %add3A_104, %mul3A_105 : i32
        %dma_wait3A_107 = tpu.memref_slice %arg4[%mul3A_106] : memref<346112xi32, #tpu.memory_space<hbm>> -> memref<128xi32, #tpu.memory_space<hbm>>
        %dma_wait3A_108 = tpu.memref_slice %arg4[%mul3A_106] : memref<346112xi32, #tpu.memory_space<hbm>> -> memref<128xi32, #tpu.memory_space<hbm>>
        tpu.wait_dma2 semaphore(%arg19 : memref<!tpu.dma_semaphore, #tpu.memory_space<semaphore_mem>>) src(%dma_wait3A_108 : memref<128xi32, #tpu.memory_space<hbm>>) dst(%arg10 : memref<128xi32, #tpu.memory_space<vmem>>)
      } else {
      }
      %dma_start3A_86 = arith.constant 0 : i32
      %dma_start3A_87 = arith.constant 0 : i32
      %dma_start3A_88 = tpu.memref_slice %arg13[%dma_start3A_86, %dma_start3A_87] : memref<10112x128xf32, #tpu.memory_space<vmem_shared>> -> memref<10112x128xf32, #tpu.memory_space<vmem_shared>>
      tpu.enqueue_indirect_dma source(%arg12 : memref<128x128xf32, #tpu.memory_space<vmem>>) target(%dma_start3A_88 : memref<10112x128xf32, #tpu.memory_space<vmem_shared>>) offsets(%arg10 : memref<128xi32, #tpu.memory_space<vmem>>) semaphore(%arg20 : memref<!tpu.dma_semaphore, #tpu.memory_space<semaphore_mem>>) {add = true}
      %add3A_89 = arith.constant 2 : i32
      %add3A_90 = arith.addi %add3A_73, %add3A_89 : i32
      %lt3A_91 = arith.cmpi slt, %add3A_90, %select_n3A_10 : i32
      %convert_element_type3A_92 = arith.extui %lt3A_91 : i1 to i32
      %cond3A_93 = arith.constant 0 : i32
      %cond3A_94 = arith.cmpi ne, %convert_element_type3A_92, %cond3A_93 : i32
      scf.if %cond3A_94 {
        %add3A_104 = arith.constant 2 : i32
        %add3A_105 = arith.addi %add3A_73, %add3A_104 : i32
        %add3A_106 = arith.addi %select_n3A, %add3A_105 : i32
        %mul3A_107 = arith.constant 128 : i32
        %mul3A_108 = arith.muli %add3A_106, %mul3A_107 : i32
        %dma_start3A_109 = tpu.memref_slice %arg3[%mul3A_108] : memref<346112xi32, #tpu.memory_space<hbm>> -> memref<128xi32, #tpu.memory_space<hbm>>
        %dma_start3A_110 = tpu.memref_slice %arg3[%mul3A_108] : memref<346112xi32, #tpu.memory_space<hbm>> -> memref<128xi32, #tpu.memory_space<hbm>>
        tpu.enqueue_dma source(%dma_start3A_110 : memref<128xi32, #tpu.memory_space<hbm>>) target(%arg8 : memref<128xi32, #tpu.memory_space<vmem>>) target_semaphore(%arg17 : memref<!tpu.dma_semaphore, #tpu.memory_space<semaphore_mem>>)
      } else {
      }
      %dma_wait3A_95 = arith.constant 0 : i32
      %dma_wait3A_96 = arith.constant 0 : i32
      %dma_wait3A_97 = tpu.memref_slice %arg13[%dma_wait3A_95, %dma_wait3A_96] : memref<10112x128xf32, #tpu.memory_space<vmem_shared>> -> memref<10112x128xf32, #tpu.memory_space<vmem_shared>>
      tpu.wait_indirect_dma semaphore(%arg20 : memref<!tpu.dma_semaphore, #tpu.memory_space<semaphore_mem>>) src(%arg12 : memref<128x128xf32, #tpu.memory_space<vmem>>) dst(%dma_wait3A_97 : memref<10112x128xf32, #tpu.memory_space<vmem_shared>>)
      %add3A_98 = arith.constant 2 : i32
      %add3A_99 = arith.addi %add3A_73, %add3A_98 : i32
      %lt3A_100 = arith.cmpi slt, %add3A_99, %select_n3A_10 : i32
      %convert_element_type3A_101 = arith.extui %lt3A_100 : i1 to i32
      %cond3A_102 = arith.constant 0 : i32
      %cond3A_103 = arith.cmpi ne, %convert_element_type3A_101, %cond3A_102 : i32
      scf.if %cond3A_103 {
        %add3A_104 = arith.constant 2 : i32
        %add3A_105 = arith.addi %add3A_73, %add3A_104 : i32
        %add3A_106 = arith.addi %select_n3A, %add3A_105 : i32
        %mul3A_107 = arith.constant 128 : i32
        %mul3A_108 = arith.muli %add3A_106, %mul3A_107 : i32
        %dma_start3A_109 = tpu.memref_slice %arg4[%mul3A_108] : memref<346112xi32, #tpu.memory_space<hbm>> -> memref<128xi32, #tpu.memory_space<hbm>>
        %dma_start3A_110 = tpu.memref_slice %arg4[%mul3A_108] : memref<346112xi32, #tpu.memory_space<hbm>> -> memref<128xi32, #tpu.memory_space<hbm>>
        tpu.enqueue_dma source(%dma_start3A_110 : memref<128xi32, #tpu.memory_space<hbm>>) target(%arg10 : memref<128xi32, #tpu.memory_space<vmem>>) target_semaphore(%arg19 : memref<!tpu.dma_semaphore, #tpu.memory_space<semaphore_mem>>)
        %add3A_111 = arith.constant 2 : i32
        %add3A_112 = arith.addi %add3A_73, %add3A_111 : i32
        %add3A_113 = arith.addi %select_n3A, %add3A_112 : i32
        %mul3A_114 = arith.constant 128 : i32
        %mul3A_115 = arith.muli %add3A_113, %mul3A_114 : i32
        %dma_wait3A_116 = tpu.memref_slice %arg3[%mul3A_115] : memref<346112xi32, #tpu.memory_space<hbm>> -> memref<128xi32, #tpu.memory_space<hbm>>
        %dma_wait3A_117 = tpu.memref_slice %arg3[%mul3A_115] : memref<346112xi32, #tpu.memory_space<hbm>> -> memref<128xi32, #tpu.memory_space<hbm>>
        tpu.wait_dma2 semaphore(%arg17 : memref<!tpu.dma_semaphore, #tpu.memory_space<semaphore_mem>>) src(%dma_wait3A_117 : memref<128xi32, #tpu.memory_space<hbm>>) dst(%arg8 : memref<128xi32, #tpu.memory_space<vmem>>)
        %dma_start3A_118 = arith.constant 0 : i32
        %dma_start3A_119 = arith.constant 0 : i32
        %dma_start3A_120 = tpu.memref_slice %arg2[%arg0, %dma_start3A_118, %dma_start3A_119] : memref<2x10112x128xf32, #tpu.memory_space<hbm>> -> memref<1x10112x128xf32, #tpu.memory_space<hbm>>
        %dma_start3A_121 = tpu.memref_squeeze %dma_start3A_120 : memref<1x10112x128xf32, #tpu.memory_space<hbm>> -> memref<10112x128xf32, #tpu.memory_space<hbm>>
        %dma_start3A_122 = arith.constant 0 : i32
        %dma_start3A_123 = arith.constant 0 : i32
        %dma_start3A_124 = tpu.memref_slice %dma_start3A_121[%dma_start3A_122, %dma_start3A_123] : memref<10112x128xf32, #tpu.memory_space<hbm>> -> memref<10112x128xf32, #tpu.memory_space<hbm>>
        tpu.enqueue_indirect_dma source(%dma_start3A_124 : memref<10112x128xf32, #tpu.memory_space<hbm>>) target(%arg12 : memref<128x128xf32, #tpu.memory_space<vmem>>) offsets(%arg8 : memref<128xi32, #tpu.memory_space<vmem>>) semaphore(%arg15 : memref<!tpu.dma_semaphore, #tpu.memory_space<semaphore_mem>>)
      } else {
      }
    }
    %while3A_39 = arith.constant 1 : i32
    scf.for %while3A_41 = %while3A_37 to %while3A_33 step %while3A_39  : i32 {
      %mul3A_42 = arith.constant 2 : i32
      %mul3A_43 = arith.muli %while3A_41, %mul3A_42 : i32
      %add3A_44 = arith.constant 0 : i32
      %add3A_45 = arith.addi %mul3A_43, %add3A_44 : i32
      %dma_wait3A = arith.constant 0 : i32
      %dma_wait3A_46 = arith.constant 0 : i32
      %dma_wait3A_47 = tpu.memref_slice %arg2[%arg0, %dma_wait3A, %dma_wait3A_46] : memref<2x10112x128xf32, #tpu.memory_space<hbm>> -> memref<1x10112x128xf32, #tpu.memory_space<hbm>>
      %dma_wait3A_48 = tpu.memref_squeeze %dma_wait3A_47 : memref<1x10112x128xf32, #tpu.memory_space<hbm>> -> memref<10112x128xf32, #tpu.memory_space<hbm>>
      %dma_wait3A_49 = arith.constant 0 : i32
      %dma_wait3A_50 = arith.constant 0 : i32
      %dma_wait3A_51 = tpu.memref_slice %dma_wait3A_48[%dma_wait3A_49, %dma_wait3A_50] : memref<10112x128xf32, #tpu.memory_space<hbm>> -> memref<10112x128xf32, #tpu.memory_space<hbm>>
      tpu.wait_indirect_dma semaphore(%arg14 : memref<!tpu.dma_semaphore, #tpu.memory_space<semaphore_mem>>) src(%dma_wait3A_51 : memref<10112x128xf32, #tpu.memory_space<hbm>>) dst(%arg11 : memref<128x128xf32, #tpu.memory_space<vmem>>)
      %ge3A = arith.constant 2 : i32
      %ge3A_52 = arith.cmpi sge, %add3A_45, %ge3A : i32
      %convert_element_type3A_53 = arith.extui %ge3A_52 : i1 to i32
      %cond3A_54 = arith.constant 0 : i32
      %cond3A_55 = arith.cmpi ne, %convert_element_type3A_53, %cond3A_54 : i32
      scf.if %cond3A_55 {
        %add3A_104 = arith.addi %select_n3A, %add3A_45 : i32
        %mul3A_105 = arith.constant 128 : i32
        %mul3A_106 = arith.muli %add3A_104, %mul3A_105 : i32
        %dma_wait3A_107 = tpu.memref_slice %arg4[%mul3A_106] : memref<346112xi32, #tpu.memory_space<hbm>> -> memref<128xi32, #tpu.memory_space<hbm>>
        %dma_wait3A_108 = tpu.memref_slice %arg4[%mul3A_106] : memref<346112xi32, #tpu.memory_space<hbm>> -> memref<128xi32, #tpu.memory_space<hbm>>
        tpu.wait_dma2 semaphore(%arg18 : memref<!tpu.dma_semaphore, #tpu.memory_space<semaphore_mem>>) src(%dma_wait3A_108 : memref<128xi32, #tpu.memory_space<hbm>>) dst(%arg9 : memref<128xi32, #tpu.memory_space<vmem>>)
      } else {
      }
      %dma_start3A = arith.constant 0 : i32
      %dma_start3A_56 = arith.constant 0 : i32
      %dma_start3A_57 = tpu.memref_slice %arg13[%dma_start3A, %dma_start3A_56] : memref<10112x128xf32, #tpu.memory_space<vmem_shared>> -> memref<10112x128xf32, #tpu.memory_space<vmem_shared>>
      tpu.enqueue_indirect_dma source(%arg11 : memref<128x128xf32, #tpu.memory_space<vmem>>) target(%dma_start3A_57 : memref<10112x128xf32, #tpu.memory_space<vmem_shared>>) offsets(%arg9 : memref<128xi32, #tpu.memory_space<vmem>>) semaphore(%arg20 : memref<!tpu.dma_semaphore, #tpu.memory_space<semaphore_mem>>) {add = true}
      %add3A_58 = arith.constant 2 : i32
      %add3A_59 = arith.addi %add3A_45, %add3A_58 : i32
      %lt3A = arith.cmpi slt, %add3A_59, %select_n3A_10 : i32
      %convert_element_type3A_60 = arith.extui %lt3A : i1 to i32
      %cond3A_61 = arith.constant 0 : i32
      %cond3A_62 = arith.cmpi ne, %convert_element_type3A_60, %cond3A_61 : i32
      scf.if %cond3A_62 {
        %add3A_104 = arith.constant 2 : i32
        %add3A_105 = arith.addi %add3A_45, %add3A_104 : i32
        %add3A_106 = arith.addi %select_n3A, %add3A_105 : i32
        %mul3A_107 = arith.constant 128 : i32
        %mul3A_108 = arith.muli %add3A_106, %mul3A_107 : i32
        %dma_start3A_109 = tpu.memref_slice %arg3[%mul3A_108] : memref<346112xi32, #tpu.memory_space<hbm>> -> memref<128xi32, #tpu.memory_space<hbm>>
        %dma_start3A_110 = tpu.memref_slice %arg3[%mul3A_108] : memref<346112xi32, #tpu.memory_space<hbm>> -> memref<128xi32, #tpu.memory_space<hbm>>
        tpu.enqueue_dma source(%dma_start3A_110 : memref<128xi32, #tpu.memory_space<hbm>>) target(%arg7 : memref<128xi32, #tpu.memory_space<vmem>>) target_semaphore(%arg16 : memref<!tpu.dma_semaphore, #tpu.memory_space<semaphore_mem>>)
      } else {
      }
      %dma_wait3A_63 = arith.constant 0 : i32
      %dma_wait3A_64 = arith.constant 0 : i32
      %dma_wait3A_65 = tpu.memref_slice %arg13[%dma_wait3A_63, %dma_wait3A_64] : memref<10112x128xf32, #tpu.memory_space<vmem_shared>> -> memref<10112x128xf32, #tpu.memory_space<vmem_shared>>
      tpu.wait_indirect_dma semaphore(%arg20 : memref<!tpu.dma_semaphore, #tpu.memory_space<semaphore_mem>>) src(%arg11 : memref<128x128xf32, #tpu.memory_space<vmem>>) dst(%dma_wait3A_65 : memref<10112x128xf32, #tpu.memory_space<vmem_shared>>)
      %add3A_66 = arith.constant 2 : i32
      %add3A_67 = arith.addi %add3A_45, %add3A_66 : i32
      %lt3A_68 = arith.cmpi slt, %add3A_67, %select_n3A_10 : i32
      %convert_element_type3A_69 = arith.extui %lt3A_68 : i1 to i32
      %cond3A_70 = arith.constant 0 : i32
      %cond3A_71 = arith.cmpi ne, %convert_element_type3A_69, %cond3A_70 : i32
      scf.if %cond3A_71 {
        %add3A_104 = arith.constant 2 : i32
        %add3A_105 = arith.addi %add3A_45, %add3A_104 : i32
        %add3A_106 = arith.addi %select_n3A, %add3A_105 : i32
        %mul3A_107 = arith.constant 128 : i32
        %mul3A_108 = arith.muli %add3A_106, %mul3A_107 : i32
        %dma_start3A_109 = tpu.memref_slice %arg4[%mul3A_108] : memref<346112xi32, #tpu.memory_space<hbm>> -> memref<128xi32, #tpu.memory_space<hbm>>
        %dma_start3A_110 = tpu.memref_slice %arg4[%mul3A_108] : memref<346112xi32, #tpu.memory_space<hbm>> -> memref<128xi32, #tpu.memory_space<hbm>>
        tpu.enqueue_dma source(%dma_start3A_110 : memref<128xi32, #tpu.memory_space<hbm>>) target(%arg9 : memref<128xi32, #tpu.memory_space<vmem>>) target_semaphore(%arg18 : memref<!tpu.dma_semaphore, #tpu.memory_space<semaphore_mem>>)
        %add3A_111 = arith.constant 2 : i32
        %add3A_112 = arith.addi %add3A_45, %add3A_111 : i32
        %add3A_113 = arith.addi %select_n3A, %add3A_112 : i32
        %mul3A_114 = arith.constant 128 : i32
        %mul3A_115 = arith.muli %add3A_113, %mul3A_114 : i32
        %dma_wait3A_116 = tpu.memref_slice %arg3[%mul3A_115] : memref<346112xi32, #tpu.memory_space<hbm>> -> memref<128xi32, #tpu.memory_space<hbm>>
        %dma_wait3A_117 = tpu.memref_slice %arg3[%mul3A_115] : memref<346112xi32, #tpu.memory_space<hbm>> -> memref<128xi32, #tpu.memory_space<hbm>>
        tpu.wait_dma2 semaphore(%arg16 : memref<!tpu.dma_semaphore, #tpu.memory_space<semaphore_mem>>) src(%dma_wait3A_117 : memref<128xi32, #tpu.memory_space<hbm>>) dst(%arg7 : memref<128xi32, #tpu.memory_space<vmem>>)
        %dma_start3A_118 = arith.constant 0 : i32
        %dma_start3A_119 = arith.constant 0 : i32
        %dma_start3A_120 = tpu.memref_slice %arg2[%arg0, %dma_start3A_118, %dma_start3A_119] : memref<2x10112x128xf32, #tpu.memory_space<hbm>> -> memref<1x10112x128xf32, #tpu.memory_space<hbm>>
        %dma_start3A_121 = tpu.memref_squeeze %dma_start3A_120 : memref<1x10112x128xf32, #tpu.memory_space<hbm>> -> memref<10112x128xf32, #tpu.memory_space<hbm>>
        %dma_start3A_122 = arith.constant 0 : i32
        %dma_start3A_123 = arith.constant 0 : i32
        %dma_start3A_124 = tpu.memref_slice %dma_start3A_121[%dma_start3A_122, %dma_start3A_123] : memref<10112x128xf32, #tpu.memory_space<hbm>> -> memref<10112x128xf32, #tpu.memory_space<hbm>>
        tpu.enqueue_indirect_dma source(%dma_start3A_124 : memref<10112x128xf32, #tpu.memory_space<hbm>>) target(%arg11 : memref<128x128xf32, #tpu.memory_space<vmem>>) offsets(%arg7 : memref<128xi32, #tpu.memory_space<vmem>>) semaphore(%arg14 : memref<!tpu.dma_semaphore, #tpu.memory_space<semaphore_mem>>)
      } else {
      }
      %add3A_72 = arith.constant 1 : i32
      %add3A_73 = arith.addi %mul3A_43, %add3A_72 : i32
      %dma_wait3A_74 = arith.constant 0 : i32
      %dma_wait3A_75 = arith.constant 0 : i32
      %dma_wait3A_76 = tpu.memref_slice %arg2[%arg0, %dma_wait3A_74, %dma_wait3A_75] : memref<2x10112x128xf32, #tpu.memory_space<hbm>> -> memref<1x10112x128xf32, #tpu.memory_space<hbm>>
      %dma_wait3A_77 = tpu.memref_squeeze %dma_wait3A_76 : memref<1x10112x128xf32, #tpu.memory_space<hbm>> -> memref<10112x128xf32, #tpu.memory_space<hbm>>
      %dma_wait3A_78 = arith.constant 0 : i32
      %dma_wait3A_79 = arith.constant 0 : i32
      %dma_wait3A_80 = tpu.memref_slice %dma_wait3A_77[%dma_wait3A_78, %dma_wait3A_79] : memref<10112x128xf32, #tpu.memory_space<hbm>> -> memref<10112x128xf32, #tpu.memory_space<hbm>>
      tpu.wait_indirect_dma semaphore(%arg15 : memref<!tpu.dma_semaphore, #tpu.memory_space<semaphore_mem>>) src(%dma_wait3A_80 : memref<10112x128xf32, #tpu.memory_space<hbm>>) dst(%arg12 : memref<128x128xf32, #tpu.memory_space<vmem>>)
      %ge3A_81 = arith.constant 2 : i32
      %ge3A_82 = arith.cmpi sge, %add3A_73, %ge3A_81 : i32
      %convert_element_type3A_83 = arith.extui %ge3A_82 : i1 to i32
      %cond3A_84 = arith.constant 0 : i32
      %cond3A_85 = arith.cmpi ne, %convert_element_type3A_83, %cond3A_84 : i32
      scf.if %cond3A_85 {
        %add3A_104 = arith.addi %select_n3A, %add3A_73 : i32
        %mul3A_105 = arith.constant 128 : i32
        %mul3A_106 = arith.muli %add3A_104, %mul3A_105 : i32
        %dma_wait3A_107 = tpu.memref_slice %arg4[%mul3A_106] : memref<346112xi32, #tpu.memory_space<hbm>> -> memref<128xi32, #tpu.memory_space<hbm>>
        %dma_wait3A_108 = tpu.memref_slice %arg4[%mul3A_106] : memref<346112xi32, #tpu.memory_space<hbm>> -> memref<128xi32, #tpu.memory_space<hbm>>
        tpu.wait_dma2 semaphore(%arg19 : memref<!tpu.dma_semaphore, #tpu.memory_space<semaphore_mem>>) src(%dma_wait3A_108 : memref<128xi32, #tpu.memory_space<hbm>>) dst(%arg10 : memref<128xi32, #tpu.memory_space<vmem>>)
      } else {
      }
      %dma_start3A_86 = arith.constant 0 : i32
      %dma_start3A_87 = arith.constant 0 : i32
      %dma_start3A_88 = tpu.memref_slice %arg13[%dma_start3A_86, %dma_start3A_87] : memref<10112x128xf32, #tpu.memory_space<vmem_shared>> -> memref<10112x128xf32, #tpu.memory_space<vmem_shared>>
      tpu.enqueue_indirect_dma source(%arg12 : memref<128x128xf32, #tpu.memory_space<vmem>>) target(%dma_start3A_88 : memref<10112x128xf32, #tpu.memory_space<vmem_shared>>) offsets(%arg10 : memref<128xi32, #tpu.memory_space<vmem>>) semaphore(%arg20 : memref<!tpu.dma_semaphore, #tpu.memory_space<semaphore_mem>>) {add = true}
      %add3A_89 = arith.constant 2 : i32
      %add3A_90 = arith.addi %add3A_73, %add3A_89 : i32
      %lt3A_91 = arith.cmpi slt, %add3A_90, %select_n3A_10 : i32
      %convert_element_type3A_92 = arith.extui %lt3A_91 : i1 to i32
      %cond3A_93 = arith.constant 0 : i32
      %cond3A_94 = arith.cmpi ne, %convert_element_type3A_92, %cond3A_93 : i32
      scf.if %cond3A_94 {
        %add3A_104 = arith.constant 2 : i32
        %add3A_105 = arith.addi %add3A_73, %add3A_104 : i32
        %add3A_106 = arith.addi %select_n3A, %add3A_105 : i32
        %mul3A_107 = arith.constant 128 : i32
        %mul3A_108 = arith.muli %add3A_106, %mul3A_107 : i32
        %dma_start3A_109 = tpu.memref_slice %arg3[%mul3A_108] : memref<346112xi32, #tpu.memory_space<hbm>> -> memref<128xi32, #tpu.memory_space<hbm>>
        %dma_start3A_110 = tpu.memref_slice %arg3[%mul3A_108] : memref<346112xi32, #tpu.memory_space<hbm>> -> memref<128xi32, #tpu.memory_space<hbm>>
        tpu.enqueue_dma source(%dma_start3A_110 : memref<128xi32, #tpu.memory_space<hbm>>) target(%arg8 : memref<128xi32, #tpu.memory_space<vmem>>) target_semaphore(%arg17 : memref<!tpu.dma_semaphore, #tpu.memory_space<semaphore_mem>>)
      } else {
      }
      %dma_wait3A_95 = arith.constant 0 : i32
      %dma_wait3A_96 = arith.constant 0 : i32
      %dma_wait3A_97 = tpu.memref_slice %arg13[%dma_wait3A_95, %dma_wait3A_96] : memref<10112x128xf32, #tpu.memory_space<vmem_shared>> -> memref<10112x128xf32, #tpu.memory_space<vmem_shared>>
      tpu.wait_indirect_dma semaphore(%arg20 : memref<!tpu.dma_semaphore, #tpu.memory_space<semaphore_mem>>) src(%arg12 : memref<128x128xf32, #tpu.memory_space<vmem>>) dst(%dma_wait3A_97 : memref<10112x128xf32, #tpu.memory_space<vmem_shared>>)
      %add3A_98 = arith.constant 2 : i32
      %add3A_99 = arith.addi %add3A_73, %add3A_98 : i32
      %lt3A_100 = arith.cmpi slt, %add3A_99, %select_n3A_10 : i32
      %convert_element_type3A_101 = arith.extui %lt3A_100 : i1 to i32
      %cond3A_102 = arith.constant 0 : i32
      %cond3A_103 = arith.cmpi ne, %convert_element_type3A_101, %cond3A_102 : i32
      scf.if %cond3A_103 {
        %add3A_104 = arith.constant 2 : i32
        %add3A_105 = arith.addi %add3A_73, %add3A_104 : i32
        %add3A_106 = arith.addi %select_n3A, %add3A_105 : i32
        %mul3A_107 = arith.constant 128 : i32
        %mul3A_108 = arith.muli %add3A_106, %mul3A_107 : i32
        %dma_start3A_109 = tpu.memref_slice %arg4[%mul3A_108] : memref<346112xi32, #tpu.memory_space<hbm>> -> memref<128xi32, #tpu.memory_space<hbm>>
        %dma_start3A_110 = tpu.memref_slice %arg4[%mul3A_108] : memref<346112xi32, #tpu.memory_space<hbm>> -> memref<128xi32, #tpu.memory_space<hbm>>
        tpu.enqueue_dma source(%dma_start3A_110 : memref<128xi32, #tpu.memory_space<hbm>>) target(%arg10 : memref<128xi32, #tpu.memory_space<vmem>>) target_semaphore(%arg19 : memref<!tpu.dma_semaphore, #tpu.memory_space<semaphore_mem>>)
        %add3A_111 = arith.constant 2 : i32
        %add3A_112 = arith.addi %add3A_73, %add3A_111 : i32
        %add3A_113 = arith.addi %select_n3A, %add3A_112 : i32
        %mul3A_114 = arith.constant 128 : i32
        %mul3A_115 = arith.muli %add3A_113, %mul3A_114 : i32
        %dma_wait3A_116 = tpu.memref_slice %arg3[%mul3A_115] : memref<346112xi32, #tpu.memory_space<hbm>> -> memref<128xi32, #tpu.memory_space<hbm>>
        %dma_wait3A_117 = tpu.memref_slice %arg3[%mul3A_115] : memref<346112xi32, #tpu.memory_space<hbm>> -> memref<128xi32, #tpu.memory_space<hbm>>
        tpu.wait_dma2 semaphore(%arg17 : memref<!tpu.dma_semaphore, #tpu.memory_space<semaphore_mem>>) src(%dma_wait3A_117 : memref<128xi32, #tpu.memory_space<hbm>>) dst(%arg8 : memref<128xi32, #tpu.memory_space<vmem>>)
        %dma_start3A_118 = arith.constant 0 : i32
        %dma_start3A_119 = arith.constant 0 : i32
        %dma_start3A_120 = tpu.memref_slice %arg2[%arg0, %dma_start3A_118, %dma_start3A_119] : memref<2x10112x128xf32, #tpu.memory_space<hbm>> -> memref<1x10112x128xf32, #tpu.memory_space<hbm>>
        %dma_start3A_121 = tpu.memref_squeeze %dma_start3A_120 : memref<1x10112x128xf32, #tpu.memory_space<hbm>> -> memref<10112x128xf32, #tpu.memory_space<hbm>>
        %dma_start3A_122 = arith.constant 0 : i32
        %dma_start3A_123 = arith.constant 0 : i32
        %dma_start3A_124 = tpu.memref_slice %dma_start3A_121[%dma_start3A_122, %dma_start3A_123] : memref<10112x128xf32, #tpu.memory_space<hbm>> -> memref<10112x128xf32, #tpu.memory_space<hbm>>
        tpu.enqueue_indirect_dma source(%dma_start3A_124 : memref<10112x128xf32, #tpu.memory_space<hbm>>) target(%arg12 : memref<128x128xf32, #tpu.memory_space<vmem>>) offsets(%arg8 : memref<128xi32, #tpu.memory_space<vmem>>) semaphore(%arg15 : memref<!tpu.dma_semaphore, #tpu.memory_space<semaphore_mem>>)
      } else {
      }
    }
    %barrier3A_40 = arith.constant 0 : index
    tpu.barrier barrier_id(%barrier3A_40)
    "tpu.region"() ({
      %run_scoped3A = tpu.sem_alloc : memref<!tpu.dma_semaphore, #tpu.memory_space<semaphore_mem>>
      %dma_start3A = arith.constant 0 : i32
      %dma_start3A_41 = tpu.memref_slice %arg6[%arg0, %mul3A_0, %dma_start3A] : memref<2x10112x128xf32, #tpu.memory_space<hbm>> -> memref<1x632x128xf32, #tpu.memory_space<hbm>>
      %dma_start3A_42 = tpu.memref_squeeze %dma_start3A_41 : memref<1x632x128xf32, #tpu.memory_space<hbm>> -> memref<632x128xf32, #tpu.memory_space<hbm>>
      %dma_start3A_43 = arith.constant 0 : i32
      %dma_start3A_44 = tpu.memref_slice %arg13[%mul3A_0, %dma_start3A_43] : memref<10112x128xf32, #tpu.memory_space<vmem_shared>> -> memref<632x128xf32, #tpu.memory_space<vmem_shared>>
      tpu.enqueue_dma source(%dma_start3A_44 : memref<632x128xf32, #tpu.memory_space<vmem_shared>>) target(%dma_start3A_42 : memref<632x128xf32, #tpu.memory_space<hbm>>) target_semaphore(%run_scoped3A : memref<!tpu.dma_semaphore, #tpu.memory_space<semaphore_mem>>)
      %dma_wait3A = arith.constant 0 : i32
      %dma_wait3A_45 = tpu.memref_slice %arg6[%arg0, %mul3A_0, %dma_wait3A] : memref<2x10112x128xf32, #tpu.memory_space<hbm>> -> memref<1x632x128xf32, #tpu.memory_space<hbm>>
      %dma_wait3A_46 = tpu.memref_squeeze %dma_wait3A_45 : memref<1x632x128xf32, #tpu.memory_space<hbm>> -> memref<632x128xf32, #tpu.memory_space<hbm>>
      %dma_wait3A_47 = arith.constant 0 : i32
      %dma_wait3A_48 = tpu.memref_slice %arg13[%mul3A_0, %dma_wait3A_47] : memref<10112x128xf32, #tpu.memory_space<vmem_shared>> -> memref<632x128xf32, #tpu.memory_space<vmem_shared>>
      tpu.wait_dma2 semaphore(%run_scoped3A : memref<!tpu.dma_semaphore, #tpu.memory_space<semaphore_mem>>) src(%dma_wait3A_48 : memref<632x128xf32, #tpu.memory_space<vmem_shared>>) dst(%dma_wait3A_46 : memref<632x128xf32, #tpu.memory_space<hbm>>)
      tpu.yield
    }) : () -> ()
    return
  }
}

#map = affine_map<(d0, d1) -> (0, 0, 0)>
#map1 = affine_map<(d0, d1) -> (0)>
#map2 = affine_map<(d0, d1) -> (0, 0)>
module attributes {stable_mosaic.version = 14 : i64} {
  func.func @_sc_gather_scatter(%arg0: i32, %arg1: i32, %arg2: memref<2x10112x128xf32, #tpu.memory_space<hbm>>, %arg3: memref<346112xi32, #tpu.memory_space<hbm>>, %arg4: memref<346112xi32, #tpu.memory_space<hbm>>, %arg5: memref<10112x128xf32, #tpu.memory_space<hbm>>, %arg6: memref<2x10112x128xf32, #tpu.memory_space<hbm>>, %arg7: memref<128xi32, #tpu.memory_space<vmem>>, %arg8: memref<128xi32, #tpu.memory_space<vmem>>, %arg9: memref<128xi32, #tpu.memory_space<vmem>>, %arg10: memref<128xi32, #tpu.memory_space<vmem>>, %arg11: memref<128x128xf32, #tpu.memory_space<vmem>>, %arg12: memref<128x128xf32, #tpu.memory_space<vmem>>, %arg13: memref<10112x128xf32, #tpu.memory_space<vmem_shared>>, %arg14: memref<!tpu.dma_semaphore, #tpu.memory_space<semaphore_mem>>, %arg15: memref<!tpu.dma_semaphore, #tpu.memory_space<semaphore_mem>>, %arg16: memref<!tpu.dma_semaphore, #tpu.memory_space<semaphore_mem>>, %arg17: memref<!tpu.dma_semaphore, #tpu.memory_space<semaphore_mem>>, %arg18: memref<!tpu.dma_semaphore, #tpu.memory_space<semaphore_mem>>, %arg19: memref<!tpu.dma_semaphore, #tpu.memory_space<semaphore_mem>>, %arg20: memref<!tpu.dma_semaphore, #tpu.memory_space<semaphore_mem>>) attributes {dimension_semantics = [#tpu.dimension_semantics<core_parallel>, #tpu.dimension_semantics<subcore_parallel>], iteration_bounds = array<i64: 2, 16>, scalar_prefetch = 0 : i64, scratch_operands = 14 : i64, tpu.core_type = #tpu.core_type<sc_vector_subcore>, window_params = [{transform_indices = #map}, {transform_indices = #map1}, {transform_indices = #map1}, {transform_indices = #map2}, {transform_indices = #map}]} {
    %mul3A = arith.constant 632 : i32
    %mul3A_0 = arith.muli %arg1, %mul3A : i32
    %eq3A = arith.constant 0 : i32
    %eq3A_1 = arith.cmpi eq, %arg0, %eq3A : i32
    %mul3A_2 = arith.constant 144 : i32
    %mul3A_3 = arith.muli %arg1, %mul3A_2 : i32
    %mul3A_4 = arith.constant 16 : i32
    %mul3A_5 = arith.muli %arg1, %mul3A_4 : i32
    %add3A = arith.constant 2304 : i32
    %add3A_6 = arith.addi %add3A, %mul3A_5 : i32
    %select_n3A = arith.select %eq3A_1, %mul3A_3, %add3A_6 : i32
    %eq3A_7 = arith.constant 0 : i32
    %eq3A_8 = arith.cmpi eq, %arg0, %eq3A_7 : i32
    %jit3A = arith.constant 144 : i32
    %jit3A_9 = arith.constant 16 : i32
    %select_n3A_10 = arith.select %eq3A_8, %jit3A, %jit3A_9 : i32
    "tpu.region"() ({
      %run_scoped3A = tpu.sem_alloc : memref<!tpu.dma_semaphore, #tpu.memory_space<semaphore_mem>>
      %dma_start3A = arith.constant 0 : i32
      %dma_start3A_41 = tpu.memref_slice %arg13[%mul3A_0, %dma_start3A] : memref<10112x128xf32, #tpu.memory_space<vmem_shared>> -> memref<632x128xf32, #tpu.memory_space<vmem_shared>>
      %dma_start3A_42 = arith.constant 0 : i32
      %dma_start3A_43 = tpu.memref_slice %arg5[%mul3A_0, %dma_start3A_42] : memref<10112x128xf32, #tpu.memory_space<hbm>> -> memref<632x128xf32, #tpu.memory_space<hbm>>
      tpu.enqueue_dma source(%dma_start3A_43 : memref<632x128xf32, #tpu.memory_space<hbm>>) target(%dma_start3A_41 : memref<632x128xf32, #tpu.memory_space<vmem_shared>>) target_semaphore(%run_scoped3A : memref<!tpu.dma_semaphore, #tpu.memory_space<semaphore_mem>>)
      %dma_wait3A = arith.constant 0 : i32
      %dma_wait3A_44 = tpu.memref_slice %arg13[%mul3A_0, %dma_wait3A] : memref<10112x128xf32, #tpu.memory_space<vmem_shared>> -> memref<632x128xf32, #tpu.memory_space<vmem_shared>>
      %dma_wait3A_45 = arith.constant 0 : i32
      %dma_wait3A_46 = tpu.memref_slice %arg5[%mul3A_0, %dma_wait3A_45] : memref<10112x128xf32, #tpu.memory_space<hbm>> -> memref<632x128xf32, #tpu.memory_space<hbm>>
      tpu.wait_dma2 semaphore(%run_scoped3A : memref<!tpu.dma_semaphore, #tpu.memory_space<semaphore_mem>>) src(%dma_wait3A_46 : memref<632x128xf32, #tpu.memory_space<hbm>>) dst(%dma_wait3A_44 : memref<632x128xf32, #tpu.memory_space<vmem_shared>>)
      tpu.yield
    }) : () -> ()
    %barrier3A = arith.constant 0 : index
    tpu.barrier barrier_id(%barrier3A)
    %gt3A = arith.constant 0 : i32
    %gt3A_11 = arith.cmpi sgt, %select_n3A_10, %gt3A : i32
    %convert_element_type3A = arith.extui %gt3A_11 : i1 to i32
    %cond3A = arith.constant 0 : i32
    %cond3A_12 = arith.cmpi ne, %convert_element_type3A, %cond3A : i32
    scf.if %cond3A_12 {
      %add3A_41 = arith.constant 0 : i32
      %add3A_42 = arith.addi %select_n3A, %add3A_41 : i32
      %mul3A_43 = arith.constant 128 : i32
      %mul3A_44 = arith.muli %add3A_42, %mul3A_43 : i32
      "tpu.region"() ({
        %run_scoped3A = tpu.sem_alloc : memref<!tpu.dma_semaphore, #tpu.memory_space<semaphore_mem>>
        %dma_start3A_70 = tpu.memref_slice %arg3[%mul3A_44] : memref<346112xi32, #tpu.memory_space<hbm>> -> memref<128xi32, #tpu.memory_space<hbm>>
        %dma_start3A_71 = tpu.memref_slice %arg3[%mul3A_44] : memref<346112xi32, #tpu.memory_space<hbm>> -> memref<128xi32, #tpu.memory_space<hbm>>
        tpu.enqueue_dma source(%dma_start3A_71 : memref<128xi32, #tpu.memory_space<hbm>>) target(%arg7 : memref<128xi32, #tpu.memory_space<vmem>>) target_semaphore(%run_scoped3A : memref<!tpu.dma_semaphore, #tpu.memory_space<semaphore_mem>>)
        %dma_wait3A = tpu.memref_slice %arg3[%mul3A_44] : memref<346112xi32, #tpu.memory_space<hbm>> -> memref<128xi32, #tpu.memory_space<hbm>>
        %dma_wait3A_72 = tpu.memref_slice %arg3[%mul3A_44] : memref<346112xi32, #tpu.memory_space<hbm>> -> memref<128xi32, #tpu.memory_space<hbm>>
        tpu.wait_dma2 semaphore(%run_scoped3A : memref<!tpu.dma_semaphore, #tpu.memory_space<semaphore_mem>>) src(%dma_wait3A_72 : memref<128xi32, #tpu.memory_space<hbm>>) dst(%arg7 : memref<128xi32, #tpu.memory_space<vmem>>)
        tpu.yield
      }) : () -> ()
      %add3A_45 = arith.constant 1 : i32
      %add3A_46 = arith.addi %select_n3A, %add3A_45 : i32
      %mul3A_47 = arith.constant 128 : i32
      %mul3A_48 = arith.muli %add3A_46, %mul3A_47 : i32
      "tpu.region"() ({
        %run_scoped3A = tpu.sem_alloc : memref<!tpu.dma_semaphore, #tpu.memory_space<semaphore_mem>>
        %dma_start3A_70 = tpu.memref_slice %arg3[%mul3A_48] : memref<346112xi32, #tpu.memory_space<hbm>> -> memref<128xi32, #tpu.memory_space<hbm>>
        %dma_start3A_71 = tpu.memref_slice %arg3[%mul3A_48] : memref<346112xi32, #tpu.memory_space<hbm>> -> memref<128xi32, #tpu.memory_space<hbm>>
        tpu.enqueue_dma source(%dma_start3A_71 : memref<128xi32, #tpu.memory_space<hbm>>) target(%arg8 : memref<128xi32, #tpu.memory_space<vmem>>) target_semaphore(%run_scoped3A : memref<!tpu.dma_semaphore, #tpu.memory_space<semaphore_mem>>)
        %dma_wait3A = tpu.memref_slice %arg3[%mul3A_48] : memref<346112xi32, #tpu.memory_space<hbm>> -> memref<128xi32, #tpu.memory_space<hbm>>
        %dma_wait3A_72 = tpu.memref_slice %arg3[%mul3A_48] : memref<346112xi32, #tpu.memory_space<hbm>> -> memref<128xi32, #tpu.memory_space<hbm>>
        tpu.wait_dma2 semaphore(%run_scoped3A : memref<!tpu.dma_semaphore, #tpu.memory_space<semaphore_mem>>) src(%dma_wait3A_72 : memref<128xi32, #tpu.memory_space<hbm>>) dst(%arg8 : memref<128xi32, #tpu.memory_space<vmem>>)
        tpu.yield
      }) : () -> ()
      %add3A_49 = arith.constant 0 : i32
      %add3A_50 = arith.addi %select_n3A, %add3A_49 : i32
      %mul3A_51 = arith.constant 128 : i32
      %mul3A_52 = arith.muli %add3A_50, %mul3A_51 : i32
      "tpu.region"() ({
        %run_scoped3A = tpu.sem_alloc : memref<!tpu.dma_semaphore, #tpu.memory_space<semaphore_mem>>
        %dma_start3A_70 = tpu.memref_slice %arg4[%mul3A_52] : memref<346112xi32, #tpu.memory_space<hbm>> -> memref<128xi32, #tpu.memory_space<hbm>>
        %dma_start3A_71 = tpu.memref_slice %arg4[%mul3A_52] : memref<346112xi32, #tpu.memory_space<hbm>> -> memref<128xi32, #tpu.memory_space<hbm>>
        tpu.enqueue_dma source(%dma_start3A_71 : memref<128xi32, #tpu.memory_space<hbm>>) target(%arg9 : memref<128xi32, #tpu.memory_space<vmem>>) target_semaphore(%run_scoped3A : memref<!tpu.dma_semaphore, #tpu.memory_space<semaphore_mem>>)
        %dma_wait3A = tpu.memref_slice %arg4[%mul3A_52] : memref<346112xi32, #tpu.memory_space<hbm>> -> memref<128xi32, #tpu.memory_space<hbm>>
        %dma_wait3A_72 = tpu.memref_slice %arg4[%mul3A_52] : memref<346112xi32, #tpu.memory_space<hbm>> -> memref<128xi32, #tpu.memory_space<hbm>>
        tpu.wait_dma2 semaphore(%run_scoped3A : memref<!tpu.dma_semaphore, #tpu.memory_space<semaphore_mem>>) src(%dma_wait3A_72 : memref<128xi32, #tpu.memory_space<hbm>>) dst(%arg9 : memref<128xi32, #tpu.memory_space<vmem>>)
        tpu.yield
      }) : () -> ()
      %add3A_53 = arith.constant 1 : i32
      %add3A_54 = arith.addi %select_n3A, %add3A_53 : i32
      %mul3A_55 = arith.constant 128 : i32
      %mul3A_56 = arith.muli %add3A_54, %mul3A_55 : i32
      "tpu.region"() ({
        %run_scoped3A = tpu.sem_alloc : memref<!tpu.dma_semaphore, #tpu.memory_space<semaphore_mem>>
        %dma_start3A_70 = tpu.memref_slice %arg4[%mul3A_56] : memref<346112xi32, #tpu.memory_space<hbm>> -> memref<128xi32, #tpu.memory_space<hbm>>
        %dma_start3A_71 = tpu.memref_slice %arg4[%mul3A_56] : memref<346112xi32, #tpu.memory_space<hbm>> -> memref<128xi32, #tpu.memory_space<hbm>>
        tpu.enqueue_dma source(%dma_start3A_71 : memref<128xi32, #tpu.memory_space<hbm>>) target(%arg10 : memref<128xi32, #tpu.memory_space<vmem>>) target_semaphore(%run_scoped3A : memref<!tpu.dma_semaphore, #tpu.memory_space<semaphore_mem>>)
        %dma_wait3A = tpu.memref_slice %arg4[%mul3A_56] : memref<346112xi32, #tpu.memory_space<hbm>> -> memref<128xi32, #tpu.memory_space<hbm>>
        %dma_wait3A_72 = tpu.memref_slice %arg4[%mul3A_56] : memref<346112xi32, #tpu.memory_space<hbm>> -> memref<128xi32, #tpu.memory_space<hbm>>
        tpu.wait_dma2 semaphore(%run_scoped3A : memref<!tpu.dma_semaphore, #tpu.memory_space<semaphore_mem>>) src(%dma_wait3A_72 : memref<128xi32, #tpu.memory_space<hbm>>) dst(%arg10 : memref<128xi32, #tpu.memory_space<vmem>>)
        tpu.yield
      }) : () -> ()
      %dma_start3A = arith.constant 0 : i32
      %dma_start3A_57 = arith.constant 0 : i32
      %dma_start3A_58 = tpu.memref_slice %arg2[%arg0, %dma_start3A, %dma_start3A_57] : memref<2x10112x128xf32, #tpu.memory_space<hbm>> -> memref<1x10112x128xf32, #tpu.memory_space<hbm>>
      %dma_start3A_59 = tpu.memref_squeeze %dma_start3A_58 : memref<1x10112x128xf32, #tpu.memory_space<hbm>> -> memref<10112x128xf32, #tpu.memory_space<hbm>>
      %dma_start3A_60 = arith.constant 0 : i32
      %dma_start3A_61 = arith.constant 0 : i32
      %dma_start3A_62 = tpu.memref_slice %dma_start3A_59[%dma_start3A_60, %dma_start3A_61] : memref<10112x128xf32, #tpu.memory_space<hbm>> -> memref<10112x128xf32, #tpu.memory_space<hbm>>
      tpu.enqueue_indirect_dma source(%dma_start3A_62 : memref<10112x128xf32, #tpu.memory_space<hbm>>) target(%arg11 : memref<128x128xf32, #tpu.memory_space<vmem>>) offsets(%arg7 : memref<128xi32, #tpu.memory_space<vmem>>) semaphore(%arg14 : memref<!tpu.dma_semaphore, #tpu.memory_space<semaphore_mem>>)
      %dma_start3A_63 = arith.constant 0 : i32
      %dma_start3A_64 = arith.constant 0 : i32
      %dma_start3A_65 = tpu.memref_slice %arg2[%arg0, %dma_start3A_63, %dma_start3A_64] : memref<2x10112x128xf32, #tpu.memory_space<hbm>> -> memref<1x10112x128xf32, #tpu.memory_space<hbm>>
      %dma_start3A_66 = tpu.memref_squeeze %dma_start3A_65 : memref<1x10112x128xf32, #tpu.memory_space<hbm>> -> memref<10112x128xf32, #tpu.memory_space<hbm>>
      %dma_start3A_67 = arith.constant 0 : i32
      %dma_start3A_68 = arith.constant 0 : i32
      %dma_start3A_69 = tpu.memref_slice %dma_start3A_66[%dma_start3A_67, %dma_start3A_68] : memref<10112x128xf32, #tpu.memory_space<hbm>> -> memref<10112x128xf32, #tpu.memory_space<hbm>>
      tpu.enqueue_indirect_dma source(%dma_start3A_69 : memref<10112x128xf32, #tpu.memory_space<hbm>>) target(%arg12 : memref<128x128xf32, #tpu.memory_space<vmem>>) offsets(%arg8 : memref<128xi32, #tpu.memory_space<vmem>>) semaphore(%arg15 : memref<!tpu.dma_semaphore, #tpu.memory_space<semaphore_mem>>)
    } else {
    }
    %jit3A_13 = arith.constant 2 : i32
    %div3A = arith.divsi %select_n3A_10, %jit3A_13 : i32
    %sign3A = arith.constant 0 : i32
    %sign3A_14 = arith.cmpi sgt, %select_n3A_10, %sign3A : i32
    %sign3A_15 = arith.extui %sign3A_14 : i1 to i32
    %sign3A_16 = arith.constant 0 : i32
    %sign3A_17 = arith.cmpi slt, %select_n3A_10, %sign3A_16 : i32
    %sign3A_18 = arith.extui %sign3A_17 : i1 to i32
    %sign3A_19 = arith.subi %sign3A_15, %sign3A_18 : i32
    %sign3A_20 = arith.constant 0 : i32
    %sign3A_21 = arith.cmpi sgt, %jit3A_13, %sign3A_20 : i32
    %sign3A_22 = arith.extui %sign3A_21 : i1 to i32
    %sign3A_23 = arith.constant 0 : i32
    %sign3A_24 = arith.cmpi slt, %jit3A_13, %sign3A_23 : i32
    %sign3A_25 = arith.extui %sign3A_24 : i1 to i32
    %sign3A_26 = arith.subi %sign3A_22, %sign3A_25 : i32
    %ne3A = arith.cmpi ne, %sign3A_19, %sign3A_26 : i32
    %rem3A = arith.remsi %select_n3A_10, %jit3A_13 : i32
    %ne3A_27 = arith.constant 0 : i32
    %ne3A_28 = arith.cmpi ne, %rem3A, %ne3A_27 : i32
    %and3A = arith.andi %ne3A, %ne3A_28 : i1
    %sub3A = arith.constant 1 : i32
    %sub3A_29 = arith.subi %div3A, %sub3A : i32
    %select_n3A_30 = arith.select %and3A, %sub3A_29, %div3A : i32
    %while3A = arith.constant 0 : i32
    %while3A_31 = arith.constant 0 : i32
    %while3A_32 = arith.subi %select_n3A_30, %while3A_31 : i32
    %while3A_33 = arith.addi %while3A_31, %while3A_32 : i32
    %while3A_34 = arith.constant 1 : i32
    %while3A_35 = arith.divsi %while3A_32, %while3A_34 : i32
    %while3A_36 = arith.muli %while3A_35, %while3A_34 : i32
    %while3A_37 = arith.addi %while3A_31, %while3A_36 : i32
    %while3A_38 = arith.constant 1 : i32
    scf.for %while3A_41 = %while3A_31 to %while3A_37 step %while3A_38  : i32 {
      %mul3A_42 = arith.constant 2 : i32
      %mul3A_43 = arith.muli %while3A_41, %mul3A_42 : i32
      %add3A_44 = arith.constant 0 : i32
      %add3A_45 = arith.addi %mul3A_43, %add3A_44 : i32
      %dma_wait3A = arith.constant 0 : i32
      %dma_wait3A_46 = arith.constant 0 : i32
      %dma_wait3A_47 = tpu.memref_slice %arg2[%arg0, %dma_wait3A, %dma_wait3A_46] : memref<2x10112x128xf32, #tpu.memory_space<hbm>> -> memref<1x10112x128xf32, #tpu.memory_space<hbm>>
      %dma_wait3A_48 = tpu.memref_squeeze %dma_wait3A_47 : memref<1x10112x128xf32, #tpu.memory_space<hbm>> -> memref<10112x128xf32, #tpu.memory_space<hbm>>
      %dma_wait3A_49 = arith.constant 0 : i32
      %dma_wait3A_50 = arith.constant 0 : i32
      %dma_wait3A_51 = tpu.memref_slice %dma_wait3A_48[%dma_wait3A_49, %dma_wait3A_50] : memref<10112x128xf32, #tpu.memory_space<hbm>> -> memref<10112x128xf32, #tpu.memory_space<hbm>>
      tpu.wait_indirect_dma semaphore(%arg14 : memref<!tpu.dma_semaphore, #tpu.memory_space<semaphore_mem>>) src(%dma_wait3A_51 : memref<10112x128xf32, #tpu.memory_space<hbm>>) dst(%arg11 : memref<128x128xf32, #tpu.memory_space<vmem>>)
      %ge3A = arith.constant 2 : i32
      %ge3A_52 = arith.cmpi sge, %add3A_45, %ge3A : i32
      %convert_element_type3A_53 = arith.extui %ge3A_52 : i1 to i32
      %cond3A_54 = arith.constant 0 : i32
      %cond3A_55 = arith.cmpi ne, %convert_element_type3A_53, %cond3A_54 : i32
      scf.if %cond3A_55 {
        %add3A_104 = arith.addi %select_n3A, %add3A_45 : i32
        %mul3A_105 = arith.constant 128 : i32
        %mul3A_106 = arith.muli %add3A_104, %mul3A_105 : i32
        %dma_wait3A_107 = tpu.memref_slice %arg4[%mul3A_106] : memref<346112xi32, #tpu.memory_space<hbm>> -> memref<128xi32, #tpu.memory_space<hbm>>
        %dma_wait3A_108 = tpu.memref_slice %arg4[%mul3A_106] : memref<346112xi32, #tpu.memory_space<hbm>> -> memref<128xi32, #tpu.memory_space<hbm>>
        tpu.wait_dma2 semaphore(%arg18 : memref<!tpu.dma_semaphore, #tpu.memory_space<semaphore_mem>>) src(%dma_wait3A_108 : memref<128xi32, #tpu.memory_space<hbm>>) dst(%arg9 : memref<128xi32, #tpu.memory_space<vmem>>)
      } else {
      }
      %dma_start3A = arith.constant 0 : i32
      %dma_start3A_56 = arith.constant 0 : i32
      %dma_start3A_57 = tpu.memref_slice %arg13[%dma_start3A, %dma_start3A_56] : memref<10112x128xf32, #tpu.memory_space<vmem_shared>> -> memref<10112x128xf32, #tpu.memory_space<vmem_shared>>
      tpu.enqueue_indirect_dma source(%arg11 : memref<128x128xf32, #tpu.memory_space<vmem>>) target(%dma_start3A_57 : memref<10112x128xf32, #tpu.memory_space<vmem_shared>>) offsets(%arg9 : memref<128xi32, #tpu.memory_space<vmem>>) semaphore(%arg20 : memref<!tpu.dma_semaphore, #tpu.memory_space<semaphore_mem>>) {add = true}
      %add3A_58 = arith.constant 2 : i32
      %add3A_59 = arith.addi %add3A_45, %add3A_58 : i32
      %lt3A = arith.cmpi slt, %add3A_59, %select_n3A_10 : i32
      %convert_element_type3A_60 = arith.extui %lt3A : i1 to i32
      %cond3A_61 = arith.constant 0 : i32
      %cond3A_62 = arith.cmpi ne, %convert_element_type3A_60, %cond3A_61 : i32
      scf.if %cond3A_62 {
        %add3A_104 = arith.constant 2 : i32
        %add3A_105 = arith.addi %add3A_45, %add3A_104 : i32
        %add3A_106 = arith.addi %select_n3A, %add3A_105 : i32
        %mul3A_107 = arith.constant 128 : i32
        %mul3A_108 = arith.muli %add3A_106, %mul3A_107 : i32
        %dma_start3A_109 = tpu.memref_slice %arg3[%mul3A_108] : memref<346112xi32, #tpu.memory_space<hbm>> -> memref<128xi32, #tpu.memory_space<hbm>>
        %dma_start3A_110 = tpu.memref_slice %arg3[%mul3A_108] : memref<346112xi32, #tpu.memory_space<hbm>> -> memref<128xi32, #tpu.memory_space<hbm>>
        tpu.enqueue_dma source(%dma_start3A_110 : memref<128xi32, #tpu.memory_space<hbm>>) target(%arg7 : memref<128xi32, #tpu.memory_space<vmem>>) target_semaphore(%arg16 : memref<!tpu.dma_semaphore, #tpu.memory_space<semaphore_mem>>)
      } else {
      }
      %dma_wait3A_63 = arith.constant 0 : i32
      %dma_wait3A_64 = arith.constant 0 : i32
      %dma_wait3A_65 = tpu.memref_slice %arg13[%dma_wait3A_63, %dma_wait3A_64] : memref<10112x128xf32, #tpu.memory_space<vmem_shared>> -> memref<10112x128xf32, #tpu.memory_space<vmem_shared>>
      tpu.wait_indirect_dma semaphore(%arg20 : memref<!tpu.dma_semaphore, #tpu.memory_space<semaphore_mem>>) src(%arg11 : memref<128x128xf32, #tpu.memory_space<vmem>>) dst(%dma_wait3A_65 : memref<10112x128xf32, #tpu.memory_space<vmem_shared>>)
      %add3A_66 = arith.constant 2 : i32
      %add3A_67 = arith.addi %add3A_45, %add3A_66 : i32
      %lt3A_68 = arith.cmpi slt, %add3A_67, %select_n3A_10 : i32
      %convert_element_type3A_69 = arith.extui %lt3A_68 : i1 to i32
      %cond3A_70 = arith.constant 0 : i32
      %cond3A_71 = arith.cmpi ne, %convert_element_type3A_69, %cond3A_70 : i32
      scf.if %cond3A_71 {
        %add3A_104 = arith.constant 2 : i32
        %add3A_105 = arith.addi %add3A_45, %add3A_104 : i32
        %add3A_106 = arith.addi %select_n3A, %add3A_105 : i32
        %mul3A_107 = arith.constant 128 : i32
        %mul3A_108 = arith.muli %add3A_106, %mul3A_107 : i32
        %dma_start3A_109 = tpu.memref_slice %arg4[%mul3A_108] : memref<346112xi32, #tpu.memory_space<hbm>> -> memref<128xi32, #tpu.memory_space<hbm>>
        %dma_start3A_110 = tpu.memref_slice %arg4[%mul3A_108] : memref<346112xi32, #tpu.memory_space<hbm>> -> memref<128xi32, #tpu.memory_space<hbm>>
        tpu.enqueue_dma source(%dma_start3A_110 : memref<128xi32, #tpu.memory_space<hbm>>) target(%arg9 : memref<128xi32, #tpu.memory_space<vmem>>) target_semaphore(%arg18 : memref<!tpu.dma_semaphore, #tpu.memory_space<semaphore_mem>>)
        %add3A_111 = arith.constant 2 : i32
        %add3A_112 = arith.addi %add3A_45, %add3A_111 : i32
        %add3A_113 = arith.addi %select_n3A, %add3A_112 : i32
        %mul3A_114 = arith.constant 128 : i32
        %mul3A_115 = arith.muli %add3A_113, %mul3A_114 : i32
        %dma_wait3A_116 = tpu.memref_slice %arg3[%mul3A_115] : memref<346112xi32, #tpu.memory_space<hbm>> -> memref<128xi32, #tpu.memory_space<hbm>>
        %dma_wait3A_117 = tpu.memref_slice %arg3[%mul3A_115] : memref<346112xi32, #tpu.memory_space<hbm>> -> memref<128xi32, #tpu.memory_space<hbm>>
        tpu.wait_dma2 semaphore(%arg16 : memref<!tpu.dma_semaphore, #tpu.memory_space<semaphore_mem>>) src(%dma_wait3A_117 : memref<128xi32, #tpu.memory_space<hbm>>) dst(%arg7 : memref<128xi32, #tpu.memory_space<vmem>>)
        %dma_start3A_118 = arith.constant 0 : i32
        %dma_start3A_119 = arith.constant 0 : i32
        %dma_start3A_120 = tpu.memref_slice %arg2[%arg0, %dma_start3A_118, %dma_start3A_119] : memref<2x10112x128xf32, #tpu.memory_space<hbm>> -> memref<1x10112x128xf32, #tpu.memory_space<hbm>>
        %dma_start3A_121 = tpu.memref_squeeze %dma_start3A_120 : memref<1x10112x128xf32, #tpu.memory_space<hbm>> -> memref<10112x128xf32, #tpu.memory_space<hbm>>
        %dma_start3A_122 = arith.constant 0 : i32
        %dma_start3A_123 = arith.constant 0 : i32
        %dma_start3A_124 = tpu.memref_slice %dma_start3A_121[%dma_start3A_122, %dma_start3A_123] : memref<10112x128xf32, #tpu.memory_space<hbm>> -> memref<10112x128xf32, #tpu.memory_space<hbm>>
        tpu.enqueue_indirect_dma source(%dma_start3A_124 : memref<10112x128xf32, #tpu.memory_space<hbm>>) target(%arg11 : memref<128x128xf32, #tpu.memory_space<vmem>>) offsets(%arg7 : memref<128xi32, #tpu.memory_space<vmem>>) semaphore(%arg14 : memref<!tpu.dma_semaphore, #tpu.memory_space<semaphore_mem>>)
      } else {
      }
      %add3A_72 = arith.constant 1 : i32
      %add3A_73 = arith.addi %mul3A_43, %add3A_72 : i32
      %dma_wait3A_74 = arith.constant 0 : i32
      %dma_wait3A_75 = arith.constant 0 : i32
      %dma_wait3A_76 = tpu.memref_slice %arg2[%arg0, %dma_wait3A_74, %dma_wait3A_75] : memref<2x10112x128xf32, #tpu.memory_space<hbm>> -> memref<1x10112x128xf32, #tpu.memory_space<hbm>>
      %dma_wait3A_77 = tpu.memref_squeeze %dma_wait3A_76 : memref<1x10112x128xf32, #tpu.memory_space<hbm>> -> memref<10112x128xf32, #tpu.memory_space<hbm>>
      %dma_wait3A_78 = arith.constant 0 : i32
      %dma_wait3A_79 = arith.constant 0 : i32
      %dma_wait3A_80 = tpu.memref_slice %dma_wait3A_77[%dma_wait3A_78, %dma_wait3A_79] : memref<10112x128xf32, #tpu.memory_space<hbm>> -> memref<10112x128xf32, #tpu.memory_space<hbm>>
      tpu.wait_indirect_dma semaphore(%arg15 : memref<!tpu.dma_semaphore, #tpu.memory_space<semaphore_mem>>) src(%dma_wait3A_80 : memref<10112x128xf32, #tpu.memory_space<hbm>>) dst(%arg12 : memref<128x128xf32, #tpu.memory_space<vmem>>)
      %ge3A_81 = arith.constant 2 : i32
      %ge3A_82 = arith.cmpi sge, %add3A_73, %ge3A_81 : i32
      %convert_element_type3A_83 = arith.extui %ge3A_82 : i1 to i32
      %cond3A_84 = arith.constant 0 : i32
      %cond3A_85 = arith.cmpi ne, %convert_element_type3A_83, %cond3A_84 : i32
      scf.if %cond3A_85 {
        %add3A_104 = arith.addi %select_n3A, %add3A_73 : i32
        %mul3A_105 = arith.constant 128 : i32
        %mul3A_106 = arith.muli %add3A_104, %mul3A_105 : i32
        %dma_wait3A_107 = tpu.memref_slice %arg4[%mul3A_106] : memref<346112xi32, #tpu.memory_space<hbm>> -> memref<128xi32, #tpu.memory_space<hbm>>
        %dma_wait3A_108 = tpu.memref_slice %arg4[%mul3A_106] : memref<346112xi32, #tpu.memory_space<hbm>> -> memref<128xi32, #tpu.memory_space<hbm>>
        tpu.wait_dma2 semaphore(%arg19 : memref<!tpu.dma_semaphore, #tpu.memory_space<semaphore_mem>>) src(%dma_wait3A_108 : memref<128xi32, #tpu.memory_space<hbm>>) dst(%arg10 : memref<128xi32, #tpu.memory_space<vmem>>)
      } else {
      }
      %dma_start3A_86 = arith.constant 0 : i32
      %dma_start3A_87 = arith.constant 0 : i32
      %dma_start3A_88 = tpu.memref_slice %arg13[%dma_start3A_86, %dma_start3A_87] : memref<10112x128xf32, #tpu.memory_space<vmem_shared>> -> memref<10112x128xf32, #tpu.memory_space<vmem_shared>>
      tpu.enqueue_indirect_dma source(%arg12 : memref<128x128xf32, #tpu.memory_space<vmem>>) target(%dma_start3A_88 : memref<10112x128xf32, #tpu.memory_space<vmem_shared>>) offsets(%arg10 : memref<128xi32, #tpu.memory_space<vmem>>) semaphore(%arg20 : memref<!tpu.dma_semaphore, #tpu.memory_space<semaphore_mem>>) {add = true}
      %add3A_89 = arith.constant 2 : i32
      %add3A_90 = arith.addi %add3A_73, %add3A_89 : i32
      %lt3A_91 = arith.cmpi slt, %add3A_90, %select_n3A_10 : i32
      %convert_element_type3A_92 = arith.extui %lt3A_91 : i1 to i32
      %cond3A_93 = arith.constant 0 : i32
      %cond3A_94 = arith.cmpi ne, %convert_element_type3A_92, %cond3A_93 : i32
      scf.if %cond3A_94 {
        %add3A_104 = arith.constant 2 : i32
        %add3A_105 = arith.addi %add3A_73, %add3A_104 : i32
        %add3A_106 = arith.addi %select_n3A, %add3A_105 : i32
        %mul3A_107 = arith.constant 128 : i32
        %mul3A_108 = arith.muli %add3A_106, %mul3A_107 : i32
        %dma_start3A_109 = tpu.memref_slice %arg3[%mul3A_108] : memref<346112xi32, #tpu.memory_space<hbm>> -> memref<128xi32, #tpu.memory_space<hbm>>
        %dma_start3A_110 = tpu.memref_slice %arg3[%mul3A_108] : memref<346112xi32, #tpu.memory_space<hbm>> -> memref<128xi32, #tpu.memory_space<hbm>>
        tpu.enqueue_dma source(%dma_start3A_110 : memref<128xi32, #tpu.memory_space<hbm>>) target(%arg8 : memref<128xi32, #tpu.memory_space<vmem>>) target_semaphore(%arg17 : memref<!tpu.dma_semaphore, #tpu.memory_space<semaphore_mem>>)
      } else {
      }
      %dma_wait3A_95 = arith.constant 0 : i32
      %dma_wait3A_96 = arith.constant 0 : i32
      %dma_wait3A_97 = tpu.memref_slice %arg13[%dma_wait3A_95, %dma_wait3A_96] : memref<10112x128xf32, #tpu.memory_space<vmem_shared>> -> memref<10112x128xf32, #tpu.memory_space<vmem_shared>>
      tpu.wait_indirect_dma semaphore(%arg20 : memref<!tpu.dma_semaphore, #tpu.memory_space<semaphore_mem>>) src(%arg12 : memref<128x128xf32, #tpu.memory_space<vmem>>) dst(%dma_wait3A_97 : memref<10112x128xf32, #tpu.memory_space<vmem_shared>>)
      %add3A_98 = arith.constant 2 : i32
      %add3A_99 = arith.addi %add3A_73, %add3A_98 : i32
      %lt3A_100 = arith.cmpi slt, %add3A_99, %select_n3A_10 : i32
      %convert_element_type3A_101 = arith.extui %lt3A_100 : i1 to i32
      %cond3A_102 = arith.constant 0 : i32
      %cond3A_103 = arith.cmpi ne, %convert_element_type3A_101, %cond3A_102 : i32
      scf.if %cond3A_103 {
        %add3A_104 = arith.constant 2 : i32
        %add3A_105 = arith.addi %add3A_73, %add3A_104 : i32
        %add3A_106 = arith.addi %select_n3A, %add3A_105 : i32
        %mul3A_107 = arith.constant 128 : i32
        %mul3A_108 = arith.muli %add3A_106, %mul3A_107 : i32
        %dma_start3A_109 = tpu.memref_slice %arg4[%mul3A_108] : memref<346112xi32, #tpu.memory_space<hbm>> -> memref<128xi32, #tpu.memory_space<hbm>>
        %dma_start3A_110 = tpu.memref_slice %arg4[%mul3A_108] : memref<346112xi32, #tpu.memory_space<hbm>> -> memref<128xi32, #tpu.memory_space<hbm>>
        tpu.enqueue_dma source(%dma_start3A_110 : memref<128xi32, #tpu.memory_space<hbm>>) target(%arg10 : memref<128xi32, #tpu.memory_space<vmem>>) target_semaphore(%arg19 : memref<!tpu.dma_semaphore, #tpu.memory_space<semaphore_mem>>)
        %add3A_111 = arith.constant 2 : i32
        %add3A_112 = arith.addi %add3A_73, %add3A_111 : i32
        %add3A_113 = arith.addi %select_n3A, %add3A_112 : i32
        %mul3A_114 = arith.constant 128 : i32
        %mul3A_115 = arith.muli %add3A_113, %mul3A_114 : i32
        %dma_wait3A_116 = tpu.memref_slice %arg3[%mul3A_115] : memref<346112xi32, #tpu.memory_space<hbm>> -> memref<128xi32, #tpu.memory_space<hbm>>
        %dma_wait3A_117 = tpu.memref_slice %arg3[%mul3A_115] : memref<346112xi32, #tpu.memory_space<hbm>> -> memref<128xi32, #tpu.memory_space<hbm>>
        tpu.wait_dma2 semaphore(%arg17 : memref<!tpu.dma_semaphore, #tpu.memory_space<semaphore_mem>>) src(%dma_wait3A_117 : memref<128xi32, #tpu.memory_space<hbm>>) dst(%arg8 : memref<128xi32, #tpu.memory_space<vmem>>)
        %dma_start3A_118 = arith.constant 0 : i32
        %dma_start3A_119 = arith.constant 0 : i32
        %dma_start3A_120 = tpu.memref_slice %arg2[%arg0, %dma_start3A_118, %dma_start3A_119] : memref<2x10112x128xf32, #tpu.memory_space<hbm>> -> memref<1x10112x128xf32, #tpu.memory_space<hbm>>
        %dma_start3A_121 = tpu.memref_squeeze %dma_start3A_120 : memref<1x10112x128xf32, #tpu.memory_space<hbm>> -> memref<10112x128xf32, #tpu.memory_space<hbm>>
        %dma_start3A_122 = arith.constant 0 : i32
        %dma_start3A_123 = arith.constant 0 : i32
        %dma_start3A_124 = tpu.memref_slice %dma_start3A_121[%dma_start3A_122, %dma_start3A_123] : memref<10112x128xf32, #tpu.memory_space<hbm>> -> memref<10112x128xf32, #tpu.memory_space<hbm>>
        tpu.enqueue_indirect_dma source(%dma_start3A_124 : memref<10112x128xf32, #tpu.memory_space<hbm>>) target(%arg12 : memref<128x128xf32, #tpu.memory_space<vmem>>) offsets(%arg8 : memref<128xi32, #tpu.memory_space<vmem>>) semaphore(%arg15 : memref<!tpu.dma_semaphore, #tpu.memory_space<semaphore_mem>>)
      } else {
      }
    }
    %while3A_39 = arith.constant 1 : i32
    scf.for %while3A_41 = %while3A_37 to %while3A_33 step %while3A_39  : i32 {
      %mul3A_42 = arith.constant 2 : i32
      %mul3A_43 = arith.muli %while3A_41, %mul3A_42 : i32
      %add3A_44 = arith.constant 0 : i32
      %add3A_45 = arith.addi %mul3A_43, %add3A_44 : i32
      %dma_wait3A = arith.constant 0 : i32
      %dma_wait3A_46 = arith.constant 0 : i32
      %dma_wait3A_47 = tpu.memref_slice %arg2[%arg0, %dma_wait3A, %dma_wait3A_46] : memref<2x10112x128xf32, #tpu.memory_space<hbm>> -> memref<1x10112x128xf32, #tpu.memory_space<hbm>>
      %dma_wait3A_48 = tpu.memref_squeeze %dma_wait3A_47 : memref<1x10112x128xf32, #tpu.memory_space<hbm>> -> memref<10112x128xf32, #tpu.memory_space<hbm>>
      %dma_wait3A_49 = arith.constant 0 : i32
      %dma_wait3A_50 = arith.constant 0 : i32
      %dma_wait3A_51 = tpu.memref_slice %dma_wait3A_48[%dma_wait3A_49, %dma_wait3A_50] : memref<10112x128xf32, #tpu.memory_space<hbm>> -> memref<10112x128xf32, #tpu.memory_space<hbm>>
      tpu.wait_indirect_dma semaphore(%arg14 : memref<!tpu.dma_semaphore, #tpu.memory_space<semaphore_mem>>) src(%dma_wait3A_51 : memref<10112x128xf32, #tpu.memory_space<hbm>>) dst(%arg11 : memref<128x128xf32, #tpu.memory_space<vmem>>)
      %ge3A = arith.constant 2 : i32
      %ge3A_52 = arith.cmpi sge, %add3A_45, %ge3A : i32
      %convert_element_type3A_53 = arith.extui %ge3A_52 : i1 to i32
      %cond3A_54 = arith.constant 0 : i32
      %cond3A_55 = arith.cmpi ne, %convert_element_type3A_53, %cond3A_54 : i32
      scf.if %cond3A_55 {
        %add3A_104 = arith.addi %select_n3A, %add3A_45 : i32
        %mul3A_105 = arith.constant 128 : i32
        %mul3A_106 = arith.muli %add3A_104, %mul3A_105 : i32
        %dma_wait3A_107 = tpu.memref_slice %arg4[%mul3A_106] : memref<346112xi32, #tpu.memory_space<hbm>> -> memref<128xi32, #tpu.memory_space<hbm>>
        %dma_wait3A_108 = tpu.memref_slice %arg4[%mul3A_106] : memref<346112xi32, #tpu.memory_space<hbm>> -> memref<128xi32, #tpu.memory_space<hbm>>
        tpu.wait_dma2 semaphore(%arg18 : memref<!tpu.dma_semaphore, #tpu.memory_space<semaphore_mem>>) src(%dma_wait3A_108 : memref<128xi32, #tpu.memory_space<hbm>>) dst(%arg9 : memref<128xi32, #tpu.memory_space<vmem>>)
      } else {
      }
      %dma_start3A = arith.constant 0 : i32
      %dma_start3A_56 = arith.constant 0 : i32
      %dma_start3A_57 = tpu.memref_slice %arg13[%dma_start3A, %dma_start3A_56] : memref<10112x128xf32, #tpu.memory_space<vmem_shared>> -> memref<10112x128xf32, #tpu.memory_space<vmem_shared>>
      tpu.enqueue_indirect_dma source(%arg11 : memref<128x128xf32, #tpu.memory_space<vmem>>) target(%dma_start3A_57 : memref<10112x128xf32, #tpu.memory_space<vmem_shared>>) offsets(%arg9 : memref<128xi32, #tpu.memory_space<vmem>>) semaphore(%arg20 : memref<!tpu.dma_semaphore, #tpu.memory_space<semaphore_mem>>) {add = true}
      %add3A_58 = arith.constant 2 : i32
      %add3A_59 = arith.addi %add3A_45, %add3A_58 : i32
      %lt3A = arith.cmpi slt, %add3A_59, %select_n3A_10 : i32
      %convert_element_type3A_60 = arith.extui %lt3A : i1 to i32
      %cond3A_61 = arith.constant 0 : i32
      %cond3A_62 = arith.cmpi ne, %convert_element_type3A_60, %cond3A_61 : i32
      scf.if %cond3A_62 {
        %add3A_104 = arith.constant 2 : i32
        %add3A_105 = arith.addi %add3A_45, %add3A_104 : i32
        %add3A_106 = arith.addi %select_n3A, %add3A_105 : i32
        %mul3A_107 = arith.constant 128 : i32
        %mul3A_108 = arith.muli %add3A_106, %mul3A_107 : i32
        %dma_start3A_109 = tpu.memref_slice %arg3[%mul3A_108] : memref<346112xi32, #tpu.memory_space<hbm>> -> memref<128xi32, #tpu.memory_space<hbm>>
        %dma_start3A_110 = tpu.memref_slice %arg3[%mul3A_108] : memref<346112xi32, #tpu.memory_space<hbm>> -> memref<128xi32, #tpu.memory_space<hbm>>
        tpu.enqueue_dma source(%dma_start3A_110 : memref<128xi32, #tpu.memory_space<hbm>>) target(%arg7 : memref<128xi32, #tpu.memory_space<vmem>>) target_semaphore(%arg16 : memref<!tpu.dma_semaphore, #tpu.memory_space<semaphore_mem>>)
      } else {
      }
      %dma_wait3A_63 = arith.constant 0 : i32
      %dma_wait3A_64 = arith.constant 0 : i32
      %dma_wait3A_65 = tpu.memref_slice %arg13[%dma_wait3A_63, %dma_wait3A_64] : memref<10112x128xf32, #tpu.memory_space<vmem_shared>> -> memref<10112x128xf32, #tpu.memory_space<vmem_shared>>
      tpu.wait_indirect_dma semaphore(%arg20 : memref<!tpu.dma_semaphore, #tpu.memory_space<semaphore_mem>>) src(%arg11 : memref<128x128xf32, #tpu.memory_space<vmem>>) dst(%dma_wait3A_65 : memref<10112x128xf32, #tpu.memory_space<vmem_shared>>)
      %add3A_66 = arith.constant 2 : i32
      %add3A_67 = arith.addi %add3A_45, %add3A_66 : i32
      %lt3A_68 = arith.cmpi slt, %add3A_67, %select_n3A_10 : i32
      %convert_element_type3A_69 = arith.extui %lt3A_68 : i1 to i32
      %cond3A_70 = arith.constant 0 : i32
      %cond3A_71 = arith.cmpi ne, %convert_element_type3A_69, %cond3A_70 : i32
      scf.if %cond3A_71 {
        %add3A_104 = arith.constant 2 : i32
        %add3A_105 = arith.addi %add3A_45, %add3A_104 : i32
        %add3A_106 = arith.addi %select_n3A, %add3A_105 : i32
        %mul3A_107 = arith.constant 128 : i32
        %mul3A_108 = arith.muli %add3A_106, %mul3A_107 : i32
        %dma_start3A_109 = tpu.memref_slice %arg4[%mul3A_108] : memref<346112xi32, #tpu.memory_space<hbm>> -> memref<128xi32, #tpu.memory_space<hbm>>
        %dma_start3A_110 = tpu.memref_slice %arg4[%mul3A_108] : memref<346112xi32, #tpu.memory_space<hbm>> -> memref<128xi32, #tpu.memory_space<hbm>>
        tpu.enqueue_dma source(%dma_start3A_110 : memref<128xi32, #tpu.memory_space<hbm>>) target(%arg9 : memref<128xi32, #tpu.memory_space<vmem>>) target_semaphore(%arg18 : memref<!tpu.dma_semaphore, #tpu.memory_space<semaphore_mem>>)
        %add3A_111 = arith.constant 2 : i32
        %add3A_112 = arith.addi %add3A_45, %add3A_111 : i32
        %add3A_113 = arith.addi %select_n3A, %add3A_112 : i32
        %mul3A_114 = arith.constant 128 : i32
        %mul3A_115 = arith.muli %add3A_113, %mul3A_114 : i32
        %dma_wait3A_116 = tpu.memref_slice %arg3[%mul3A_115] : memref<346112xi32, #tpu.memory_space<hbm>> -> memref<128xi32, #tpu.memory_space<hbm>>
        %dma_wait3A_117 = tpu.memref_slice %arg3[%mul3A_115] : memref<346112xi32, #tpu.memory_space<hbm>> -> memref<128xi32, #tpu.memory_space<hbm>>
        tpu.wait_dma2 semaphore(%arg16 : memref<!tpu.dma_semaphore, #tpu.memory_space<semaphore_mem>>) src(%dma_wait3A_117 : memref<128xi32, #tpu.memory_space<hbm>>) dst(%arg7 : memref<128xi32, #tpu.memory_space<vmem>>)
        %dma_start3A_118 = arith.constant 0 : i32
        %dma_start3A_119 = arith.constant 0 : i32
        %dma_start3A_120 = tpu.memref_slice %arg2[%arg0, %dma_start3A_118, %dma_start3A_119] : memref<2x10112x128xf32, #tpu.memory_space<hbm>> -> memref<1x10112x128xf32, #tpu.memory_space<hbm>>
        %dma_start3A_121 = tpu.memref_squeeze %dma_start3A_120 : memref<1x10112x128xf32, #tpu.memory_space<hbm>> -> memref<10112x128xf32, #tpu.memory_space<hbm>>
        %dma_start3A_122 = arith.constant 0 : i32
        %dma_start3A_123 = arith.constant 0 : i32
        %dma_start3A_124 = tpu.memref_slice %dma_start3A_121[%dma_start3A_122, %dma_start3A_123] : memref<10112x128xf32, #tpu.memory_space<hbm>> -> memref<10112x128xf32, #tpu.memory_space<hbm>>
        tpu.enqueue_indirect_dma source(%dma_start3A_124 : memref<10112x128xf32, #tpu.memory_space<hbm>>) target(%arg11 : memref<128x128xf32, #tpu.memory_space<vmem>>) offsets(%arg7 : memref<128xi32, #tpu.memory_space<vmem>>) semaphore(%arg14 : memref<!tpu.dma_semaphore, #tpu.memory_space<semaphore_mem>>)
      } else {
      }
      %add3A_72 = arith.constant 1 : i32
      %add3A_73 = arith.addi %mul3A_43, %add3A_72 : i32
      %dma_wait3A_74 = arith.constant 0 : i32
      %dma_wait3A_75 = arith.constant 0 : i32
      %dma_wait3A_76 = tpu.memref_slice %arg2[%arg0, %dma_wait3A_74, %dma_wait3A_75] : memref<2x10112x128xf32, #tpu.memory_space<hbm>> -> memref<1x10112x128xf32, #tpu.memory_space<hbm>>
      %dma_wait3A_77 = tpu.memref_squeeze %dma_wait3A_76 : memref<1x10112x128xf32, #tpu.memory_space<hbm>> -> memref<10112x128xf32, #tpu.memory_space<hbm>>
      %dma_wait3A_78 = arith.constant 0 : i32
      %dma_wait3A_79 = arith.constant 0 : i32
      %dma_wait3A_80 = tpu.memref_slice %dma_wait3A_77[%dma_wait3A_78, %dma_wait3A_79] : memref<10112x128xf32, #tpu.memory_space<hbm>> -> memref<10112x128xf32, #tpu.memory_space<hbm>>
      tpu.wait_indirect_dma semaphore(%arg15 : memref<!tpu.dma_semaphore, #tpu.memory_space<semaphore_mem>>) src(%dma_wait3A_80 : memref<10112x128xf32, #tpu.memory_space<hbm>>) dst(%arg12 : memref<128x128xf32, #tpu.memory_space<vmem>>)
      %ge3A_81 = arith.constant 2 : i32
      %ge3A_82 = arith.cmpi sge, %add3A_73, %ge3A_81 : i32
      %convert_element_type3A_83 = arith.extui %ge3A_82 : i1 to i32
      %cond3A_84 = arith.constant 0 : i32
      %cond3A_85 = arith.cmpi ne, %convert_element_type3A_83, %cond3A_84 : i32
      scf.if %cond3A_85 {
        %add3A_104 = arith.addi %select_n3A, %add3A_73 : i32
        %mul3A_105 = arith.constant 128 : i32
        %mul3A_106 = arith.muli %add3A_104, %mul3A_105 : i32
        %dma_wait3A_107 = tpu.memref_slice %arg4[%mul3A_106] : memref<346112xi32, #tpu.memory_space<hbm>> -> memref<128xi32, #tpu.memory_space<hbm>>
        %dma_wait3A_108 = tpu.memref_slice %arg4[%mul3A_106] : memref<346112xi32, #tpu.memory_space<hbm>> -> memref<128xi32, #tpu.memory_space<hbm>>
        tpu.wait_dma2 semaphore(%arg19 : memref<!tpu.dma_semaphore, #tpu.memory_space<semaphore_mem>>) src(%dma_wait3A_108 : memref<128xi32, #tpu.memory_space<hbm>>) dst(%arg10 : memref<128xi32, #tpu.memory_space<vmem>>)
      } else {
      }
      %dma_start3A_86 = arith.constant 0 : i32
      %dma_start3A_87 = arith.constant 0 : i32
      %dma_start3A_88 = tpu.memref_slice %arg13[%dma_start3A_86, %dma_start3A_87] : memref<10112x128xf32, #tpu.memory_space<vmem_shared>> -> memref<10112x128xf32, #tpu.memory_space<vmem_shared>>
      tpu.enqueue_indirect_dma source(%arg12 : memref<128x128xf32, #tpu.memory_space<vmem>>) target(%dma_start3A_88 : memref<10112x128xf32, #tpu.memory_space<vmem_shared>>) offsets(%arg10 : memref<128xi32, #tpu.memory_space<vmem>>) semaphore(%arg20 : memref<!tpu.dma_semaphore, #tpu.memory_space<semaphore_mem>>) {add = true}
      %add3A_89 = arith.constant 2 : i32
      %add3A_90 = arith.addi %add3A_73, %add3A_89 : i32
      %lt3A_91 = arith.cmpi slt, %add3A_90, %select_n3A_10 : i32
      %convert_element_type3A_92 = arith.extui %lt3A_91 : i1 to i32
      %cond3A_93 = arith.constant 0 : i32
      %cond3A_94 = arith.cmpi ne, %convert_element_type3A_92, %cond3A_93 : i32
      scf.if %cond3A_94 {
        %add3A_104 = arith.constant 2 : i32
        %add3A_105 = arith.addi %add3A_73, %add3A_104 : i32
        %add3A_106 = arith.addi %select_n3A, %add3A_105 : i32
        %mul3A_107 = arith.constant 128 : i32
        %mul3A_108 = arith.muli %add3A_106, %mul3A_107 : i32
        %dma_start3A_109 = tpu.memref_slice %arg3[%mul3A_108] : memref<346112xi32, #tpu.memory_space<hbm>> -> memref<128xi32, #tpu.memory_space<hbm>>
        %dma_start3A_110 = tpu.memref_slice %arg3[%mul3A_108] : memref<346112xi32, #tpu.memory_space<hbm>> -> memref<128xi32, #tpu.memory_space<hbm>>
        tpu.enqueue_dma source(%dma_start3A_110 : memref<128xi32, #tpu.memory_space<hbm>>) target(%arg8 : memref<128xi32, #tpu.memory_space<vmem>>) target_semaphore(%arg17 : memref<!tpu.dma_semaphore, #tpu.memory_space<semaphore_mem>>)
      } else {
      }
      %dma_wait3A_95 = arith.constant 0 : i32
      %dma_wait3A_96 = arith.constant 0 : i32
      %dma_wait3A_97 = tpu.memref_slice %arg13[%dma_wait3A_95, %dma_wait3A_96] : memref<10112x128xf32, #tpu.memory_space<vmem_shared>> -> memref<10112x128xf32, #tpu.memory_space<vmem_shared>>
      tpu.wait_indirect_dma semaphore(%arg20 : memref<!tpu.dma_semaphore, #tpu.memory_space<semaphore_mem>>) src(%arg12 : memref<128x128xf32, #tpu.memory_space<vmem>>) dst(%dma_wait3A_97 : memref<10112x128xf32, #tpu.memory_space<vmem_shared>>)
      %add3A_98 = arith.constant 2 : i32
      %add3A_99 = arith.addi %add3A_73, %add3A_98 : i32
      %lt3A_100 = arith.cmpi slt, %add3A_99, %select_n3A_10 : i32
      %convert_element_type3A_101 = arith.extui %lt3A_100 : i1 to i32
      %cond3A_102 = arith.constant 0 : i32
      %cond3A_103 = arith.cmpi ne, %convert_element_type3A_101, %cond3A_102 : i32
      scf.if %cond3A_103 {
        %add3A_104 = arith.constant 2 : i32
        %add3A_105 = arith.addi %add3A_73, %add3A_104 : i32
        %add3A_106 = arith.addi %select_n3A, %add3A_105 : i32
        %mul3A_107 = arith.constant 128 : i32
        %mul3A_108 = arith.muli %add3A_106, %mul3A_107 : i32
        %dma_start3A_109 = tpu.memref_slice %arg4[%mul3A_108] : memref<346112xi32, #tpu.memory_space<hbm>> -> memref<128xi32, #tpu.memory_space<hbm>>
        %dma_start3A_110 = tpu.memref_slice %arg4[%mul3A_108] : memref<346112xi32, #tpu.memory_space<hbm>> -> memref<128xi32, #tpu.memory_space<hbm>>
        tpu.enqueue_dma source(%dma_start3A_110 : memref<128xi32, #tpu.memory_space<hbm>>) target(%arg10 : memref<128xi32, #tpu.memory_space<vmem>>) target_semaphore(%arg19 : memref<!tpu.dma_semaphore, #tpu.memory_space<semaphore_mem>>)
        %add3A_111 = arith.constant 2 : i32
        %add3A_112 = arith.addi %add3A_73, %add3A_111 : i32
        %add3A_113 = arith.addi %select_n3A, %add3A_112 : i32
        %mul3A_114 = arith.constant 128 : i32
        %mul3A_115 = arith.muli %add3A_113, %mul3A_114 : i32
        %dma_wait3A_116 = tpu.memref_slice %arg3[%mul3A_115] : memref<346112xi32, #tpu.memory_space<hbm>> -> memref<128xi32, #tpu.memory_space<hbm>>
        %dma_wait3A_117 = tpu.memref_slice %arg3[%mul3A_115] : memref<346112xi32, #tpu.memory_space<hbm>> -> memref<128xi32, #tpu.memory_space<hbm>>
        tpu.wait_dma2 semaphore(%arg17 : memref<!tpu.dma_semaphore, #tpu.memory_space<semaphore_mem>>) src(%dma_wait3A_117 : memref<128xi32, #tpu.memory_space<hbm>>) dst(%arg8 : memref<128xi32, #tpu.memory_space<vmem>>)
        %dma_start3A_118 = arith.constant 0 : i32
        %dma_start3A_119 = arith.constant 0 : i32
        %dma_start3A_120 = tpu.memref_slice %arg2[%arg0, %dma_start3A_118, %dma_start3A_119] : memref<2x10112x128xf32, #tpu.memory_space<hbm>> -> memref<1x10112x128xf32, #tpu.memory_space<hbm>>
        %dma_start3A_121 = tpu.memref_squeeze %dma_start3A_120 : memref<1x10112x128xf32, #tpu.memory_space<hbm>> -> memref<10112x128xf32, #tpu.memory_space<hbm>>
        %dma_start3A_122 = arith.constant 0 : i32
        %dma_start3A_123 = arith.constant 0 : i32
        %dma_start3A_124 = tpu.memref_slice %dma_start3A_121[%dma_start3A_122, %dma_start3A_123] : memref<10112x128xf32, #tpu.memory_space<hbm>> -> memref<10112x128xf32, #tpu.memory_space<hbm>>
        tpu.enqueue_indirect_dma source(%dma_start3A_124 : memref<10112x128xf32, #tpu.memory_space<hbm>>) target(%arg12 : memref<128x128xf32, #tpu.memory_space<vmem>>) offsets(%arg8 : memref<128xi32, #tpu.memory_space<vmem>>) semaphore(%arg15 : memref<!tpu.dma_semaphore, #tpu.memory_space<semaphore_mem>>)
      } else {
      }
    }
    %barrier3A_40 = arith.constant 0 : index
    tpu.barrier barrier_id(%barrier3A_40)
    "tpu.region"() ({
      %run_scoped3A = tpu.sem_alloc : memref<!tpu.dma_semaphore, #tpu.memory_space<semaphore_mem>>
      %dma_start3A = arith.constant 0 : i32
      %dma_start3A_41 = tpu.memref_slice %arg6[%arg0, %mul3A_0, %dma_start3A] : memref<2x10112x128xf32, #tpu.memory_space<hbm>> -> memref<1x632x128xf32, #tpu.memory_space<hbm>>
      %dma_start3A_42 = tpu.memref_squeeze %dma_start3A_41 : memref<1x632x128xf32, #tpu.memory_space<hbm>> -> memref<632x128xf32, #tpu.memory_space<hbm>>
      %dma_start3A_43 = arith.constant 0 : i32
      %dma_start3A_44 = tpu.memref_slice %arg13[%mul3A_0, %dma_start3A_43] : memref<10112x128xf32, #tpu.memory_space<vmem_shared>> -> memref<632x128xf32, #tpu.memory_space<vmem_shared>>
      tpu.enqueue_dma source(%dma_start3A_44 : memref<632x128xf32, #tpu.memory_space<vmem_shared>>) target(%dma_start3A_42 : memref<632x128xf32, #tpu.memory_space<hbm>>) target_semaphore(%run_scoped3A : memref<!tpu.dma_semaphore, #tpu.memory_space<semaphore_mem>>)
      %dma_wait3A = arith.constant 0 : i32
      %dma_wait3A_45 = tpu.memref_slice %arg6[%arg0, %mul3A_0, %dma_wait3A] : memref<2x10112x128xf32, #tpu.memory_space<hbm>> -> memref<1x632x128xf32, #tpu.memory_space<hbm>>
      %dma_wait3A_46 = tpu.memref_squeeze %dma_wait3A_45 : memref<1x632x128xf32, #tpu.memory_space<hbm>> -> memref<632x128xf32, #tpu.memory_space<hbm>>
      %dma_wait3A_47 = arith.constant 0 : i32
      %dma_wait3A_48 = tpu.memref_slice %arg13[%mul3A_0, %dma_wait3A_47] : memref<10112x128xf32, #tpu.memory_space<vmem_shared>> -> memref<632x128xf32, #tpu.memory_space<vmem_shared>>
      tpu.wait_dma2 semaphore(%run_scoped3A : memref<!tpu.dma_semaphore, #tpu.memory_space<semaphore_mem>>) src(%dma_wait3A_48 : memref<632x128xf32, #tpu.memory_space<vmem_shared>>) dst(%dma_wait3A_46 : memref<632x128xf32, #tpu.memory_space<hbm>>)
      tpu.yield
    }) : () -> ()
    return
  }
}

module attributes {stable_mosaic.version = 14 : i64} {
  func.func @_tc1_body(%arg0: memref<2x10112x128xf32, #tpu.memory_space<vmem>>, %arg1: memref<10112x128xf32, #tpu.memory_space<vmem>>, %arg2: memref<128x128xf32, #tpu.memory_space<vmem>>, %arg3: memref<2x10112x128xf32, #tpu.memory_space<vmem>>, %arg4: memref<10112x1xf32, #tpu.memory_space<vmem>>) attributes {dimension_semantics = [], scalar_prefetch = 0 : i64, scratch_operands = 0 : i64, tpu.core_type = #tpu.core_type<tc>} {
    %get3A = arith.constant 0 : index
    %get3A_0 = arith.constant 0 : index
    %get3A_1 = arith.constant 0 : index
    %get3A_2 = vector.load %arg0[%get3A, %get3A_0, %get3A_1] : memref<2x10112x128xf32, #tpu.memory_space<vmem>>, vector<1x10112x1xf32>
    %get3A_3 = vector.shape_cast %get3A_2 : vector<1x10112x1xf32> to vector<10112x1xf32>
    %get3A_4 = arith.constant 1 : index
    %get3A_5 = arith.constant 0 : index
    %get3A_6 = arith.constant 0 : index
    %get3A_7 = vector.load %arg0[%get3A_4, %get3A_5, %get3A_6] : memref<2x10112x128xf32, #tpu.memory_space<vmem>>, vector<1x10112x1xf32>
    %get3A_8 = vector.shape_cast %get3A_7 : vector<1x10112x1xf32> to vector<10112x1xf32>
    %add3A = arith.addf %get3A_3, %get3A_8 : vector<10112x1xf32>
    %add3A_9 = arith.constant 1.000000e+00 : f32
    %add3A_10 = vector.broadcast %add3A_9 : f32 to vector<10112x1xf32>
    %add3A_11 = arith.addf %add3A, %add3A_10 : vector<10112x1xf32>
    %iota3A = tpu.iota {dimensions = array<i32: 0>} : vector<10112x1xi32>
    %lt3A = arith.constant 10000 : i32
    %lt3A_12 = vector.broadcast %lt3A : i32 to vector<10112x1xi32>
    %lt3A_13 = arith.cmpi slt, %iota3A, %lt3A_12 : vector<10112x1xi32>
    %rsqrt3A = math.rsqrt %add3A_11 : vector<10112x1xf32>
    %jit3A = arith.constant 0.000000e+00 : f32
    %broadcast_in_dim3A = vector.broadcast %jit3A : f32 to vector<10112x1xf32>
    %select_n3A = arith.select %lt3A_13, %rsqrt3A, %broadcast_in_dim3A : vector<10112x1xi1>, vector<10112x1xf32>
    %swap3A = arith.constant 0 : index
    %swap3A_14 = arith.constant 0 : index
    %swap3A_15 = vector.load %arg4[%swap3A, %swap3A_14] : memref<10112x1xf32, #tpu.memory_space<vmem>>, vector<10112x1xf32>
    tpu.vector_store %arg4[%swap3A, %swap3A_14], %select_n3A {strides = array<i32>} : memref<10112x1xf32, #tpu.memory_space<vmem>>, vector<10112x1xf32>,
    %get3A_16 = arith.constant 0 : index
    %get3A_17 = arith.constant 0 : index
    %get3A_18 = vector.load %arg1[%get3A_16, %get3A_17] : memref<10112x128xf32, #tpu.memory_space<vmem>>, vector<10112x128xf32>
    %get3A_19 = arith.constant 0 : index
    %get3A_20 = arith.constant 0 : index
    %get3A_21 = vector.load %arg2[%get3A_19, %get3A_20] : memref<128x128xf32, #tpu.memory_space<vmem>>, vector<128x128xf32>
    %dot_general3A = arith.constant dense<0.000000e+00> : vector<10112x128xf32>
    %dot_general3A_22 = tpu.matmul %get3A_18, %get3A_21, %dot_general3A {dimension_numbers = #tpu.dot_dimension_numbers<[1], [0], [0], [1], [0, 0, 1, 1], [], []>, transpose_lhs_hint = false} : vector<10112x128xf32>, vector<128x128xf32>, vector<10112x128xf32> -> vector<10112x128xf32>
    %mul3A = vector.broadcast %select_n3A : vector<10112x1xf32> to vector<10112x128xf32>
    %mul3A_23 = arith.mulf %dot_general3A_22, %mul3A : vector<10112x128xf32>
    %swap3A_24 = arith.constant 0 : index
    %swap3A_25 = arith.constant 0 : index
    %swap3A_26 = arith.constant 0 : index
    %swap3A_27 = vector.load %arg3[%swap3A_24, %swap3A_25, %swap3A_26] : memref<2x10112x128xf32, #tpu.memory_space<vmem>>, vector<1x10112x128xf32>
    %swap3A_28 = vector.shape_cast %swap3A_27 : vector<1x10112x128xf32> to vector<10112x128xf32>
    %swap3A_29 = vector.shape_cast %mul3A_23 : vector<10112x128xf32> to vector<1x10112x128xf32>
    tpu.vector_store %arg3[%swap3A_24, %swap3A_25, %swap3A_26], %swap3A_29 {strides = array<i32>} : memref<2x10112x128xf32, #tpu.memory_space<vmem>>, vector<1x10112x128xf32>,
    %swap3A_30 = arith.constant 1 : index
    %swap3A_31 = arith.constant 0 : index
    %swap3A_32 = arith.constant 0 : index
    %swap3A_33 = vector.load %arg3[%swap3A_30, %swap3A_31, %swap3A_32] : memref<2x10112x128xf32, #tpu.memory_space<vmem>>, vector<1x10112x128xf32>
    %swap3A_34 = vector.shape_cast %swap3A_33 : vector<1x10112x128xf32> to vector<10112x128xf32>
    %swap3A_35 = vector.shape_cast %mul3A_23 : vector<10112x128xf32> to vector<1x10112x128xf32>
    tpu.vector_store %arg3[%swap3A_30, %swap3A_31, %swap3A_32], %swap3A_35 {strides = array<i32>} : memref<2x10112x128xf32, #tpu.memory_space<vmem>>, vector<1x10112x128xf32>,
    return
  }
}

module attributes {stable_mosaic.version = 14 : i64} {
  func.func @_tc_mid_body(%arg0: memref<2x10112x128xf32, #tpu.memory_space<vmem>>, %arg1: memref<2x10112x128xf32, #tpu.memory_space<vmem>>, %arg2: memref<10112x1xf32, #tpu.memory_space<vmem>>, %arg3: memref<1x128xf32, #tpu.memory_space<vmem>>, %arg4: memref<128x128xf32, #tpu.memory_space<vmem>>, %arg5: memref<2x10112x128xf32, #tpu.memory_space<vmem>>) attributes {dimension_semantics = [], scalar_prefetch = 0 : i64, scratch_operands = 0 : i64, tpu.core_type = #tpu.core_type<tc>} {
    %get3A = arith.constant 0 : index
    %get3A_0 = arith.constant 0 : index
    %get3A_1 = vector.load %arg2[%get3A, %get3A_0] : memref<10112x1xf32, #tpu.memory_space<vmem>>, vector<10112x1xf32>
    %get3A_2 = arith.constant 0 : index
    %get3A_3 = arith.constant 0 : index
    %get3A_4 = arith.constant 0 : index
    %get3A_5 = vector.load %arg0[%get3A_2, %get3A_3, %get3A_4] : memref<2x10112x128xf32, #tpu.memory_space<vmem>>, vector<1x10112x128xf32>
    %get3A_6 = vector.shape_cast %get3A_5 : vector<1x10112x128xf32> to vector<10112x128xf32>
    %get3A_7 = arith.constant 1 : index
    %get3A_8 = arith.constant 0 : index
    %get3A_9 = arith.constant 0 : index
    %get3A_10 = vector.load %arg0[%get3A_7, %get3A_8, %get3A_9] : memref<2x10112x128xf32, #tpu.memory_space<vmem>>, vector<1x10112x128xf32>
    %get3A_11 = vector.shape_cast %get3A_10 : vector<1x10112x128xf32> to vector<10112x128xf32>
    %add3A = arith.addf %get3A_6, %get3A_11 : vector<10112x128xf32>
    %get3A_12 = arith.constant 0 : index
    %get3A_13 = arith.constant 0 : index
    %get3A_14 = arith.constant 0 : index
    %get3A_15 = vector.load %arg1[%get3A_12, %get3A_13, %get3A_14] : memref<2x10112x128xf32, #tpu.memory_space<vmem>>, vector<1x10112x128xf32>
    %get3A_16 = vector.shape_cast %get3A_15 : vector<1x10112x128xf32> to vector<10112x128xf32>
    %add3A_17 = arith.addf %add3A, %get3A_16 : vector<10112x128xf32>
    %mul3A = vector.broadcast %get3A_1 : vector<10112x1xf32> to vector<10112x128xf32>
    %mul3A_18 = arith.mulf %add3A_17, %mul3A : vector<10112x128xf32>
    %get3A_19 = arith.constant 0 : index
    %get3A_20 = arith.constant 0 : index
    %get3A_21 = vector.load %arg3[%get3A_19, %get3A_20] : memref<1x128xf32, #tpu.memory_space<vmem>>, vector<1x128xf32>
    %add3A_22 = vector.broadcast %get3A_21 : vector<1x128xf32> to vector<10112x128xf32>
    %add3A_23 = arith.addf %mul3A_18, %add3A_22 : vector<10112x128xf32>
    %max3A = arith.constant 0.000000e+00 : f32
    %max3A_24 = vector.broadcast %max3A : f32 to vector<10112x128xf32>
    %max3A_25 = arith.maximumf %add3A_23, %max3A_24 : vector<10112x128xf32>
    %get3A_26 = arith.constant 0 : index
    %get3A_27 = arith.constant 0 : index
    %get3A_28 = vector.load %arg4[%get3A_26, %get3A_27] : memref<128x128xf32, #tpu.memory_space<vmem>>, vector<128x128xf32>
    %dot_general3A = arith.constant dense<0.000000e+00> : vector<10112x128xf32>
    %dot_general3A_29 = tpu.matmul %max3A_25, %get3A_28, %dot_general3A {dimension_numbers = #tpu.dot_dimension_numbers<[1], [0], [0], [1], [0, 0, 1, 1], [], []>, transpose_lhs_hint = false} : vector<10112x128xf32>, vector<128x128xf32>, vector<10112x128xf32> -> vector<10112x128xf32>
    %mul3A_30 = vector.broadcast %get3A_1 : vector<10112x1xf32> to vector<10112x128xf32>
    %mul3A_31 = arith.mulf %dot_general3A_29, %mul3A_30 : vector<10112x128xf32>
    %swap3A = arith.constant 0 : index
    %swap3A_32 = arith.constant 0 : index
    %swap3A_33 = arith.constant 0 : index
    %swap3A_34 = vector.load %arg5[%swap3A, %swap3A_32, %swap3A_33] : memref<2x10112x128xf32, #tpu.memory_space<vmem>>, vector<1x10112x128xf32>
    %swap3A_35 = vector.shape_cast %swap3A_34 : vector<1x10112x128xf32> to vector<10112x128xf32>
    %swap3A_36 = vector.shape_cast %mul3A_31 : vector<10112x128xf32> to vector<1x10112x128xf32>
    tpu.vector_store %arg5[%swap3A, %swap3A_32, %swap3A_33], %swap3A_36 {strides = array<i32>} : memref<2x10112x128xf32, #tpu.memory_space<vmem>>, vector<1x10112x128xf32>,
    %swap3A_37 = arith.constant 1 : index
    %swap3A_38 = arith.constant 0 : index
    %swap3A_39 = arith.constant 0 : index
    %swap3A_40 = vector.load %arg5[%swap3A_37, %swap3A_38, %swap3A_39] : memref<2x10112x128xf32, #tpu.memory_space<vmem>>, vector<1x10112x128xf32>
    %swap3A_41 = vector.shape_cast %swap3A_40 : vector<1x10112x128xf32> to vector<10112x128xf32>
    %swap3A_42 = vector.shape_cast %mul3A_31 : vector<10112x128xf32> to vector<1x10112x128xf32>
    tpu.vector_store %arg5[%swap3A_37, %swap3A_38, %swap3A_39], %swap3A_42 {strides = array<i32>} : memref<2x10112x128xf32, #tpu.memory_space<vmem>>, vector<1x10112x128xf32>,
    return
  }
}

module attributes {stable_mosaic.version = 14 : i64} {
  func.func @_tc_final_body(%arg0: memref<2x10112x128xf32, #tpu.memory_space<vmem>>, %arg1: memref<2x10112x128xf32, #tpu.memory_space<vmem>>, %arg2: memref<10112x1xf32, #tpu.memory_space<vmem>>, %arg3: memref<1x128xf32, #tpu.memory_space<vmem>>, %arg4: memref<10112x1xi32, #tpu.memory_space<vmem>>, %arg5: memref<64x128xf32, #tpu.memory_space<vmem>>, %arg6: memref<64x1xf32, #tpu.memory_space<vmem>>, %arg7: memref<128x64xf32, #tpu.memory_space<vmem>>, %arg8: memref<128x1xf32, #tpu.memory_space<vmem>>, %arg9: memref<128x64xf32, #tpu.memory_space<vmem>>) attributes {dimension_semantics = [], scalar_prefetch = 0 : i64, scratch_operands = 0 : i64, tpu.core_type = #tpu.core_type<tc>} {
    %get3A = arith.constant 0 : index
    %get3A_0 = arith.constant 0 : index
    %get3A_1 = vector.load %arg2[%get3A, %get3A_0] : memref<10112x1xf32, #tpu.memory_space<vmem>>, vector<10112x1xf32>
    %get3A_2 = arith.constant 0 : index
    %get3A_3 = arith.constant 0 : index
    %get3A_4 = arith.constant 0 : index
    %get3A_5 = vector.load %arg0[%get3A_2, %get3A_3, %get3A_4] : memref<2x10112x128xf32, #tpu.memory_space<vmem>>, vector<1x10112x128xf32>
    %get3A_6 = vector.shape_cast %get3A_5 : vector<1x10112x128xf32> to vector<10112x128xf32>
    %get3A_7 = arith.constant 1 : index
    %get3A_8 = arith.constant 0 : index
    %get3A_9 = arith.constant 0 : index
    %get3A_10 = vector.load %arg0[%get3A_7, %get3A_8, %get3A_9] : memref<2x10112x128xf32, #tpu.memory_space<vmem>>, vector<1x10112x128xf32>
    %get3A_11 = vector.shape_cast %get3A_10 : vector<1x10112x128xf32> to vector<10112x128xf32>
    %add3A = arith.addf %get3A_6, %get3A_11 : vector<10112x128xf32>
    %get3A_12 = arith.constant 0 : index
    %get3A_13 = arith.constant 0 : index
    %get3A_14 = arith.constant 0 : index
    %get3A_15 = vector.load %arg1[%get3A_12, %get3A_13, %get3A_14] : memref<2x10112x128xf32, #tpu.memory_space<vmem>>, vector<1x10112x128xf32>
    %get3A_16 = vector.shape_cast %get3A_15 : vector<1x10112x128xf32> to vector<10112x128xf32>
    %add3A_17 = arith.addf %add3A, %get3A_16 : vector<10112x128xf32>
    %mul3A = vector.broadcast %get3A_1 : vector<10112x1xf32> to vector<10112x128xf32>
    %mul3A_18 = arith.mulf %add3A_17, %mul3A : vector<10112x128xf32>
    %get3A_19 = arith.constant 0 : index
    %get3A_20 = arith.constant 0 : index
    %get3A_21 = vector.load %arg3[%get3A_19, %get3A_20] : memref<1x128xf32, #tpu.memory_space<vmem>>, vector<1x128xf32>
    %add3A_22 = vector.broadcast %get3A_21 : vector<1x128xf32> to vector<10112x128xf32>
    %add3A_23 = arith.addf %mul3A_18, %add3A_22 : vector<10112x128xf32>
    %max3A = arith.constant 0.000000e+00 : f32
    %max3A_24 = vector.broadcast %max3A : f32 to vector<10112x128xf32>
    %max3A_25 = arith.maximumf %add3A_23, %max3A_24 : vector<10112x128xf32>
    %iota3A = tpu.iota {dimensions = array<i32: 1>} : vector<10112x64xi32>
    %get3A_26 = arith.constant 0 : index
    %get3A_27 = arith.constant 0 : index
    %get3A_28 = vector.load %arg4[%get3A_26, %get3A_27] : memref<10112x1xi32, #tpu.memory_space<vmem>>, vector<10112x1xi32>
    %eq3A = vector.broadcast %get3A_28 : vector<10112x1xi32> to vector<10112x64xi32>
    %eq3A_29 = arith.cmpi eq, %eq3A, %iota3A : vector<10112x64xi32>
    %convert_element_type3A = arith.extui %eq3A_29 : vector<10112x64xi1> to vector<10112x64xi32>
    %convert_element_type3A_30 = arith.sitofp %convert_element_type3A : vector<10112x64xi32> to vector<10112x64xf32>
    %dot_general3A = arith.constant dense<0.000000e+00> : vector<128x64xf32>
    %dot_general3A_31 = tpu.matmul %max3A_25, %convert_element_type3A_30, %dot_general3A {dimension_numbers = #tpu.dot_dimension_numbers<[0], [0], [1], [1], [0, 1, 1, 1], [], []>, transpose_lhs_hint = false} : vector<10112x128xf32>, vector<10112x64xf32>, vector<128x64xf32> -> vector<128x64xf32>
    %reduce_sum3A = arith.constant dense<0.000000e+00> : vector<64xf32>
    %reduce_sum3A_32 = vector.multi_reduction <add>, %convert_element_type3A_30, %reduce_sum3A [0] : vector<10112x64xf32> to vector<64xf32>
    %broadcast_in_dim3A = vector.shape_cast %reduce_sum3A_32 : vector<64xf32> to vector<1x64xf32>
    %max3A_33 = arith.constant 1.000000e+00 : f32
    %max3A_34 = vector.broadcast %max3A_33 : f32 to vector<1x64xf32>
    %max3A_35 = arith.maximumf %broadcast_in_dim3A, %max3A_34 : vector<1x64xf32>
    %div3A = vector.broadcast %max3A_35 : vector<1x64xf32> to vector<128x64xf32>
    %div3A_36 = arith.divf %dot_general3A_31, %div3A : vector<128x64xf32>
    %get3A_37 = arith.constant 0 : index
    %get3A_38 = arith.constant 0 : index
    %get3A_39 = vector.load %arg5[%get3A_37, %get3A_38] : memref<64x128xf32, #tpu.memory_space<vmem>>, vector<64x128xf32>
    %dot_general3A_40 = arith.constant dense<0.000000e+00> : vector<64x64xf32>
    %dot_general3A_41 = tpu.matmul %get3A_39, %div3A_36, %dot_general3A_40 {dimension_numbers = #tpu.dot_dimension_numbers<[1], [0], [0], [1], [0, 0, 1, 1], [], []>, transpose_lhs_hint = false} : vector<64x128xf32>, vector<128x64xf32>, vector<64x64xf32> -> vector<64x64xf32>
    %get3A_42 = arith.constant 0 : index
    %get3A_43 = arith.constant 0 : index
    %get3A_44 = vector.load %arg6[%get3A_42, %get3A_43] : memref<64x1xf32, #tpu.memory_space<vmem>>, vector<64x1xf32>
    %add3A_45 = vector.broadcast %get3A_44 : vector<64x1xf32> to vector<64x64xf32>
    %add3A_46 = arith.addf %dot_general3A_41, %add3A_45 : vector<64x64xf32>
    %max3A_47 = arith.constant 0.000000e+00 : f32
    %max3A_48 = vector.broadcast %max3A_47 : f32 to vector<64x64xf32>
    %max3A_49 = arith.maximumf %add3A_46, %max3A_48 : vector<64x64xf32>
    %get3A_50 = arith.constant 0 : index
    %get3A_51 = arith.constant 0 : index
    %get3A_52 = vector.load %arg7[%get3A_50, %get3A_51] : memref<128x64xf32, #tpu.memory_space<vmem>>, vector<128x64xf32>
    %dot_general3A_53 = arith.constant dense<0.000000e+00> : vector<128x64xf32>
    %dot_general3A_54 = tpu.matmul %get3A_52, %max3A_49, %dot_general3A_53 {dimension_numbers = #tpu.dot_dimension_numbers<[1], [0], [0], [1], [0, 0, 1, 1], [], []>, transpose_lhs_hint = false} : vector<128x64xf32>, vector<64x64xf32>, vector<128x64xf32> -> vector<128x64xf32>
    %get3A_55 = arith.constant 0 : index
    %get3A_56 = arith.constant 0 : index
    %get3A_57 = vector.load %arg8[%get3A_55, %get3A_56] : memref<128x1xf32, #tpu.memory_space<vmem>>, vector<128x1xf32>
    %add3A_58 = vector.broadcast %get3A_57 : vector<128x1xf32> to vector<128x64xf32>
    %add3A_59 = arith.addf %dot_general3A_54, %add3A_58 : vector<128x64xf32>
    %swap3A = arith.constant 0 : index
    %swap3A_60 = arith.constant 0 : index
    %swap3A_61 = vector.load %arg9[%swap3A, %swap3A_60] : memref<128x64xf32, #tpu.memory_space<vmem>>, vector<128x64xf32>
    tpu.vector_store %arg9[%swap3A, %swap3A_60], %add3A_59 {strides = array<i32>} : memref<128x64xf32, #tpu.memory_space<vmem>>, vector<128x64xf32>,
    return
  }
}

</mosaic_0001>

<sc_bundles>
// kernel: kernel.10.cloned.1.call-start
scs
__scs_entry_jumppad:
0x0: {  	(pc) =	sbr.rel $0x88, $3  }
0x1: {  	(tag) =	ssettag $0x0;
	lr =	simm.s32 $0x1  }
0x2: {  	[smem:$0x3F94] =	sst lr;
	_ =	strace $0xD0000000  }
0x3: {  	_ = 	snop  }
0x4: {  	_ = 	snop  }
0x5: {  	_ = 	snop  }
0x6: {  	_ = 	snop  }
0x7: {  	_ = 	snop  }
__scs_overlays_trampoline_lowered:
0x8: {  	[smem:$0x3FA3] =	sst s0  }
0x9: {  	[smem:$0x3FA4] =	sst s1  }
0xa: {  	[smem:$0x3FA5] =	sst s2  }
0xb: {  	[smem:$0x3FA6] =	sst s3  }
0xc: {  	[smem:$0x3FA7] =	sst s4  }
0xd: {  	[smem:$0x3FA8] =	sst s5  }
0xe: {  	[smem:$0x3FA9] =	sst s6  }
0xf: {  	[smem:$0x3FAA] =	sst s7  }
0x10: {  	[smem:$0x3FAB] =	sst s8  }
0x11: {  	[smem:$0x3FAC] =	sst s9;
	s0 =	simm.s32 @!p0 $0x0  }
0x12: {  	s1 =	sld [smem:$0x3F92];
	s0 =	simm.s32 @p0 $0x1  }
0x13: {  	[smem:$0x3FAD] =	sst s0;
	s0 =	simm.s32 @!p1 $0x0  }
0x14: {  	s2 =	sld [smem:$0x3F91];
	s0 =	simm.s32 @p1 $0x1  }
0x15: {  	[smem:$0x3FAE] =	sst s0;
	s0 =	simm.s32 @!p2 $0x0  }
0x16: {  	s3 =	sld [smem:$0x3FDB];
	s0 =	simm.s32 @p2 $0x1  }
0x17: {  	s4 =	simm.s32 $0x1BF5;
	[smem:$0x3FB0] =	sst s0  }
0x18: {  	s0 =	sld [smem:$0x3F93];
	_ =	swait.ge [sflag:s4], $0x0  }
0x19: {  	s7 =	sld [smem:$0x3F94]  }
0x1a: {  	s8 =	sadd.s32 $0xFFFFE003, lr  }
0x1b: {  	s9 =	sadd.s32 $0xFFFFFEF7, lr;
	s5 =	simm.s32 $0xFFFFFFFF;
	p2 =	slt.u32 s8, $0xFFFFF086  }
0x1c: {  	p1 =	slt.u32 s9, $0xF7A;
	s5 =	simm.s32 @!p2 $0x0  }
0x1d: {  	s5 =	simm.s32 @p1 $0x1;
	p0 =	seq.s32 s7, s2  }
0x1e: {  	s7 =	smul.u32 @!p0 $0xF7A, s2;
	p2 =	seq.s32 @!p0 s5, $0x0  }
0x1f: {  	s9 =	smul.u32 $0xF7A, s1;
	s8 =	simm.s32 @!p0 $0x1BF5;
	p2 =	por !p2, p0  }
0x20: {  	[sflag:s8] =	ssyncset.s32 @!p0 $0xFFFFF086;
	s6 =	sadd.s32 @!p0 s3, s7;
	s7 =	simm.s32 @!p0 $0x108  }
0x21: {  	s3 =	sadd.s32 s3, s9;
	s6 =	sadd.s32 @!p0 $0x88, s6;
	s7 =	simm.s32 @p2 $0x1082  }
0x22: {  	[simem:s7], [sflag:s8] =	dma.local @!p0 [hbm:s6], $0xF7A  }
0x23: {  	s9 =	sor.u32 $0xD0000000, s2;
	s6 =	simm.s32 $0x108;
	_ =	swait.ge @!p0 [sflag:s8], $0x0  }
0x24: {  	s3 =	sadd.s32 $0x88, s3;
	s6 =	simm.s32 @!p1 $0x1082;
	[sflag:s4] =	ssyncset.s32 $0xFFFFF086  }
0x25: {  	[simem:s6], [sflag:s4] =	dma.local [hbm:s3], $0xF7A  }
0x26: {  	[smem:$0x3F94] =	sst s1;
	(tag) =	ssettag s2;
	_ =	strace s9  }
0x27: {  	s1 =	sld [smem:$0x3FA4]  }
0x28: {  	s2 =	sld [smem:$0x3FA5]  }
0x29: {  	s4 =	sld [smem:$0x3FA7]  }
0x2a: {  	p0 =	seq.s32 s5, $0x0;
	s5 =	sld [smem:$0x3FA8]  }
0x2b: {  	s6 =	sld [smem:$0x3FA9]  }
0x2c: {  	s7 =	sld [smem:$0x3FAA]  }
0x2d: {  	s3 =	simm.s32 $0x108;
	s8 =	sld [smem:$0x3FAB]  }
0x2e: {  	s3 =	simm.s32 @!p0 $0x1082;
	s9 =	sld [smem:$0x3FAC]  }
0x2f: {  	lr =	sadd.s32 s0, s3;
	s0 =	sld [smem:$0x3FA3]  }
0x30: {  	s3 =	sld [smem:$0x3FA6]  }
0x31: {  	[smem:$0x3FAF] =	sst s10  }
0x32: {  	s10 =	sld [smem:$0x3FAD];
	_ =	sdelay $0x3  }
0x33: {  	p0 =	seq.s32 s10, $0x1;
	s10 =	sld [smem:$0x3FAF];
	_ =	sdelay $0x3  }
0x34: {  	[smem:$0x3FAF] =	sst s10  }
0x35: {  	s10 =	sld [smem:$0x3FAE];
	_ =	sdelay $0x3  }
0x36: {  	p1 =	seq.s32 s10, $0x1;
	s10 =	sld [smem:$0x3FAF];
	_ =	sdelay $0x3  }
0x37: {  	[smem:$0x3FAF] =	sst s10  }
0x38: {  	s10 =	sld [smem:$0x3FB0]  }
0x39: {  	_ = 	snop;
	(pc) =	sbr.ind lr, $3  }
0x3a: {  	_ = 	snop  }
0x3b: {  	_ = 	snop  }
0x3c: {  	p2 =	seq.s32 s10, $0x1;
	s10 =	sld [smem:$0x3FAF]  }
0x3d: {  	_ =	shalt  }
0x3e: {  	_ =	shalt  }
0x3f: {  	_ =	shalt  }
0x40: {  	_ =	shalt  }
0x41: {  	_ =	shalt  }
0x42: {  	_ =	shalt  }
0x43: {  	_ =	shalt  }
0x44: {  	_ =	shalt  }
0x45: {  	_ =	shalt  }
0x46: {  	_ =	shalt  }
0x47: {  	_ =	shalt  }
0x48: {  	_ =	shalt  }
0x49: {  	_ =	shalt  }
0x4a: {  	_ =	shalt  }
0x4b: {  	_ =	shalt  }
0x4c: {  	_ =	shalt  }
0x4d: {  	_ =	shalt  }
0x4e: {  	_ =	shalt  }
0x4f: {  	_ =	shalt  }
0x50: {  	_ =	shalt  }
0x51: {  	_ =	shalt  }
0x52: {  	_ =	shalt  }
0x53: {  	_ =	shalt  }
0x54: {  	_ =	shalt  }
0x55: {  	_ =	shalt  }
0x56: {  	_ =	shalt  }
0x57: {  	_ =	shalt  }
0x58: {  	_ =	shalt  }
0x59: {  	_ =	shalt  }
0x5a: {  	_ =	shalt  }
0x5b: {  	_ =	shalt  }
0x5c: {  	_ =	shalt  }
0x5d: {  	_ =	shalt  }
0x5e: {  	_ =	shalt  }
0x5f: {  	_ =	shalt  }
0x60: {  	_ =	shalt  }
0x61: {  	_ =	shalt  }
0x62: {  	_ =	shalt  }
0x63: {  	_ =	shalt  }
0x64: {  	_ =	shalt  }
0x65: {  	_ =	shalt  }
0x66: {  	_ =	shalt  }
0x67: {  	_ =	shalt  }
0x68: {  	_ =	shalt  }
0x69: {  	_ =	shalt  }
0x6a: {  	_ =	shalt  }
0x6b: {  	_ =	shalt  }
0x6c: {  	_ =	shalt  }
0x6d: {  	_ =	shalt  }
0x6e: {  	_ =	shalt  }
0x6f: {  	_ =	shalt  }
0x70: {  	_ =	shalt  }
0x71: {  	_ =	shalt  }
0x72: {  	_ =	shalt  }
0x73: {  	_ =	shalt  }
0x74: {  	_ =	shalt  }
0x75: {  	_ =	shalt  }
0x76: {  	_ =	shalt  }
0x77: {  	_ =	shalt  }
0x78: {  	_ =	shalt  }
0x79: {  	_ =	shalt  }
0x7a: {  	_ =	shalt  }
0x7b: {  	_ =	shalt  }
0x7c: {  	_ =	shalt  }
0x7d: {  	_ =	shalt  }
0x7e: {  	_ =	shalt  }
0x7f: {  	_ =	shalt  }
0x80: {  	_ =	shalt  }
0x81: {  	_ =	shalt  }
0x82: {  	_ =	shalt  }
0x83: {  	_ =	shalt  }
0x84: {  	_ =	shalt  }
0x85: {  	_ =	shalt  }
0x86: {  	_ =	shalt  }
0x87: {  	_ =	shalt  }
.Lfunc_end0:
.L_simem_size_0:
called_computation_lowered:
.L_overlay_start_0:
0x88: {  	s2 =	sld [smem:$0x3FD9]  }
0x89: {  	s3 =	sld [smem:$0x3FFE];
	_ =	sdelay $0x1  }
0x8a: {  	s1 =	srdreg.scid  }
0x8b: {  	s0 =	sand.u32 $0x1, s1  }
0x8c: {  	s16 =	sshll.u32 s0, $0xA;
	s2 =	sadd.s32 s3, s2  }
0x8d: {  	s2 =	sadd.s32 s2, s16  }
0x8e: {  	[smem:$0x3FBB] =	sst s2  }
0x8f: {  	_ = 	snop  }
0x90: {  	(tm) =	ssettm $0x1  }
0x91: {  	s17 =	sld [smem:$0x3FFB];
	_ =	sdelay $0x3  }
0x92: {  	_ =	strace s17  }
0x93: {  	s2 =	sld [smem:$0x3FFC];
	_ =	sdelay $0x3  }
0x94: {  	_ =	strace s2  }
0x95: {  	s2 =	sld [smem:$0x3FFD];
	_ =	sdelay $0x3  }
0x96: {  	_ =	strace s2  }
0x97: {  	_ =	strace $0x8FFFFFFF  }
0x98: {  	s18 =	sld [smem:$0x3FDB];
	_ =	sdelay $0x1  }
0x99: {  	s19 =	simm.s32 $_scs_section_size  }
0x9a: {  	s4 =	simm.s32 $_size__tile_overlayer_lowered;
	s5 =	simm.s32 $_tile_overlayer_lowered  }
0x9b: {  	s22 =	simm.s32 $0x1BFF;
	s21 =	sshll.u32 s5, $0x1;
	s2 =	sadd.s32 s19, s18  }
0x9c: {  	s6 =	simm.s32 $0x0;
	s20 =	sshll.u32 s4, $0x1;
	s4 =	sadd.s32 s21, s2  }
0x9d: {  	[timem:s6], [sflag:s22] =	dma.local [hbm:s4], s20  }
0x9e: {  	_ =	swait.ge [sflag:s22], s20  }
0x9f: {  	s3 =	ssub.s32 $0x0, s20;
	[sflag:s22] =	ssyncset.done $0x0  }
0xa0: {  	[sflag:s22] =	ssyncadd.s32 s3;
	_ =	sdelay $0x1  }
0xa1: {  	s23 =	simm.s32 $0x1B8B  }
0xa2: {  	_ =	swait.ge [sflag:s23], $0x1  }
0xa3: {  	[sflag:s23] =	ssyncset.done $0x0  }
0xa4: {  	s25 =	simm.s32 $0x1B8E;
	s24 =	sld [smem:$0x3FFE];
	[sflag:s23] =	ssyncadd.s32 $0xFFFFFFFF  }
0xa5: {  	s26 =	simm.s32 $execute0_lowered;
	[smem:$0x3FD2] =	sst s25  }
0xa6: {  	s4 =	sshll.u32 s26, $0x1;
	_ =	strace $0x80000046;
	[dreg:$0x1] =	wrdreg $0xFFFFFFFF  }
0xa7: {  	s28 =	simm.s32 $_size_execute0_lowered;
	s2 =	sadd.s32 s2, s4;
	[dreg:$0x0] =	wrdreg $0x0  }
0xa8: {  	s4 =	sshll.u32 s28, $0x1;
	[dreg:$0x2] =	wrdreg s2  }
0xa9: {  	[dreg:$0x3] =	wrdreg s4  }
0xaa: {  	[dreg:$0x4] =	wrdreg $0xC0  }
0xab: {  	_ =	task [dreg:s6], $0x5FFFF  }
0xac: {  	[dreg:$0x1] =	wrdreg $0xFFFFFFFF  }
0xad: {  	[dreg:$0x0] =	wrdreg $0x60  }
0xae: {  	[dreg:$0x2] =	wrdreg s24  }
0xaf: {  	[dreg:$0x3] =	wrdreg $0x68000  }
0xb0: {  	[dreg:$0x4] =	wrdreg $0x9  }
0xb1: {  	_ =	task.clear_ibuf [dreg:s6], $0x5FFFF;
	_ =	strace $0x90000046  }
0xb2: {  	s29 =	simm.s32 $0x9;
	_ =	strace $0x80000048  }
0xb3: {  	_ =	swait.ge [sflag:s29], $0x1  }
0xb4: {  	[sflag:s29] =	ssyncadd.s32 $0xFFFFFFFF  }
0xb5: {  	_ =	strace $0x90000048  }
0xb6: {  	_ =	sfence  }
0xb7: {  	s30 =	sld [smem:$0x0];
	_ =	sdelay $0x2  }
0xb8: {  	s31 =	sshll.u32 s1, $0xD;
	s1 =	sshrl.u32 s1, $0x2  }
0xb9: {  	s3 =	sand.u32 $0x4000, s31;
	s1 =	sadd.s32 s1, s30  }
0xba: {  	s0 =	sor.u32 s3, s0;
	s1 =	sshll.u32 s1, $0x11  }
0xbb: {  	s0 =	sor.u32 s1, s0  }
0xbc: {  	s0 =	sadd.s32 $0x8F2B, s0  }
0xbd: {  	[sflag:s0] =	ssyncadd.remote.s32 $0x1  }
0xbe: {  	_ =	sfence.sel $0xFFFF  }
0xbf: {  	[dreg:$0x0] =	wrdreg $0xFFFFFFFF;
	(pc) =	sbr.abs _section_cstart, $3  }
0xc0: {  	[dreg:$0x1] =	wrdreg $0xFFFFFFFF  }
0xc1: {  	_ =	task.clear_ibuf [dreg:s6], $0x2FFFF;
	_ =	strace $0x9FFFFFFF  }
0xc2: {  	(tm) =	ssettm $0x7FFFFFFF  }
0xc3: {  	_ =	shalt  }
tec
execute0_lowered:
.L_overlay_start_1:
0x0: {  	(tag) =	ssettag $0x1  }
0x1: {  	s0 =	srdreg.scid;
	s6 =	rddreg [dreg:$0x0]  }
0x2: {  	s2 =	rddreg [dreg:$0x1];
	s5 =	sand.u32 $0x1, s0;
	s0 =	stileid.u32  }
0x3: {  	s3 =	simm.s32 $0x0;
	s14 =	simm.s32 $0x0;
	s7 =	smul.u32 $0x13C00, s0  }
0x4: {  	[smem:$0x7FF] =	sst s3;
	s1 =	sshll.u32 s5, $0x4;
	s8 =	smul.u32 $0x13C000, s5  }
0x5: {  	s5 =	ssub.s32 $0x2, s5;
	s29 =	smul.u32 $0x4F000, s0;
	s31 =	sshll.u32 s0, $0x6  }
0x6: {  	s4 =	sor.u32 s0, s1;
	s1 =	rddreg [dreg:$0x2];
	_ =	strace $0x80000047  }
0x7: {  	s11 =	sshrl.u32 s5, $0x1;
	s4 =	smul.u32 $0x500, s4;
	s10 =	sshrl.u32 s7, $0x3  }
0x8: {  	s7 =	sadd.s32 s7, s8;
	s11 =	ssub.s32 s5, s11;
	s30 =	sshrl.u32 s29, $0x2  }
0x9: {  	s10 =	sadd.s32 s10, s6;
	s7 =	sshrl.u32 s7, $0x3;
	s13 =	sadd.s32 s30, s2  }
0xa: {  	s9 =	sadd.s32 s4, s6;
	s4 =	sadd.s32 $0x34800, s6;
	s12 =	sadd.s32 s7, s6  }
0xb: {  	s5 =	sadd.s32 $0xD000, s10;
	s6 =	sor.u32 $0x1C01, s31;
	s10 =	sshrl.u32 s13, $0x3  }
0xc: {  	s13 =	simm.s32 $0x80;
	s7 =	sadd.s32 $0x3000, s9;
	s8 =	sadd.s32 $0x35000, s12  }
0xd: {  	s9 =	smax.u32 s11, $0x1;
	s11 =	simm.s32 $0x1;
	s12 =	simm.s32 $0x2800  }
.LBB2_1:
0xe: {  	[spmem:s10], [sflag:s6] =	dma.local [hbm:s5], $0x2780  }
0xf: {  	_ =	swait.ge [sflag:s11], $0x2780  }
0x10: {  	[sflag:s11] =	ssyncset.done $0x0  }
0x11: {  	[sflag:s11] =	ssyncadd.s32 $0xFFFFD880  }
0x12: {  	[tilespmem:s12], [sflag:$0x1] =	stream.linear.gather [hbm4b:s4+s3], $0x4000, $0x38;
	[tilespmem:$0x1A400] =	vst v63  }
0x13: {  	_ =	swait.ge [sflag:s11], $0x4000  }
0x14: {  	[sflag:s11] =	ssyncset.done $0x0  }
0x15: {  	[sflag:s11] =	ssyncadd.s32 $0xFFFFC000  }
0x16: {  	[tilespmem:s3], [sflag:$0x1] =	stream.linear.gather [hbm4b:s7+s3], $0x2780, $0x38;
	[tilespmem:$0x1A400] =	vst v63  }
0x17: {  	_ =	swait.ge [sflag:s11], $0x2780  }
0x18: {  	[sflag:s11] =	ssyncset.done $0x0  }
0x19: {  	[sflag:s11] =	ssyncadd.s32 $0xFFFFD880  }
0x1a: {  	s15 =	simm.s32 $0x0;
	[bflag:$0x0] =	sbarrier.arrive $0xFFFF  }
0x1b: {  	[spmem:s2] =	stream.indirect.scatter.add.f32 [tilespmem:s12], [sflag:$0x1], $0x80, s15, s13, $0xb8;
	[tilespmem:$0x1A400] =	vst v63  }
0x1c: {  	_ =	swait.ge [sflag:s11], $0x4000  }
0x1d: {  	s15 =	simm.s32 $0x200;
	[sflag:s11] =	ssyncset.done $0x0  }
.LBB2_2:
0x1e: {  	s16 =	sshra.s32 s15, $0x2;
	[sflag:s11] =	ssyncadd.s32 $0xFFFFC000;
	p0 =	sne.s32 s15, $0x9C00  }
0x1f: {  	[spmem:s2] =	stream.indirect.scatter.add.f32 [tilespmem:s12], [sflag:$0x1], $0x80, s16, s13, $0xb8;
	[tilespmem:$0x1A400] =	vst v63  }
.Ltmp0:
0x20: {  	_ = 	snop;
	(pc) =	sbr.rel @p0 .LBB2_2-.Ltmp0, $4  }
0x21: {  	_ = 	snop  }
0x22: {  	s15 =	sadd.s32 $0x200, s15  }
0x23: {  	_ =	swait.ge [sflag:s11], $0x4000  }
0x24: {  	[sflag:s11] =	ssyncset.done $0x0  }
0x25: {  	s14 =	sadd.s32 $0x1, s14  }
0x26: {  	[sflag:s11] =	ssyncadd.s32 $0xFFFFC000;
	p0 =	sne.s32 s14, s9  }
.Ltmp1:
0x27: {  	[bflag:$0x0] =	sbarrier.arrive $0xFFFF;
	(pc) =	sbr.rel @p0 .LBB2_1-.Ltmp1, $4  }
0x28: {  	[hbm:s8], [sflag:s6] =	dma.local [spmem:s10], $0x2780  }
0x29: {  	_ =	swait.ge [sflag:s11], $0x2780  }
0x2a: {  	[sflag:s11] =	ssyncset.done $0x0  }
0x2b: {  	[sflag:s11] =	ssyncadd.s32 $0xFFFFD880  }
0x2c: {  	_ =	sfence.sel $0x180000  }
0x2d: {  	[bflag:$0x0] =	sbarrier.arrive $0xFFFF  }
0x2e: {  	p0 =	sne.s32 s0, $0x0;
	_ =	strace $0x90000047  }
0x2f: {  	s0 =	sadd.s32 @!p0 $0x100000, s1;
	[bflag:$0x2] =	sbarrier.arrive $0xFFFF  }
0x30: {  	[sflag:s0] =	ssyncadd.tile.s32 @!p0 $0x1;
	_ =	shalt  }
.Lfunc_end2:
_tile_overlayer_lowered:
.L_overlay_start_2:
0x31: {  	(tag) =	ssettag $0x2  }
0x32: {  	s0 =	rddreg [dreg:$0x0];
	s2 =	stileid.u32  }
0x33: {  	s1 =	rddreg [dreg:$0x1];
	p0 =	sne.s32 s2, $0x0  }
0x34: {  	s3 =	rddreg [dreg:$0x2];
	[bflag:$0x3] =	sbarrier.arrive $0xFFFF;
	s2 =	simm.s32 @!p0 $0x1C01  }
0x35: {  	[timem:s3], [sflag:s2] =	dma.local @!p0 [hbm:s0], s1  }
0x36: {  	s0 =	simm.s32 @!p0 $0x1  }
0x37: {  	_ =	swait.ge @!p0 [sflag:s0], s1  }
0x38: {  	s1 =	ssub.s32 @!p0 $0x0, s1;
	[sflag:s0] =	ssyncset.done @!p0 $0x0  }
0x39: {  	[sflag:s0] =	ssyncadd.s32 @!p0 s1  }
0x3a: {  	[bflag:$0x3] =	sbarrier.arrive $0xFFFF  }
0x3b: {  	_ =	shalt  }

// kernel: kernel.13.cloned.1.call-start
scs
__scs_entry_jumppad:
0x0: {  	(pc) =	sbr.rel $0x88, $3  }
0x1: {  	(tag) =	ssettag $0x0;
	lr =	simm.s32 $0x1  }
0x2: {  	[smem:$0x3F94] =	sst lr;
	_ =	strace $0xD0000000  }
0x3: {  	_ = 	snop  }
0x4: {  	_ = 	snop  }
0x5: {  	_ = 	snop  }
0x6: {  	_ = 	snop  }
0x7: {  	_ = 	snop  }
__scs_overlays_trampoline_lowered:
0x8: {  	[smem:$0x3FA3] =	sst s0  }
0x9: {  	[smem:$0x3FA4] =	sst s1  }
0xa: {  	[smem:$0x3FA5] =	sst s2  }
0xb: {  	[smem:$0x3FA6] =	sst s3  }
0xc: {  	[smem:$0x3FA7] =	sst s4  }
0xd: {  	[smem:$0x3FA8] =	sst s5  }
0xe: {  	[smem:$0x3FA9] =	sst s6  }
0xf: {  	[smem:$0x3FAA] =	sst s7  }
0x10: {  	[smem:$0x3FAB] =	sst s8  }
0x11: {  	[smem:$0x3FAC] =	sst s9;
	s0 =	simm.s32 @!p0 $0x0  }
0x12: {  	s1 =	sld [smem:$0x3F92];
	s0 =	simm.s32 @p0 $0x1  }
0x13: {  	[smem:$0x3FAD] =	sst s0;
	s0 =	simm.s32 @!p1 $0x0  }
0x14: {  	s2 =	sld [smem:$0x3F91];
	s0 =	simm.s32 @p1 $0x1  }
0x15: {  	[smem:$0x3FAE] =	sst s0;
	s0 =	simm.s32 @!p2 $0x0  }
0x16: {  	s3 =	sld [smem:$0x3FDB];
	s0 =	simm.s32 @p2 $0x1  }
0x17: {  	s4 =	simm.s32 $0x1BF5;
	[smem:$0x3FB0] =	sst s0  }
0x18: {  	s0 =	sld [smem:$0x3F93];
	_ =	swait.ge [sflag:s4], $0x0  }
0x19: {  	s7 =	sld [smem:$0x3F94]  }
0x1a: {  	s8 =	sadd.s32 $0xFFFFE003, lr  }
0x1b: {  	s9 =	sadd.s32 $0xFFFFFEF7, lr;
	s5 =	simm.s32 $0xFFFFFFFF;
	p2 =	slt.u32 s8, $0xFFFFF086  }
0x1c: {  	p1 =	slt.u32 s9, $0xF7A;
	s5 =	simm.s32 @!p2 $0x0  }
0x1d: {  	s5 =	simm.s32 @p1 $0x1;
	p0 =	seq.s32 s7, s2  }
0x1e: {  	s7 =	smul.u32 @!p0 $0xF7A, s2;
	p2 =	seq.s32 @!p0 s5, $0x0  }
0x1f: {  	s9 =	smul.u32 $0xF7A, s1;
	s8 =	simm.s32 @!p0 $0x1BF5;
	p2 =	por !p2, p0  }
0x20: {  	[sflag:s8] =	ssyncset.s32 @!p0 $0xFFFFF086;
	s6 =	sadd.s32 @!p0 s3, s7;
	s7 =	simm.s32 @!p0 $0x108  }
0x21: {  	s3 =	sadd.s32 s3, s9;
	s6 =	sadd.s32 @!p0 $0x88, s6;
	s7 =	simm.s32 @p2 $0x1082  }
0x22: {  	[simem:s7], [sflag:s8] =	dma.local @!p0 [hbm:s6], $0xF7A  }
0x23: {  	s9 =	sor.u32 $0xD0000000, s2;
	s6 =	simm.s32 $0x108;
	_ =	swait.ge @!p0 [sflag:s8], $0x0  }
0x24: {  	s3 =	sadd.s32 $0x88, s3;
	s6 =	simm.s32 @!p1 $0x1082;
	[sflag:s4] =	ssyncset.s32 $0xFFFFF086  }
0x25: {  	[simem:s6], [sflag:s4] =	dma.local [hbm:s3], $0xF7A  }
0x26: {  	[smem:$0x3F94] =	sst s1;
	(tag) =	ssettag s2;
	_ =	strace s9  }
0x27: {  	s1 =	sld [smem:$0x3FA4]  }
0x28: {  	s2 =	sld [smem:$0x3FA5]  }
0x29: {  	s4 =	sld [smem:$0x3FA7]  }
0x2a: {  	p0 =	seq.s32 s5, $0x0;
	s5 =	sld [smem:$0x3FA8]  }
0x2b: {  	s6 =	sld [smem:$0x3FA9]  }
0x2c: {  	s7 =	sld [smem:$0x3FAA]  }
0x2d: {  	s3 =	simm.s32 $0x108;
	s8 =	sld [smem:$0x3FAB]  }
0x2e: {  	s3 =	simm.s32 @!p0 $0x1082;
	s9 =	sld [smem:$0x3FAC]  }
0x2f: {  	lr =	sadd.s32 s0, s3;
	s0 =	sld [smem:$0x3FA3]  }
0x30: {  	s3 =	sld [smem:$0x3FA6]  }
0x31: {  	[smem:$0x3FAF] =	sst s10  }
0x32: {  	s10 =	sld [smem:$0x3FAD];
	_ =	sdelay $0x3  }
0x33: {  	p0 =	seq.s32 s10, $0x1;
	s10 =	sld [smem:$0x3FAF];
	_ =	sdelay $0x3  }
0x34: {  	[smem:$0x3FAF] =	sst s10  }
0x35: {  	s10 =	sld [smem:$0x3FAE];
	_ =	sdelay $0x3  }
0x36: {  	p1 =	seq.s32 s10, $0x1;
	s10 =	sld [smem:$0x3FAF];
	_ =	sdelay $0x3  }
0x37: {  	[smem:$0x3FAF] =	sst s10  }
0x38: {  	s10 =	sld [smem:$0x3FB0]  }
0x39: {  	_ = 	snop;
	(pc) =	sbr.ind lr, $3  }
0x3a: {  	_ = 	snop  }
0x3b: {  	_ = 	snop  }
0x3c: {  	p2 =	seq.s32 s10, $0x1;
	s10 =	sld [smem:$0x3FAF]  }
0x3d: {  	_ =	shalt  }
0x3e: {  	_ =	shalt  }
0x3f: {  	_ =	shalt  }
0x40: {  	_ =	shalt  }
0x41: {  	_ =	shalt  }
0x42: {  	_ =	shalt  }
0x43: {  	_ =	shalt  }
0x44: {  	_ =	shalt  }
0x45: {  	_ =	shalt  }
0x46: {  	_ =	shalt  }
0x47: {  	_ =	shalt  }
0x48: {  	_ =	shalt  }
0x49: {  	_ =	shalt  }
0x4a: {  	_ =	shalt  }
0x4b: {  	_ =	shalt  }
0x4c: {  	_ =	shalt  }
0x4d: {  	_ =	shalt  }
0x4e: {  	_ =	shalt  }
0x4f: {  	_ =	shalt  }
0x50: {  	_ =	shalt  }
0x51: {  	_ =	shalt  }
0x52: {  	_ =	shalt  }
0x53: {  	_ =	shalt  }
0x54: {  	_ =	shalt  }
0x55: {  	_ =	shalt  }
0x56: {  	_ =	shalt  }
0x57: {  	_ =	shalt  }
0x58: {  	_ =	shalt  }
0x59: {  	_ =	shalt  }
0x5a: {  	_ =	shalt  }
0x5b: {  	_ =	shalt  }
0x5c: {  	_ =	shalt  }
0x5d: {  	_ =	shalt  }
0x5e: {  	_ =	shalt  }
0x5f: {  	_ =	shalt  }
0x60: {  	_ =	shalt  }
0x61: {  	_ =	shalt  }
0x62: {  	_ =	shalt  }
0x63: {  	_ =	shalt  }
0x64: {  	_ =	shalt  }
0x65: {  	_ =	shalt  }
0x66: {  	_ =	shalt  }
0x67: {  	_ =	shalt  }
0x68: {  	_ =	shalt  }
0x69: {  	_ =	shalt  }
0x6a: {  	_ =	shalt  }
0x6b: {  	_ =	shalt  }
0x6c: {  	_ =	shalt  }
0x6d: {  	_ =	shalt  }
0x6e: {  	_ =	shalt  }
0x6f: {  	_ =	shalt  }
0x70: {  	_ =	shalt  }
0x71: {  	_ =	shalt  }
0x72: {  	_ =	shalt  }
0x73: {  	_ =	shalt  }
0x74: {  	_ =	shalt  }
0x75: {  	_ =	shalt  }
0x76: {  	_ =	shalt  }
0x77: {  	_ =	shalt  }
0x78: {  	_ =	shalt  }
0x79: {  	_ =	shalt  }
0x7a: {  	_ =	shalt  }
0x7b: {  	_ =	shalt  }
0x7c: {  	_ =	shalt  }
0x7d: {  	_ =	shalt  }
0x7e: {  	_ =	shalt  }
0x7f: {  	_ =	shalt  }
0x80: {  	_ =	shalt  }
0x81: {  	_ =	shalt  }
0x82: {  	_ =	shalt  }
0x83: {  	_ =	shalt  }
0x84: {  	_ =	shalt  }
0x85: {  	_ =	shalt  }
0x86: {  	_ =	shalt  }
0x87: {  	_ =	shalt  }
.Lfunc_end0:
.L_simem_size_0:
called_computation.1_lowered:
.L_overlay_start_0:
0x88: {  	s2 =	sld [smem:$0x3FD9]  }
0x89: {  	s3 =	sld [smem:$0x3FFE];
	_ =	sdelay $0x1  }
0x8a: {  	s1 =	srdreg.scid  }
0x8b: {  	s0 =	sand.u32 $0x1, s1  }
0x8c: {  	s16 =	sshll.u32 s0, $0xA;
	s2 =	sadd.s32 s3, s2  }
0x8d: {  	s2 =	sadd.s32 s2, s16  }
0x8e: {  	[smem:$0x3FBB] =	sst s2  }
0x8f: {  	_ = 	snop  }
0x90: {  	(tm) =	ssettm $0x1  }
0x91: {  	s17 =	sld [smem:$0x3FFB];
	_ =	sdelay $0x3  }
0x92: {  	_ =	strace s17  }
0x93: {  	s2 =	sld [smem:$0x3FFC];
	_ =	sdelay $0x3  }
0x94: {  	_ =	strace s2  }
0x95: {  	s2 =	sld [smem:$0x3FFD];
	_ =	sdelay $0x3  }
0x96: {  	_ =	strace s2  }
0x97: {  	_ =	strace $0x8FFFFFFF  }
0x98: {  	s18 =	sld [smem:$0x3FDB];
	_ =	sdelay $0x1  }
0x99: {  	s19 =	simm.s32 $_scs_section_size  }
0x9a: {  	s4 =	simm.s32 $_size__tile_overlayer_lowered;
	s5 =	simm.s32 $_tile_overlayer_lowered  }
0x9b: {  	s22 =	simm.s32 $0x1BFF;
	s21 =	sshll.u32 s5, $0x1;
	s2 =	sadd.s32 s19, s18  }
0x9c: {  	s6 =	simm.s32 $0x0;
	s20 =	sshll.u32 s4, $0x1;
	s4 =	sadd.s32 s21, s2  }
0x9d: {  	[timem:s6], [sflag:s22] =	dma.local [hbm:s4], s20  }
0x9e: {  	_ =	swait.ge [sflag:s22], s20  }
0x9f: {  	s3 =	ssub.s32 $0x0, s20;
	[sflag:s22] =	ssyncset.done $0x0  }
0xa0: {  	[sflag:s22] =	ssyncadd.s32 s3;
	_ =	sdelay $0x1  }
0xa1: {  	s23 =	simm.s32 $0x1B8B  }
0xa2: {  	_ =	swait.ge [sflag:s23], $0x1  }
0xa3: {  	[sflag:s23] =	ssyncset.done $0x0  }
0xa4: {  	s25 =	simm.s32 $0x1B8E;
	s24 =	sld [smem:$0x3FFE];
	[sflag:s23] =	ssyncadd.s32 $0xFFFFFFFF  }
0xa5: {  	s26 =	simm.s32 $execute0_lowered;
	[smem:$0x3FD2] =	sst s25  }
0xa6: {  	s4 =	sshll.u32 s26, $0x1;
	_ =	strace $0x80000049;
	[dreg:$0x1] =	wrdreg $0xFFFFFFFF  }
0xa7: {  	s28 =	simm.s32 $_size_execute0_lowered;
	s2 =	sadd.s32 s2, s4;
	[dreg:$0x0] =	wrdreg $0x0  }
0xa8: {  	s4 =	sshll.u32 s28, $0x1;
	[dreg:$0x2] =	wrdreg s2  }
0xa9: {  	[dreg:$0x3] =	wrdreg s4  }
0xaa: {  	[dreg:$0x4] =	wrdreg $0xC0  }
0xab: {  	_ =	task [dreg:s6], $0x5FFFF  }
0xac: {  	[dreg:$0x1] =	wrdreg $0xFFFFFFFF  }
0xad: {  	[dreg:$0x0] =	wrdreg $0x60  }
0xae: {  	[dreg:$0x2] =	wrdreg s24  }
0xaf: {  	[dreg:$0x3] =	wrdreg $0x82000  }
0xb0: {  	[dreg:$0x4] =	wrdreg $0x9  }
0xb1: {  	_ =	task.clear_ibuf [dreg:s6], $0x5FFFF;
	_ =	strace $0x90000049  }
0xb2: {  	s29 =	simm.s32 $0x9;
	_ =	strace $0x8000004B  }
0xb3: {  	_ =	swait.ge [sflag:s29], $0x1  }
0xb4: {  	[sflag:s29] =	ssyncadd.s32 $0xFFFFFFFF  }
0xb5: {  	_ =	strace $0x9000004B  }
0xb6: {  	_ =	sfence  }
0xb7: {  	s30 =	sld [smem:$0x0];
	_ =	sdelay $0x2  }
0xb8: {  	s31 =	sshll.u32 s1, $0xD;
	s1 =	sshrl.u32 s1, $0x2  }
0xb9: {  	s3 =	sand.u32 $0x4000, s31;
	s1 =	sadd.s32 s1, s30  }
0xba: {  	s0 =	sor.u32 s3, s0;
	s1 =	sshll.u32 s1, $0x11  }
0xbb: {  	s0 =	sor.u32 s1, s0  }
0xbc: {  	s0 =	sadd.s32 $0x8F2B, s0  }
0xbd: {  	[sflag:s0] =	ssyncadd.remote.s32 $0x1  }
0xbe: {  	_ =	sfence.sel $0xFFFF  }
0xbf: {  	[dreg:$0x0] =	wrdreg $0xFFFFFFFF;
	(pc) =	sbr.abs _section_cstart, $3  }
0xc0: {  	[dreg:$0x1] =	wrdreg $0xFFFFFFFF  }
0xc1: {  	_ =	task.clear_ibuf [dreg:s6], $0x2FFFF;
	_ =	strace $0x9FFFFFFF  }
0xc2: {  	(tm) =	ssettm $0x7FFFFFFF  }
0xc3: {  	_ =	shalt  }
tec
execute0_lowered:
.L_overlay_start_1:
0x0: {  	(tag) =	ssettag $0x1  }
0x1: {  	s4 =	rddreg [dreg:$0x0]  }
0x2: {  	s1 =	rddreg [dreg:$0x1];
	s2 =	srdreg.scid  }
0x3: {  	s0 =	rddreg [dreg:$0x2];
	s3 =	simm.s32 $0x0;
	s17 =	simm.s32 $0x100  }
0x4: {  	s18 =	simm.s32 $0x180;
	s19 =	simm.s32 $0x200;
	s20 =	simm.s32 $0x4200  }
0x5: {  	s21 =	simm.s32 $0x1;
	s22 =	simm.s32 $0x2;
	s5 =	sand.u32 $0x1, s2  }
0x6: {  	s23 =	simm.s32 $0x0;
	s2 =	stileid.u32;
	s6 =	smul.u32 $0x27800, s5  }
0x7: {  	[smem:$0x7FF] =	sst s3;
	s9 =	sadd.s32 $0x8EA00, s4;
	s7 =	smul.u32 $0x13C00, s2  }
0x8: {  	s10 =	sadd.s32 $0x84000, s4;
	_ =	strace $0x8000004A;
	s8 =	smul.u32 $0x13C000, s5  }
0x9: {  	s25 =	ssub.s32 $0x2, s5;
	s26 =	smul.u32 $0x4F000, s2;
	p0 =	seq.s32 s5, $0x0  }
0xa: {  	s5 =	smul.u32 $0x90, s2;
	s28 =	sshll.u32 s2, $0x4;
	s29 =	sshll.u32 s2, $0x6  }
0xb: {  	s12 =	sshrl.u32 s25, $0x1;
	s11 =	sadd.s32 s6, s4;
	s24 =	sshrl.u32 s7, $0x3  }
0xc: {  	s7 =	sadd.s32 s7, s8;
	s14 =	ssub.s32 s25, s12;
	s8 =	sor.u32 $0x900, s28  }
0xd: {  	s6 =	sadd.s32 s24, s4;
	s7 =	sshrl.u32 s7, $0x3;
	s8 =	smov.u32 @p0 s5  }
0xe: {  	s11 =	sadd.s32 $0x34800, s11;
	s13 =	sadd.s32 s7, s4;
	s4 =	simm.s32 $0x90  }
0xf: {  	s7 =	sshrl.u32 s26, $0x2;
	s5 =	sadd.s32 $0xD000, s6;
	s30 =	sshll.u32 s8, $0x4  }
0x10: {  	s6 =	sor.u32 $0x1C08, s29;
	s4 =	simm.s32 @!p0 $0x10;
	s15 =	sadd.s32 s7, s1  }
0x11: {  	s7 =	sadd.s32 s9, s30;
	s16 =	sor.u32 $0x10, s30;
	s12 =	sadd.s32 $0x99400, s13  }
0x12: {  	s13 =	smax.u32 s14, $0x1;
	s8 =	sadd.s32 s9, s16;
	s9 =	sadd.s32 s10, s30  }
0x13: {  	s10 =	sadd.s32 s10, s16;
	s31 =	sshll.u32 s4, $0x4;
	s14 =	sshrl.u32 s15, $0x3  }
0x14: {  	s15 =	simm.s32 $0x8;
	s16 =	simm.s32 $0x80;
	[dreg:$0x3] =	wrdreg s31  }
.LBB2_1:
0x15: {  	[spmem:s14], [sflag:s6] =	dma.local [hbm:s5], $0x2780  }
0x16: {  	_ =	swait.ge [sflag:s15], $0x2780  }
0x17: {  	[sflag:s15] =	ssyncset.done $0x0  }
0x18: {  	[sflag:s15] =	ssyncadd.s32 $0xFFFFD880  }
0x19: {  	[bflag:$0x0] =	sbarrier.arrive $0xFFFF  }
0x1a: {  	[tilespmem:s3], [sflag:$0x8] =	stream.linear.gather [hbm4b:s7+s3], $0x80, $0x38;
	[tilespmem:$0x1BE00] =	vst v63  }
0x1b: {  	_ =	swait.ge [sflag:s15], $0x80  }
0x1c: {  	[sflag:s15] =	ssyncset.done $0x0  }
0x1d: {  	[sflag:s15] =	ssyncadd.s32 $0xFFFFFF80  }
0x1e: {  	[tilespmem:s16], [sflag:$0x8] =	stream.linear.gather [hbm4b:s8+s3], $0x80, $0x38;
	[tilespmem:$0x1BE00] =	vst v63  }
0x1f: {  	_ =	swait.ge [sflag:s15], $0x80  }
0x20: {  	[sflag:s15] =	ssyncset.done $0x0  }
0x21: {  	[sflag:s15] =	ssyncadd.s32 $0xFFFFFF80  }
0x22: {  	[tilespmem:s17], [sflag:$0x8] =	stream.linear.gather [hbm4b:s9+s3], $0x80, $0x38;
	[tilespmem:$0x1BE00] =	vst v63  }
0x23: {  	_ =	swait.ge [sflag:s15], $0x80  }
0x24: {  	[sflag:s15] =	ssyncset.done $0x0  }
0x25: {  	[sflag:s15] =	ssyncadd.s32 $0xFFFFFF80  }
0x26: {  	[tilespmem:s18], [sflag:$0x8] =	stream.linear.gather [hbm4b:s10+s3], $0x80, $0x38;
	[tilespmem:$0x1BE00] =	vst v63  }
0x27: {  	_ =	swait.ge [sflag:s15], $0x80  }
0x28: {  	[sflag:s15] =	ssyncset.done $0x0  }
0x29: {  	[sflag:s15] =	ssyncadd.s32 $0xFFFFFF80  }
0x2a: {  	[tilespmem:s19], [sflag:$0x1] =	stream.indirect.gather [hbm4b:s11+s16], $0x80, s3, s16, $0xb8;
	[tilespmem:$0x1BE00] =	vst v63  }
0x2b: {  	s24 =	simm.s32 $0x2;
	s25 =	simm.s32 $0x0  }
0x2c: {  	[tilespmem:s20], [sflag:$0x2] =	stream.indirect.gather [hbm4b:s11+s16], $0x80, s16, s16, $0xb8;
	[tilespmem:$0x1BE00] =	vst v63  }
.LBB2_2:
0x2d: {  	_ =	swait.ge [sflag:s21], $0x4000  }
0x2e: {  	p0 =	seq.s32 s25, $0x0;
	[sflag:s21] =	ssyncset.done $0x0  }
0x2f: {  	s26 =	simm.s32 @!p0 $0x5;
	[sflag:s21] =	ssyncadd.s32 $0xFFFFC000  }
0x30: {  	_ =	swait.ge @!p0 [sflag:s26], $0x80  }
0x31: {  	p1 =	sge.u32 s24, s4;
	[sflag:s26] =	ssyncset.done @!p0 $0x0  }
0x32: {  	[sflag:s26] =	ssyncadd.s32 @!p0 $0xFFFFFF80;
	s26 =	simm.s32 @p1 $0x7  }
0x33: {  	[spmem:s1] =	stream.indirect.scatter.add.f32 [tilespmem:s19], [sflag:$0x7], $0x80, s17, s16, $0xb8;
	[tilespmem:$0x1BE00] =	vst v63  }
0x34: {  	_ =	swait.ge @p1 [sflag:s26], $0x4000  }
0x35: {  	s28 =	sadd.s32 @!p1 s25, s7;
	[sflag:s26] =	ssyncset.done @p1 $0x0  }
0x36: {  	[sflag:s26] =	ssyncadd.s32 @p1 $0xFFFFC000;
	s26 =	sadd.s32 @!p1 $0x20, s28;
	s28 =	simm.s32 @!p1 $0x0  }
0x37: {  	[tilespmem:s28], [sflag:$0x3] =	stream.linear.gather @!p1 [hbm4b:s26+s28], $0x80, $0x38;
	[tilespmem:$0x1BE00] =	vst v63  }
0x38: {  	s26 =	simm.s32 @!p1 $0x7  }
0x39: {  	_ =	swait.ge @!p1 [sflag:s26], $0x4000  }
0x3a: {  	s29 =	sadd.s32 @!p1 s25, s9;
	[sflag:s26] =	ssyncset.done @!p1 $0x0  }
0x3b: {  	[sflag:s26] =	ssyncadd.s32 @!p1 $0xFFFFC000;
	s26 =	sadd.s32 @!p1 $0x20, s29;
	s29 =	simm.s32 @!p1 $0x100  }
0x3c: {  	[tilespmem:s29], [sflag:$0x5] =	stream.linear.gather @!p1 [hbm4b:s26+s28], $0x80, $0x38;
	[tilespmem:$0x1BE00] =	vst v63  }
0x3d: {  	s26 =	simm.s32 @!p1 $0x3  }
0x3e: {  	_ =	swait.ge @!p1 [sflag:s26], $0x80  }
0x3f: {  	[sflag:s26] =	ssyncset.done @!p1 $0x0  }
0x40: {  	s29 =	simm.s32 @!p1 $0x200;
	[sflag:s26] =	ssyncadd.s32 @!p1 $0xFFFFFF80;
	s26 =	simm.s32 @!p1 $0x80  }
0x41: {  	[tilespmem:s29], [sflag:$0x1] =	stream.indirect.gather @!p1 [hbm4b:s11+s26], $0x80, s28, s26, $0xb8;
	[tilespmem:$0x1BE00] =	vst v63  }
0x42: {  	_ =	swait.ge [sflag:s22], $0x4000  }
0x43: {  	[sflag:s22] =	ssyncset.done $0x0  }
0x44: {  	s26 =	simm.s32 @!p0 $0x6;
	[sflag:s22] =	ssyncadd.s32 $0xFFFFC000  }
0x45: {  	_ =	swait.ge @!p0 [sflag:s26], $0x80  }
0x46: {  	s30 =	sadd.s32 $0x1, s24;
	[sflag:s26] =	ssyncset.done @!p0 $0x0  }
0x47: {  	[sflag:s26] =	ssyncadd.s32 @!p0 $0xFFFFFF80;
	p0 =	sge.u32 s30, s4  }
0x48: {  	[spmem:s1] =	stream.indirect.scatter.add.f32 [tilespmem:s20], [sflag:$0x7], $0x80, s18, s16, $0xb8;
	[tilespmem:$0x1BE00] =	vst v63  }
0x49: {  	s26 =	simm.s32 @p0 $0x7  }
0x4a: {  	_ =	swait.ge @p0 [sflag:s26], $0x4000  }
0x4b: {  	[sflag:s26] =	ssyncset.done @p0 $0x0  }
0x4c: {  	[sflag:s26] =	ssyncadd.s32 @p0 $0xFFFFC000;
	s26 =	sadd.s32 @!p0 s25, s7  }
0x4d: {  	s28 =	simm.s32 @!p0 $0x0;
	s29 =	simm.s32 @!p0 $0x80;
	s26 =	sadd.s32 @!p0 $0x30, s26  }
0x4e: {  	[tilespmem:s29], [sflag:$0x4] =	stream.linear.gather @!p0 [hbm4b:s26+s28], $0x80, $0x38;
	[tilespmem:$0x1BE00] =	vst v63  }
0x4f: {  	s26 =	simm.s32 @!p0 $0x7  }
0x50: {  	_ =	swait.ge @!p0 [sflag:s26], $0x4000  }
0x51: {  	s30 =	sadd.s32 @!p0 s25, s9;
	[sflag:s26] =	ssyncset.done @!p0 $0x0  }
0x52: {  	[sflag:s26] =	ssyncadd.s32 @!p0 $0xFFFFC000;
	s26 =	sadd.s32 @!p0 $0x30, s30;
	s30 =	simm.s32 @!p0 $0x180  }
0x53: {  	[tilespmem:s30], [sflag:$0x6] =	stream.linear.gather @!p0 [hbm4b:s26+s28], $0x80, $0x38;
	[tilespmem:$0x1BE00] =	vst v63  }
0x54: {  	s26 =	simm.s32 @!p0 $0x4  }
0x55: {  	_ =	swait.ge @!p0 [sflag:s26], $0x80  }
0x56: {  	s25 =	sadd.s32 $0x20, s25;
	[sflag:s26] =	ssyncset.done @!p0 $0x0  }
0x57: {  	s31 =	rddreg [dreg:$0x3];
	[sflag:s26] =	ssyncadd.s32 @!p0 $0xFFFFFF80;
	s26 =	simm.s32 @!p0 $0x4200  }
0x58: {  	[tilespmem:s26], [sflag:$0x2] =	stream.indirect.gather @!p0 [hbm4b:s11+s29], $0x80, s29, s29, $0xb8;
	[tilespmem:$0x1BE00] =	vst v63  }
0x59: {  	p0 =	sne.s32 s31, s25  }
.Ltmp0:
0x5a: {  	_ = 	snop;
	(pc) =	sbr.rel @p0 .LBB2_2-.Ltmp0, $2  }
0x5b: {  	_ =	sdelay $0x2  }
0x5c: {  	s24 =	sadd.s32 $0x2, s24  }
0x5d: {  	s23 =	sadd.s32 $0x1, s23  }
0x5e: {  	p0 =	sne.s32 s23, s13  }
.Ltmp1:
0x5f: {  	[bflag:$0x0] =	sbarrier.arrive $0xFFFF;
	(pc) =	sbr.rel @p0 .LBB2_1-.Ltmp1, $4  }
0x60: {  	[hbm:s12], [sflag:s6] =	dma.local [spmem:s14], $0x2780  }
0x61: {  	_ =	swait.ge [sflag:s15], $0x2780  }
0x62: {  	[sflag:s15] =	ssyncset.done $0x0  }
0x63: {  	[sflag:s15] =	ssyncadd.s32 $0xFFFFD880  }
0x64: {  	_ =	sfence.sel $0x180000  }
0x65: {  	[bflag:$0x0] =	sbarrier.arrive $0xFFFF  }
0x66: {  	p0 =	sne.s32 s2, $0x0;
	_ =	strace $0x9000004A  }
0x67: {  	s0 =	sadd.s32 @!p0 $0x100000, s0;
	[bflag:$0x2] =	sbarrier.arrive $0xFFFF  }
0x68: {  	[sflag:s0] =	ssyncadd.tile.s32 @!p0 $0x1;
	_ =	shalt  }
.Lfunc_end2:
_tile_overlayer_lowered:
.L_overlay_start_2:
0x69: {  	(tag) =	ssettag $0x2  }
0x6a: {  	s0 =	rddreg [dreg:$0x0];
	s2 =	stileid.u32  }
0x6b: {  	s1 =	rddreg [dreg:$0x1];
	p0 =	sne.s32 s2, $0x0  }
0x6c: {  	s3 =	rddreg [dreg:$0x2];
	[bflag:$0x3] =	sbarrier.arrive $0xFFFF;
	s2 =	simm.s32 @!p0 $0x1C08  }
0x6d: {  	[timem:s3], [sflag:s2] =	dma.local @!p0 [hbm:s0], s1  }
0x6e: {  	s0 =	simm.s32 @!p0 $0x8  }
0x6f: {  	_ =	swait.ge @!p0 [sflag:s0], s1  }
0x70: {  	s1 =	ssub.s32 @!p0 $0x0, s1;
	[sflag:s0] =	ssyncset.done @!p0 $0x0  }
0x71: {  	[sflag:s0] =	ssyncadd.s32 @!p0 s1  }
0x72: {  	[bflag:$0x3] =	sbarrier.arrive $0xFFFF  }
0x73: {  	_ =	shalt  }

// kernel: kernel.16.cloned.1.call-start
scs
__scs_entry_jumppad:
0x0: {  	(pc) =	sbr.rel $0x88, $3  }
0x1: {  	(tag) =	ssettag $0x0;
	lr =	simm.s32 $0x1  }
0x2: {  	[smem:$0x3F94] =	sst lr;
	_ =	strace $0xD0000000  }
0x3: {  	_ = 	snop  }
0x4: {  	_ = 	snop  }
0x5: {  	_ = 	snop  }
0x6: {  	_ = 	snop  }
0x7: {  	_ = 	snop  }
__scs_overlays_trampoline_lowered:
0x8: {  	[smem:$0x3FA3] =	sst s0  }
0x9: {  	[smem:$0x3FA4] =	sst s1  }
0xa: {  	[smem:$0x3FA5] =	sst s2  }
0xb: {  	[smem:$0x3FA6] =	sst s3  }
0xc: {  	[smem:$0x3FA7] =	sst s4  }
0xd: {  	[smem:$0x3FA8] =	sst s5  }
0xe: {  	[smem:$0x3FA9] =	sst s6  }
0xf: {  	[smem:$0x3FAA] =	sst s7  }
0x10: {  	[smem:$0x3FAB] =	sst s8  }
0x11: {  	[smem:$0x3FAC] =	sst s9;
	s0 =	simm.s32 @!p0 $0x0  }
0x12: {  	s1 =	sld [smem:$0x3F92];
	s0 =	simm.s32 @p0 $0x1  }
0x13: {  	[smem:$0x3FAD] =	sst s0;
	s0 =	simm.s32 @!p1 $0x0  }
0x14: {  	s2 =	sld [smem:$0x3F91];
	s0 =	simm.s32 @p1 $0x1  }
0x15: {  	[smem:$0x3FAE] =	sst s0;
	s0 =	simm.s32 @!p2 $0x0  }
0x16: {  	s3 =	sld [smem:$0x3FDB];
	s0 =	simm.s32 @p2 $0x1  }
0x17: {  	s4 =	simm.s32 $0x1BF5;
	[smem:$0x3FB0] =	sst s0  }
0x18: {  	s0 =	sld [smem:$0x3F93];
	_ =	swait.ge [sflag:s4], $0x0  }
0x19: {  	s7 =	sld [smem:$0x3F94]  }
0x1a: {  	s8 =	sadd.s32 $0xFFFFE003, lr  }
0x1b: {  	s9 =	sadd.s32 $0xFFFFFEF7, lr;
	s5 =	simm.s32 $0xFFFFFFFF;
	p2 =	slt.u32 s8, $0xFFFFF086  }
0x1c: {  	p1 =	slt.u32 s9, $0xF7A;
	s5 =	simm.s32 @!p2 $0x0  }
0x1d: {  	s5 =	simm.s32 @p1 $0x1;
	p0 =	seq.s32 s7, s2  }
0x1e: {  	s7 =	smul.u32 @!p0 $0xF7A, s2;
	p2 =	seq.s32 @!p0 s5, $0x0  }
0x1f: {  	s9 =	smul.u32 $0xF7A, s1;
	s8 =	simm.s32 @!p0 $0x1BF5;
	p2 =	por !p2, p0  }
0x20: {  	[sflag:s8] =	ssyncset.s32 @!p0 $0xFFFFF086;
	s6 =	sadd.s32 @!p0 s3, s7;
	s7 =	simm.s32 @!p0 $0x108  }
0x21: {  	s3 =	sadd.s32 s3, s9;
	s6 =	sadd.s32 @!p0 $0x88, s6;
	s7 =	simm.s32 @p2 $0x1082  }
0x22: {  	[simem:s7], [sflag:s8] =	dma.local @!p0 [hbm:s6], $0xF7A  }
0x23: {  	s9 =	sor.u32 $0xD0000000, s2;
	s6 =	simm.s32 $0x108;
	_ =	swait.ge @!p0 [sflag:s8], $0x0  }
0x24: {  	s3 =	sadd.s32 $0x88, s3;
	s6 =	simm.s32 @!p1 $0x1082;
	[sflag:s4] =	ssyncset.s32 $0xFFFFF086  }
0x25: {  	[simem:s6], [sflag:s4] =	dma.local [hbm:s3], $0xF7A  }
0x26: {  	[smem:$0x3F94] =	sst s1;
	(tag) =	ssettag s2;
	_ =	strace s9  }
0x27: {  	s1 =	sld [smem:$0x3FA4]  }
0x28: {  	s2 =	sld [smem:$0x3FA5]  }
0x29: {  	s4 =	sld [smem:$0x3FA7]  }
0x2a: {  	p0 =	seq.s32 s5, $0x0;
	s5 =	sld [smem:$0x3FA8]  }
0x2b: {  	s6 =	sld [smem:$0x3FA9]  }
0x2c: {  	s7 =	sld [smem:$0x3FAA]  }
0x2d: {  	s3 =	simm.s32 $0x108;
	s8 =	sld [smem:$0x3FAB]  }
0x2e: {  	s3 =	simm.s32 @!p0 $0x1082;
	s9 =	sld [smem:$0x3FAC]  }
0x2f: {  	lr =	sadd.s32 s0, s3;
	s0 =	sld [smem:$0x3FA3]  }
0x30: {  	s3 =	sld [smem:$0x3FA6]  }
0x31: {  	[smem:$0x3FAF] =	sst s10  }
0x32: {  	s10 =	sld [smem:$0x3FAD];
	_ =	sdelay $0x3  }
0x33: {  	p0 =	seq.s32 s10, $0x1;
	s10 =	sld [smem:$0x3FAF];
	_ =	sdelay $0x3  }
0x34: {  	[smem:$0x3FAF] =	sst s10  }
0x35: {  	s10 =	sld [smem:$0x3FAE];
	_ =	sdelay $0x3  }
0x36: {  	p1 =	seq.s32 s10, $0x1;
	s10 =	sld [smem:$0x3FAF];
	_ =	sdelay $0x3  }
0x37: {  	[smem:$0x3FAF] =	sst s10  }
0x38: {  	s10 =	sld [smem:$0x3FB0]  }
0x39: {  	_ = 	snop;
	(pc) =	sbr.ind lr, $3  }
0x3a: {  	_ = 	snop  }
0x3b: {  	_ = 	snop  }
0x3c: {  	p2 =	seq.s32 s10, $0x1;
	s10 =	sld [smem:$0x3FAF]  }
0x3d: {  	_ =	shalt  }
0x3e: {  	_ =	shalt  }
0x3f: {  	_ =	shalt  }
0x40: {  	_ =	shalt  }
0x41: {  	_ =	shalt  }
0x42: {  	_ =	shalt  }
0x43: {  	_ =	shalt  }
0x44: {  	_ =	shalt  }
0x45: {  	_ =	shalt  }
0x46: {  	_ =	shalt  }
0x47: {  	_ =	shalt  }
0x48: {  	_ =	shalt  }
0x49: {  	_ =	shalt  }
0x4a: {  	_ =	shalt  }
0x4b: {  	_ =	shalt  }
0x4c: {  	_ =	shalt  }
0x4d: {  	_ =	shalt  }
0x4e: {  	_ =	shalt  }
0x4f: {  	_ =	shalt  }
0x50: {  	_ =	shalt  }
0x51: {  	_ =	shalt  }
0x52: {  	_ =	shalt  }
0x53: {  	_ =	shalt  }
0x54: {  	_ =	shalt  }
0x55: {  	_ =	shalt  }
0x56: {  	_ =	shalt  }
0x57: {  	_ =	shalt  }
0x58: {  	_ =	shalt  }
0x59: {  	_ =	shalt  }
0x5a: {  	_ =	shalt  }
0x5b: {  	_ =	shalt  }
0x5c: {  	_ =	shalt  }
0x5d: {  	_ =	shalt  }
0x5e: {  	_ =	shalt  }
0x5f: {  	_ =	shalt  }
0x60: {  	_ =	shalt  }
0x61: {  	_ =	shalt  }
0x62: {  	_ =	shalt  }
0x63: {  	_ =	shalt  }
0x64: {  	_ =	shalt  }
0x65: {  	_ =	shalt  }
0x66: {  	_ =	shalt  }
0x67: {  	_ =	shalt  }
0x68: {  	_ =	shalt  }
0x69: {  	_ =	shalt  }
0x6a: {  	_ =	shalt  }
0x6b: {  	_ =	shalt  }
0x6c: {  	_ =	shalt  }
0x6d: {  	_ =	shalt  }
0x6e: {  	_ =	shalt  }
0x6f: {  	_ =	shalt  }
0x70: {  	_ =	shalt  }
0x71: {  	_ =	shalt  }
0x72: {  	_ =	shalt  }
0x73: {  	_ =	shalt  }
0x74: {  	_ =	shalt  }
0x75: {  	_ =	shalt  }
0x76: {  	_ =	shalt  }
0x77: {  	_ =	shalt  }
0x78: {  	_ =	shalt  }
0x79: {  	_ =	shalt  }
0x7a: {  	_ =	shalt  }
0x7b: {  	_ =	shalt  }
0x7c: {  	_ =	shalt  }
0x7d: {  	_ =	shalt  }
0x7e: {  	_ =	shalt  }
0x7f: {  	_ =	shalt  }
0x80: {  	_ =	shalt  }
0x81: {  	_ =	shalt  }
0x82: {  	_ =	shalt  }
0x83: {  	_ =	shalt  }
0x84: {  	_ =	shalt  }
0x85: {  	_ =	shalt  }
0x86: {  	_ =	shalt  }
0x87: {  	_ =	shalt  }
.Lfunc_end0:
.L_simem_size_0:
called_computation.2_lowered:
.L_overlay_start_0:
0x88: {  	s2 =	sld [smem:$0x3FD9]  }
0x89: {  	s3 =	sld [smem:$0x3FFE];
	_ =	sdelay $0x1  }
0x8a: {  	s1 =	srdreg.scid  }
0x8b: {  	s0 =	sand.u32 $0x1, s1  }
0x8c: {  	s16 =	sshll.u32 s0, $0xA;
	s2 =	sadd.s32 s3, s2  }
0x8d: {  	s2 =	sadd.s32 s2, s16  }
0x8e: {  	[smem:$0x3FBB] =	sst s2  }
0x8f: {  	_ = 	snop  }
0x90: {  	(tm) =	ssettm $0x1  }
0x91: {  	s17 =	sld [smem:$0x3FFB];
	_ =	sdelay $0x3  }
0x92: {  	_ =	strace s17  }
0x93: {  	s2 =	sld [smem:$0x3FFC];
	_ =	sdelay $0x3  }
0x94: {  	_ =	strace s2  }
0x95: {  	s2 =	sld [smem:$0x3FFD];
	_ =	sdelay $0x3  }
0x96: {  	_ =	strace s2  }
0x97: {  	_ =	strace $0x8FFFFFFF  }
0x98: {  	s18 =	sld [smem:$0x3FDB];
	_ =	sdelay $0x1  }
0x99: {  	s19 =	simm.s32 $_scs_section_size  }
0x9a: {  	s4 =	simm.s32 $_size__tile_overlayer_lowered;
	s5 =	simm.s32 $_tile_overlayer_lowered  }
0x9b: {  	s22 =	simm.s32 $0x1BFF;
	s21 =	sshll.u32 s5, $0x1;
	s2 =	sadd.s32 s19, s18  }
0x9c: {  	s6 =	simm.s32 $0x0;
	s20 =	sshll.u32 s4, $0x1;
	s4 =	sadd.s32 s21, s2  }
0x9d: {  	[timem:s6], [sflag:s22] =	dma.local [hbm:s4], s20  }
0x9e: {  	_ =	swait.ge [sflag:s22], s20  }
0x9f: {  	s3 =	ssub.s32 $0x0, s20;
	[sflag:s22] =	ssyncset.done $0x0  }
0xa0: {  	[sflag:s22] =	ssyncadd.s32 s3;
	_ =	sdelay $0x1  }
0xa1: {  	s23 =	simm.s32 $0x1B8B  }
0xa2: {  	_ =	swait.ge [sflag:s23], $0x1  }
0xa3: {  	[sflag:s23] =	ssyncset.done $0x0  }
0xa4: {  	s25 =	simm.s32 $0x1B8E;
	s24 =	sld [smem:$0x3FFE];
	[sflag:s23] =	ssyncadd.s32 $0xFFFFFFFF  }
0xa5: {  	s26 =	simm.s32 $execute0_lowered;
	[smem:$0x3FD2] =	sst s25  }
0xa6: {  	s4 =	sshll.u32 s26, $0x1;
	_ =	strace $0x8000004C;
	[dreg:$0x1] =	wrdreg $0xFFFFFFFF  }
0xa7: {  	s28 =	simm.s32 $_size_execute0_lowered;
	s2 =	sadd.s32 s2, s4;
	[dreg:$0x0] =	wrdreg $0x0  }
0xa8: {  	s4 =	sshll.u32 s28, $0x1;
	[dreg:$0x2] =	wrdreg s2  }
0xa9: {  	[dreg:$0x3] =	wrdreg s4  }
0xaa: {  	[dreg:$0x4] =	wrdreg $0xC0  }
0xab: {  	_ =	task [dreg:s6], $0x5FFFF  }
0xac: {  	[dreg:$0x1] =	wrdreg $0xFFFFFFFF  }
0xad: {  	[dreg:$0x0] =	wrdreg $0x60  }
0xae: {  	[dreg:$0x2] =	wrdreg s24  }
0xaf: {  	[dreg:$0x3] =	wrdreg $0x82000  }
0xb0: {  	[dreg:$0x4] =	wrdreg $0x9  }
0xb1: {  	_ =	task.clear_ibuf [dreg:s6], $0x5FFFF;
	_ =	strace $0x9000004C  }
0xb2: {  	s29 =	simm.s32 $0x9;
	_ =	strace $0x8000004E  }
0xb3: {  	_ =	swait.ge [sflag:s29], $0x1  }
0xb4: {  	[sflag:s29] =	ssyncadd.s32 $0xFFFFFFFF  }
0xb5: {  	_ =	strace $0x9000004E  }
0xb6: {  	_ =	sfence  }
0xb7: {  	s30 =	sld [smem:$0x0];
	_ =	sdelay $0x2  }
0xb8: {  	s31 =	sshll.u32 s1, $0xD;
	s1 =	sshrl.u32 s1, $0x2  }
0xb9: {  	s3 =	sand.u32 $0x4000, s31;
	s1 =	sadd.s32 s1, s30  }
0xba: {  	s0 =	sor.u32 s3, s0;
	s1 =	sshll.u32 s1, $0x11  }
0xbb: {  	s0 =	sor.u32 s1, s0  }
0xbc: {  	s0 =	sadd.s32 $0x8F2B, s0  }
0xbd: {  	[sflag:s0] =	ssyncadd.remote.s32 $0x1  }
0xbe: {  	_ =	sfence.sel $0xFFFF  }
0xbf: {  	[dreg:$0x0] =	wrdreg $0xFFFFFFFF;
	(pc) =	sbr.abs _section_cstart, $3  }
0xc0: {  	[dreg:$0x1] =	wrdreg $0xFFFFFFFF  }
0xc1: {  	_ =	task.clear_ibuf [dreg:s6], $0x2FFFF;
	_ =	strace $0x9FFFFFFF  }
0xc2: {  	(tm) =	ssettm $0x7FFFFFFF  }
0xc3: {  	_ =	shalt  }
tec
execute0_lowered:
.L_overlay_start_1:
0x0: {  	(tag) =	ssettag $0x1  }
0x1: {  	s4 =	rddreg [dreg:$0x0]  }
0x2: {  	s1 =	rddreg [dreg:$0x1];
	s2 =	srdreg.scid  }
0x3: {  	s0 =	rddreg [dreg:$0x2];
	s3 =	simm.s32 $0x0;
	s17 =	simm.s32 $0x100  }
0x4: {  	s18 =	simm.s32 $0x180;
	s19 =	simm.s32 $0x200;
	s20 =	simm.s32 $0x4200  }
0x5: {  	s21 =	simm.s32 $0x1;
	s22 =	simm.s32 $0x2;
	s5 =	sand.u32 $0x1, s2  }
0x6: {  	s23 =	simm.s32 $0x0;
	s2 =	stileid.u32;
	s6 =	smul.u32 $0x27800, s5  }
0x7: {  	[smem:$0x7FF] =	sst s3;
	s9 =	sadd.s32 $0x8EA00, s4;
	s7 =	smul.u32 $0x13C00, s2  }
0x8: {  	s10 =	sadd.s32 $0x84000, s4;
	_ =	strace $0x8000004D;
	s8 =	smul.u32 $0x13C000, s5  }
0x9: {  	s25 =	ssub.s32 $0x2, s5;
	s26 =	smul.u32 $0x4F000, s2;
	p0 =	seq.s32 s5, $0x0  }
0xa: {  	s5 =	smul.u32 $0x90, s2;
	s28 =	sshll.u32 s2, $0x4;
	s29 =	sshll.u32 s2, $0x6  }
0xb: {  	s12 =	sshrl.u32 s25, $0x1;
	s11 =	sadd.s32 s6, s4;
	s24 =	sshrl.u32 s7, $0x3  }
0xc: {  	s7 =	sadd.s32 s7, s8;
	s14 =	ssub.s32 s25, s12;
	s8 =	sor.u32 $0x900, s28  }
0xd: {  	s6 =	sadd.s32 s24, s4;
	s7 =	sshrl.u32 s7, $0x3;
	s8 =	smov.u32 @p0 s5  }
0xe: {  	s11 =	sadd.s32 $0x34800, s11;
	s13 =	sadd.s32 s7, s4;
	s4 =	simm.s32 $0x90  }
0xf: {  	s7 =	sshrl.u32 s26, $0x2;
	s5 =	sadd.s32 $0xD000, s6;
	s30 =	sshll.u32 s8, $0x4  }
0x10: {  	s6 =	sor.u32 $0x1C08, s29;
	s4 =	simm.s32 @!p0 $0x10;
	s15 =	sadd.s32 s7, s1  }
0x11: {  	s7 =	sadd.s32 s9, s30;
	s16 =	sor.u32 $0x10, s30;
	s12 =	sadd.s32 $0x99400, s13  }
0x12: {  	s13 =	smax.u32 s14, $0x1;
	s8 =	sadd.s32 s9, s16;
	s9 =	sadd.s32 s10, s30  }
0x13: {  	s10 =	sadd.s32 s10, s16;
	s31 =	sshll.u32 s4, $0x4;
	s14 =	sshrl.u32 s15, $0x3  }
0x14: {  	s15 =	simm.s32 $0x8;
	s16 =	simm.s32 $0x80;
	[dreg:$0x3] =	wrdreg s31  }
.LBB2_1:
0x15: {  	[spmem:s14], [sflag:s6] =	dma.local [hbm:s5], $0x2780  }
0x16: {  	_ =	swait.ge [sflag:s15], $0x2780  }
0x17: {  	[sflag:s15] =	ssyncset.done $0x0  }
0x18: {  	[sflag:s15] =	ssyncadd.s32 $0xFFFFD880  }
0x19: {  	[bflag:$0x0] =	sbarrier.arrive $0xFFFF  }
0x1a: {  	[tilespmem:s3], [sflag:$0x8] =	stream.linear.gather [hbm4b:s7+s3], $0x80, $0x38;
	[tilespmem:$0x1BE00] =	vst v63  }
0x1b: {  	_ =	swait.ge [sflag:s15], $0x80  }
0x1c: {  	[sflag:s15] =	ssyncset.done $0x0  }
0x1d: {  	[sflag:s15] =	ssyncadd.s32 $0xFFFFFF80  }
0x1e: {  	[tilespmem:s16], [sflag:$0x8] =	stream.linear.gather [hbm4b:s8+s3], $0x80, $0x38;
	[tilespmem:$0x1BE00] =	vst v63  }
0x1f: {  	_ =	swait.ge [sflag:s15], $0x80  }
0x20: {  	[sflag:s15] =	ssyncset.done $0x0  }
0x21: {  	[sflag:s15] =	ssyncadd.s32 $0xFFFFFF80  }
0x22: {  	[tilespmem:s17], [sflag:$0x8] =	stream.linear.gather [hbm4b:s9+s3], $0x80, $0x38;
	[tilespmem:$0x1BE00] =	vst v63  }
0x23: {  	_ =	swait.ge [sflag:s15], $0x80  }
0x24: {  	[sflag:s15] =	ssyncset.done $0x0  }
0x25: {  	[sflag:s15] =	ssyncadd.s32 $0xFFFFFF80  }
0x26: {  	[tilespmem:s18], [sflag:$0x8] =	stream.linear.gather [hbm4b:s10+s3], $0x80, $0x38;
	[tilespmem:$0x1BE00] =	vst v63  }
0x27: {  	_ =	swait.ge [sflag:s15], $0x80  }
0x28: {  	[sflag:s15] =	ssyncset.done $0x0  }
0x29: {  	[sflag:s15] =	ssyncadd.s32 $0xFFFFFF80  }
0x2a: {  	[tilespmem:s19], [sflag:$0x1] =	stream.indirect.gather [hbm4b:s11+s16], $0x80, s3, s16, $0xb8;
	[tilespmem:$0x1BE00] =	vst v63  }
0x2b: {  	s24 =	simm.s32 $0x2;
	s25 =	simm.s32 $0x0  }
0x2c: {  	[tilespmem:s20], [sflag:$0x2] =	stream.indirect.gather [hbm4b:s11+s16], $0x80, s16, s16, $0xb8;
	[tilespmem:$0x1BE00] =	vst v63  }
.LBB2_2:
0x2d: {  	_ =	swait.ge [sflag:s21], $0x4000  }
0x2e: {  	p0 =	seq.s32 s25, $0x0;
	[sflag:s21] =	ssyncset.done $0x0  }
0x2f: {  	s26 =	simm.s32 @!p0 $0x5;
	[sflag:s21] =	ssyncadd.s32 $0xFFFFC000  }
0x30: {  	_ =	swait.ge @!p0 [sflag:s26], $0x80  }
0x31: {  	p1 =	sge.u32 s24, s4;
	[sflag:s26] =	ssyncset.done @!p0 $0x0  }
0x32: {  	[sflag:s26] =	ssyncadd.s32 @!p0 $0xFFFFFF80;
	s26 =	simm.s32 @p1 $0x7  }
0x33: {  	[spmem:s1] =	stream.indirect.scatter.add.f32 [tilespmem:s19], [sflag:$0x7], $0x80, s17, s16, $0xb8;
	[tilespmem:$0x1BE00] =	vst v63  }
0x34: {  	_ =	swait.ge @p1 [sflag:s26], $0x4000  }
0x35: {  	s28 =	sadd.s32 @!p1 s25, s7;
	[sflag:s26] =	ssyncset.done @p1 $0x0  }
0x36: {  	[sflag:s26] =	ssyncadd.s32 @p1 $0xFFFFC000;
	s26 =	sadd.s32 @!p1 $0x20, s28;
	s28 =	simm.s32 @!p1 $0x0  }
0x37: {  	[tilespmem:s28], [sflag:$0x3] =	stream.linear.gather @!p1 [hbm4b:s26+s28], $0x80, $0x38;
	[tilespmem:$0x1BE00] =	vst v63  }
0x38: {  	s26 =	simm.s32 @!p1 $0x7  }
0x39: {  	_ =	swait.ge @!p1 [sflag:s26], $0x4000  }
0x3a: {  	s29 =	sadd.s32 @!p1 s25, s9;
	[sflag:s26] =	ssyncset.done @!p1 $0x0  }
0x3b: {  	[sflag:s26] =	ssyncadd.s32 @!p1 $0xFFFFC000;
	s26 =	sadd.s32 @!p1 $0x20, s29;
	s29 =	simm.s32 @!p1 $0x100  }
0x3c: {  	[tilespmem:s29], [sflag:$0x5] =	stream.linear.gather @!p1 [hbm4b:s26+s28], $0x80, $0x38;
	[tilespmem:$0x1BE00] =	vst v63  }
0x3d: {  	s26 =	simm.s32 @!p1 $0x3  }
0x3e: {  	_ =	swait.ge @!p1 [sflag:s26], $0x80  }
0x3f: {  	[sflag:s26] =	ssyncset.done @!p1 $0x0  }
0x40: {  	s29 =	simm.s32 @!p1 $0x200;
	[sflag:s26] =	ssyncadd.s32 @!p1 $0xFFFFFF80;
	s26 =	simm.s32 @!p1 $0x80  }
0x41: {  	[tilespmem:s29], [sflag:$0x1] =	stream.indirect.gather @!p1 [hbm4b:s11+s26], $0x80, s28, s26, $0xb8;
	[tilespmem:$0x1BE00] =	vst v63  }
0x42: {  	_ =	swait.ge [sflag:s22], $0x4000  }
0x43: {  	[sflag:s22] =	ssyncset.done $0x0  }
0x44: {  	s26 =	simm.s32 @!p0 $0x6;
	[sflag:s22] =	ssyncadd.s32 $0xFFFFC000  }
0x45: {  	_ =	swait.ge @!p0 [sflag:s26], $0x80  }
0x46: {  	s30 =	sadd.s32 $0x1, s24;
	[sflag:s26] =	ssyncset.done @!p0 $0x0  }
0x47: {  	[sflag:s26] =	ssyncadd.s32 @!p0 $0xFFFFFF80;
	p0 =	sge.u32 s30, s4  }
0x48: {  	[spmem:s1] =	stream.indirect.scatter.add.f32 [tilespmem:s20], [sflag:$0x7], $0x80, s18, s16, $0xb8;
	[tilespmem:$0x1BE00] =	vst v63  }
0x49: {  	s26 =	simm.s32 @p0 $0x7  }
0x4a: {  	_ =	swait.ge @p0 [sflag:s26], $0x4000  }
0x4b: {  	[sflag:s26] =	ssyncset.done @p0 $0x0  }
0x4c: {  	[sflag:s26] =	ssyncadd.s32 @p0 $0xFFFFC000;
	s26 =	sadd.s32 @!p0 s25, s7  }
0x4d: {  	s28 =	simm.s32 @!p0 $0x0;
	s29 =	simm.s32 @!p0 $0x80;
	s26 =	sadd.s32 @!p0 $0x30, s26  }
0x4e: {  	[tilespmem:s29], [sflag:$0x4] =	stream.linear.gather @!p0 [hbm4b:s26+s28], $0x80, $0x38;
	[tilespmem:$0x1BE00] =	vst v63  }
0x4f: {  	s26 =	simm.s32 @!p0 $0x7  }
0x50: {  	_ =	swait.ge @!p0 [sflag:s26], $0x4000  }
0x51: {  	s30 =	sadd.s32 @!p0 s25, s9;
	[sflag:s26] =	ssyncset.done @!p0 $0x0  }
0x52: {  	[sflag:s26] =	ssyncadd.s32 @!p0 $0xFFFFC000;
	s26 =	sadd.s32 @!p0 $0x30, s30;
	s30 =	simm.s32 @!p0 $0x180  }
0x53: {  	[tilespmem:s30], [sflag:$0x6] =	stream.linear.gather @!p0 [hbm4b:s26+s28], $0x80, $0x38;
	[tilespmem:$0x1BE00] =	vst v63  }
0x54: {  	s26 =	simm.s32 @!p0 $0x4  }
0x55: {  	_ =	swait.ge @!p0 [sflag:s26], $0x80  }
0x56: {  	s25 =	sadd.s32 $0x20, s25;
	[sflag:s26] =	ssyncset.done @!p0 $0x0  }
0x57: {  	s31 =	rddreg [dreg:$0x3];
	[sflag:s26] =	ssyncadd.s32 @!p0 $0xFFFFFF80;
	s26 =	simm.s32 @!p0 $0x4200  }
0x58: {  	[tilespmem:s26], [sflag:$0x2] =	stream.indirect.gather @!p0 [hbm4b:s11+s29], $0x80, s29, s29, $0xb8;
	[tilespmem:$0x1BE00] =	vst v63  }
0x59: {  	p0 =	sne.s32 s31, s25  }
.Ltmp0:
0x5a: {  	_ = 	snop;
	(pc) =	sbr.rel @p0 .LBB2_2-.Ltmp0, $2  }
0x5b: {  	_ =	sdelay $0x2  }
0x5c: {  	s24 =	sadd.s32 $0x2, s24  }
0x5d: {  	s23 =	sadd.s32 $0x1, s23  }
0x5e: {  	p0 =	sne.s32 s23, s13  }
.Ltmp1:
0x5f: {  	[bflag:$0x0] =	sbarrier.arrive $0xFFFF;
	(pc) =	sbr.rel @p0 .LBB2_1-.Ltmp1, $4  }
0x60: {  	[hbm:s12], [sflag:s6] =	dma.local [spmem:s14], $0x2780  }
0x61: {  	_ =	swait.ge [sflag:s15], $0x2780  }
0x62: {  	[sflag:s15] =	ssyncset.done $0x0  }
0x63: {  	[sflag:s15] =	ssyncadd.s32 $0xFFFFD880  }
0x64: {  	_ =	sfence.sel $0x180000  }
0x65: {  	[bflag:$0x0] =	sbarrier.arrive $0xFFFF  }
0x66: {  	p0 =	sne.s32 s2, $0x0;
	_ =	strace $0x9000004D  }
0x67: {  	s0 =	sadd.s32 @!p0 $0x100000, s0;
	[bflag:$0x2] =	sbarrier.arrive $0xFFFF  }
0x68: {  	[sflag:s0] =	ssyncadd.tile.s32 @!p0 $0x1;
	_ =	shalt  }
.Lfunc_end2:
_tile_overlayer_lowered:
.L_overlay_start_2:
0x69: {  	(tag) =	ssettag $0x2  }
0x6a: {  	s0 =	rddreg [dreg:$0x0];
	s2 =	stileid.u32  }
0x6b: {  	s1 =	rddreg [dreg:$0x1];
	p0 =	sne.s32 s2, $0x0  }
0x6c: {  	s3 =	rddreg [dreg:$0x2];
	[bflag:$0x3] =	sbarrier.arrive $0xFFFF;
	s2 =	simm.s32 @!p0 $0x1C08  }
0x6d: {  	[timem:s3], [sflag:s2] =	dma.local @!p0 [hbm:s0], s1  }
0x6e: {  	s0 =	simm.s32 @!p0 $0x8  }
0x6f: {  	_ =	swait.ge @!p0 [sflag:s0], s1  }
0x70: {  	s1 =	ssub.s32 @!p0 $0x0, s1;
	[sflag:s0] =	ssyncset.done @!p0 $0x0  }
0x71: {  	[sflag:s0] =	ssyncadd.s32 @!p0 s1  }
0x72: {  	[bflag:$0x3] =	sbarrier.arrive $0xFFFF  }
0x73: {  	_ =	shalt  }

// kernel: kernel.19.cloned.1.call-start
scs
__scs_entry_jumppad:
0x0: {  	(pc) =	sbr.rel $0x88, $3  }
0x1: {  	(tag) =	ssettag $0x0;
	lr =	simm.s32 $0x1  }
0x2: {  	[smem:$0x3F94] =	sst lr;
	_ =	strace $0xD0000000  }
0x3: {  	_ = 	snop  }
0x4: {  	_ = 	snop  }
0x5: {  	_ = 	snop  }
0x6: {  	_ = 	snop  }
0x7: {  	_ = 	snop  }
__scs_overlays_trampoline_lowered:
0x8: {  	[smem:$0x3FA3] =	sst s0  }
0x9: {  	[smem:$0x3FA4] =	sst s1  }
0xa: {  	[smem:$0x3FA5] =	sst s2  }
0xb: {  	[smem:$0x3FA6] =	sst s3  }
0xc: {  	[smem:$0x3FA7] =	sst s4  }
0xd: {  	[smem:$0x3FA8] =	sst s5  }
0xe: {  	[smem:$0x3FA9] =	sst s6  }
0xf: {  	[smem:$0x3FAA] =	sst s7  }
0x10: {  	[smem:$0x3FAB] =	sst s8  }
0x11: {  	[smem:$0x3FAC] =	sst s9;
	s0 =	simm.s32 @!p0 $0x0  }
0x12: {  	s1 =	sld [smem:$0x3F92];
	s0 =	simm.s32 @p0 $0x1  }
0x13: {  	[smem:$0x3FAD] =	sst s0;
	s0 =	simm.s32 @!p1 $0x0  }
0x14: {  	s2 =	sld [smem:$0x3F91];
	s0 =	simm.s32 @p1 $0x1  }
0x15: {  	[smem:$0x3FAE] =	sst s0;
	s0 =	simm.s32 @!p2 $0x0  }
0x16: {  	s3 =	sld [smem:$0x3FDB];
	s0 =	simm.s32 @p2 $0x1  }
0x17: {  	s4 =	simm.s32 $0x1BF5;
	[smem:$0x3FB0] =	sst s0  }
0x18: {  	s0 =	sld [smem:$0x3F93];
	_ =	swait.ge [sflag:s4], $0x0  }
0x19: {  	s7 =	sld [smem:$0x3F94]  }
0x1a: {  	s8 =	sadd.s32 $0xFFFFE003, lr  }
0x1b: {  	s9 =	sadd.s32 $0xFFFFFEF7, lr;
	s5 =	simm.s32 $0xFFFFFFFF;
	p2 =	slt.u32 s8, $0xFFFFF086  }
0x1c: {  	p1 =	slt.u32 s9, $0xF7A;
	s5 =	simm.s32 @!p2 $0x0  }
0x1d: {  	s5 =	simm.s32 @p1 $0x1;
	p0 =	seq.s32 s7, s2  }
0x1e: {  	s7 =	smul.u32 @!p0 $0xF7A, s2;
	p2 =	seq.s32 @!p0 s5, $0x0  }
0x1f: {  	s9 =	smul.u32 $0xF7A, s1;
	s8 =	simm.s32 @!p0 $0x1BF5;
	p2 =	por !p2, p0  }
0x20: {  	[sflag:s8] =	ssyncset.s32 @!p0 $0xFFFFF086;
	s6 =	sadd.s32 @!p0 s3, s7;
	s7 =	simm.s32 @!p0 $0x108  }
0x21: {  	s3 =	sadd.s32 s3, s9;
	s6 =	sadd.s32 @!p0 $0x88, s6;
	s7 =	simm.s32 @p2 $0x1082  }
0x22: {  	[simem:s7], [sflag:s8] =	dma.local @!p0 [hbm:s6], $0xF7A  }
0x23: {  	s9 =	sor.u32 $0xD0000000, s2;
	s6 =	simm.s32 $0x108;
	_ =	swait.ge @!p0 [sflag:s8], $0x0  }
0x24: {  	s3 =	sadd.s32 $0x88, s3;
	s6 =	simm.s32 @!p1 $0x1082;
	[sflag:s4] =	ssyncset.s32 $0xFFFFF086  }
0x25: {  	[simem:s6], [sflag:s4] =	dma.local [hbm:s3], $0xF7A  }
0x26: {  	[smem:$0x3F94] =	sst s1;
	(tag) =	ssettag s2;
	_ =	strace s9  }
0x27: {  	s1 =	sld [smem:$0x3FA4]  }
0x28: {  	s2 =	sld [smem:$0x3FA5]  }
0x29: {  	s4 =	sld [smem:$0x3FA7]  }
0x2a: {  	p0 =	seq.s32 s5, $0x0;
	s5 =	sld [smem:$0x3FA8]  }
0x2b: {  	s6 =	sld [smem:$0x3FA9]  }
0x2c: {  	s7 =	sld [smem:$0x3FAA]  }
0x2d: {  	s3 =	simm.s32 $0x108;
	s8 =	sld [smem:$0x3FAB]  }
0x2e: {  	s3 =	simm.s32 @!p0 $0x1082;
	s9 =	sld [smem:$0x3FAC]  }
0x2f: {  	lr =	sadd.s32 s0, s3;
	s0 =	sld [smem:$0x3FA3]  }
0x30: {  	s3 =	sld [smem:$0x3FA6]  }
0x31: {  	[smem:$0x3FAF] =	sst s10  }
0x32: {  	s10 =	sld [smem:$0x3FAD];
	_ =	sdelay $0x3  }
0x33: {  	p0 =	seq.s32 s10, $0x1;
	s10 =	sld [smem:$0x3FAF];
	_ =	sdelay $0x3  }
0x34: {  	[smem:$0x3FAF] =	sst s10  }
0x35: {  	s10 =	sld [smem:$0x3FAE];
	_ =	sdelay $0x3  }
0x36: {  	p1 =	seq.s32 s10, $0x1;
	s10 =	sld [smem:$0x3FAF];
	_ =	sdelay $0x3  }
0x37: {  	[smem:$0x3FAF] =	sst s10  }
0x38: {  	s10 =	sld [smem:$0x3FB0]  }
0x39: {  	_ = 	snop;
	(pc) =	sbr.ind lr, $3  }
0x3a: {  	_ = 	snop  }
0x3b: {  	_ = 	snop  }
0x3c: {  	p2 =	seq.s32 s10, $0x1;
	s10 =	sld [smem:$0x3FAF]  }
0x3d: {  	_ =	shalt  }
0x3e: {  	_ =	shalt  }
0x3f: {  	_ =	shalt  }
0x40: {  	_ =	shalt  }
0x41: {  	_ =	shalt  }
0x42: {  	_ =	shalt  }
0x43: {  	_ =	shalt  }
0x44: {  	_ =	shalt  }
0x45: {  	_ =	shalt  }
0x46: {  	_ =	shalt  }
0x47: {  	_ =	shalt  }
0x48: {  	_ =	shalt  }
0x49: {  	_ =	shalt  }
0x4a: {  	_ =	shalt  }
0x4b: {  	_ =	shalt  }
0x4c: {  	_ =	shalt  }
0x4d: {  	_ =	shalt  }
0x4e: {  	_ =	shalt  }
0x4f: {  	_ =	shalt  }
0x50: {  	_ =	shalt  }
0x51: {  	_ =	shalt  }
0x52: {  	_ =	shalt  }
0x53: {  	_ =	shalt  }
0x54: {  	_ =	shalt  }
0x55: {  	_ =	shalt  }
0x56: {  	_ =	shalt  }
0x57: {  	_ =	shalt  }
0x58: {  	_ =	shalt  }
0x59: {  	_ =	shalt  }
0x5a: {  	_ =	shalt  }
0x5b: {  	_ =	shalt  }
0x5c: {  	_ =	shalt  }
0x5d: {  	_ =	shalt  }
0x5e: {  	_ =	shalt  }
0x5f: {  	_ =	shalt  }
0x60: {  	_ =	shalt  }
0x61: {  	_ =	shalt  }
0x62: {  	_ =	shalt  }
0x63: {  	_ =	shalt  }
0x64: {  	_ =	shalt  }
0x65: {  	_ =	shalt  }
0x66: {  	_ =	shalt  }
0x67: {  	_ =	shalt  }
0x68: {  	_ =	shalt  }
0x69: {  	_ =	shalt  }
0x6a: {  	_ =	shalt  }
0x6b: {  	_ =	shalt  }
0x6c: {  	_ =	shalt  }
0x6d: {  	_ =	shalt  }
0x6e: {  	_ =	shalt  }
0x6f: {  	_ =	shalt  }
0x70: {  	_ =	shalt  }
0x71: {  	_ =	shalt  }
0x72: {  	_ =	shalt  }
0x73: {  	_ =	shalt  }
0x74: {  	_ =	shalt  }
0x75: {  	_ =	shalt  }
0x76: {  	_ =	shalt  }
0x77: {  	_ =	shalt  }
0x78: {  	_ =	shalt  }
0x79: {  	_ =	shalt  }
0x7a: {  	_ =	shalt  }
0x7b: {  	_ =	shalt  }
0x7c: {  	_ =	shalt  }
0x7d: {  	_ =	shalt  }
0x7e: {  	_ =	shalt  }
0x7f: {  	_ =	shalt  }
0x80: {  	_ =	shalt  }
0x81: {  	_ =	shalt  }
0x82: {  	_ =	shalt  }
0x83: {  	_ =	shalt  }
0x84: {  	_ =	shalt  }
0x85: {  	_ =	shalt  }
0x86: {  	_ =	shalt  }
0x87: {  	_ =	shalt  }
.Lfunc_end0:
.L_simem_size_0:
called_computation.3_lowered:
.L_overlay_start_0:
0x88: {  	s2 =	sld [smem:$0x3FD9]  }
0x89: {  	s3 =	sld [smem:$0x3FFE];
	_ =	sdelay $0x1  }
0x8a: {  	s1 =	srdreg.scid  }
0x8b: {  	s0 =	sand.u32 $0x1, s1  }
0x8c: {  	s16 =	sshll.u32 s0, $0xA;
	s2 =	sadd.s32 s3, s2  }
0x8d: {  	s2 =	sadd.s32 s2, s16  }
0x8e: {  	[smem:$0x3FBB] =	sst s2  }
0x8f: {  	_ = 	snop  }
0x90: {  	(tm) =	ssettm $0x1  }
0x91: {  	s17 =	sld [smem:$0x3FFB];
	_ =	sdelay $0x3  }
0x92: {  	_ =	strace s17  }
0x93: {  	s2 =	sld [smem:$0x3FFC];
	_ =	sdelay $0x3  }
0x94: {  	_ =	strace s2  }
0x95: {  	s2 =	sld [smem:$0x3FFD];
	_ =	sdelay $0x3  }
0x96: {  	_ =	strace s2  }
0x97: {  	_ =	strace $0x8FFFFFFF  }
0x98: {  	s18 =	sld [smem:$0x3FDB];
	_ =	sdelay $0x1  }
0x99: {  	s19 =	simm.s32 $_scs_section_size  }
0x9a: {  	s4 =	simm.s32 $_size__tile_overlayer_lowered;
	s5 =	simm.s32 $_tile_overlayer_lowered  }
0x9b: {  	s22 =	simm.s32 $0x1BFF;
	s21 =	sshll.u32 s5, $0x1;
	s2 =	sadd.s32 s19, s18  }
0x9c: {  	s6 =	simm.s32 $0x0;
	s20 =	sshll.u32 s4, $0x1;
	s4 =	sadd.s32 s21, s2  }
0x9d: {  	[timem:s6], [sflag:s22] =	dma.local [hbm:s4], s20  }
0x9e: {  	_ =	swait.ge [sflag:s22], s20  }
0x9f: {  	s3 =	ssub.s32 $0x0, s20;
	[sflag:s22] =	ssyncset.done $0x0  }
0xa0: {  	[sflag:s22] =	ssyncadd.s32 s3;
	_ =	sdelay $0x1  }
0xa1: {  	s23 =	simm.s32 $0x1B8B  }
0xa2: {  	_ =	swait.ge [sflag:s23], $0x1  }
0xa3: {  	[sflag:s23] =	ssyncset.done $0x0  }
0xa4: {  	s25 =	simm.s32 $0x1B8E;
	s24 =	sld [smem:$0x3FFE];
	[sflag:s23] =	ssyncadd.s32 $0xFFFFFFFF  }
0xa5: {  	s26 =	simm.s32 $execute0_lowered;
	[smem:$0x3FD2] =	sst s25  }
0xa6: {  	s4 =	sshll.u32 s26, $0x1;
	_ =	strace $0x8000004F;
	[dreg:$0x1] =	wrdreg $0xFFFFFFFF  }
0xa7: {  	s28 =	simm.s32 $_size_execute0_lowered;
	s2 =	sadd.s32 s2, s4;
	[dreg:$0x0] =	wrdreg $0x0  }
0xa8: {  	s4 =	sshll.u32 s28, $0x1;
	[dreg:$0x2] =	wrdreg s2  }
0xa9: {  	[dreg:$0x3] =	wrdreg s4  }
0xaa: {  	[dreg:$0x4] =	wrdreg $0xC0  }
0xab: {  	_ =	task [dreg:s6], $0x5FFFF  }
0xac: {  	[dreg:$0x1] =	wrdreg $0xFFFFFFFF  }
0xad: {  	[dreg:$0x0] =	wrdreg $0x60  }
0xae: {  	[dreg:$0x2] =	wrdreg s24  }
0xaf: {  	[dreg:$0x3] =	wrdreg $0x82000  }
0xb0: {  	[dreg:$0x4] =	wrdreg $0x9  }
0xb1: {  	_ =	task.clear_ibuf [dreg:s6], $0x5FFFF;
	_ =	strace $0x9000004F  }
0xb2: {  	s29 =	simm.s32 $0x9;
	_ =	strace $0x80000051  }
0xb3: {  	_ =	swait.ge [sflag:s29], $0x1  }
0xb4: {  	[sflag:s29] =	ssyncadd.s32 $0xFFFFFFFF  }
0xb5: {  	_ =	strace $0x90000051  }
0xb6: {  	_ =	sfence  }
0xb7: {  	s30 =	sld [smem:$0x0];
	_ =	sdelay $0x2  }
0xb8: {  	s31 =	sshll.u32 s1, $0xD;
	s1 =	sshrl.u32 s1, $0x2  }
0xb9: {  	s3 =	sand.u32 $0x4000, s31;
	s1 =	sadd.s32 s1, s30  }
0xba: {  	s0 =	sor.u32 s3, s0;
	s1 =	sshll.u32 s1, $0x11  }
0xbb: {  	s0 =	sor.u32 s1, s0  }
0xbc: {  	s0 =	sadd.s32 $0x8F2B, s0  }
0xbd: {  	[sflag:s0] =	ssyncadd.remote.s32 $0x1  }
0xbe: {  	_ =	sfence.sel $0xFFFF  }
0xbf: {  	[dreg:$0x0] =	wrdreg $0xFFFFFFFF;
	(pc) =	sbr.abs _section_cstart, $3  }
0xc0: {  	[dreg:$0x1] =	wrdreg $0xFFFFFFFF  }
0xc1: {  	_ =	task.clear_ibuf [dreg:s6], $0x2FFFF;
	_ =	strace $0x9FFFFFFF  }
0xc2: {  	(tm) =	ssettm $0x7FFFFFFF  }
0xc3: {  	_ =	shalt  }
tec
execute0_lowered:
.L_overlay_start_1:
0x0: {  	(tag) =	ssettag $0x1  }
0x1: {  	s4 =	rddreg [dreg:$0x0]  }
0x2: {  	s1 =	rddreg [dreg:$0x1];
	s2 =	srdreg.scid  }
0x3: {  	s0 =	rddreg [dreg:$0x2];
	s3 =	simm.s32 $0x0;
	s17 =	simm.s32 $0x100  }
0x4: {  	s18 =	simm.s32 $0x180;
	s19 =	simm.s32 $0x200;
	s20 =	simm.s32 $0x4200  }
0x5: {  	s21 =	simm.s32 $0x1;
	s22 =	simm.s32 $0x2;
	s5 =	sand.u32 $0x1, s2  }
0x6: {  	s23 =	simm.s32 $0x0;
	s2 =	stileid.u32;
	s6 =	smul.u32 $0x27800, s5  }
0x7: {  	[smem:$0x7FF] =	sst s3;
	s9 =	sadd.s32 $0x8EA00, s4;
	s7 =	smul.u32 $0x13C00, s2  }
0x8: {  	s10 =	sadd.s32 $0x84000, s4;
	_ =	strace $0x80000050;
	s8 =	smul.u32 $0x13C000, s5  }
0x9: {  	s25 =	ssub.s32 $0x2, s5;
	s26 =	smul.u32 $0x4F000, s2;
	p0 =	seq.s32 s5, $0x0  }
0xa: {  	s5 =	smul.u32 $0x90, s2;
	s28 =	sshll.u32 s2, $0x4;
	s29 =	sshll.u32 s2, $0x6  }
0xb: {  	s12 =	sshrl.u32 s25, $0x1;
	s11 =	sadd.s32 s6, s4;
	s24 =	sshrl.u32 s7, $0x3  }
0xc: {  	s7 =	sadd.s32 s7, s8;
	s14 =	ssub.s32 s25, s12;
	s8 =	sor.u32 $0x900, s28  }
0xd: {  	s6 =	sadd.s32 s24, s4;
	s7 =	sshrl.u32 s7, $0x3;
	s8 =	smov.u32 @p0 s5  }
0xe: {  	s11 =	sadd.s32 $0x34800, s11;
	s13 =	sadd.s32 s7, s4;
	s4 =	simm.s32 $0x90  }
0xf: {  	s7 =	sshrl.u32 s26, $0x2;
	s5 =	sadd.s32 $0xD000, s6;
	s30 =	sshll.u32 s8, $0x4  }
0x10: {  	s6 =	sor.u32 $0x1C08, s29;
	s4 =	simm.s32 @!p0 $0x10;
	s15 =	sadd.s32 s7, s1  }
0x11: {  	s7 =	sadd.s32 s9, s30;
	s16 =	sor.u32 $0x10, s30;
	s12 =	sadd.s32 $0x99400, s13  }
0x12: {  	s13 =	smax.u32 s14, $0x1;
	s8 =	sadd.s32 s9, s16;
	s9 =	sadd.s32 s10, s30  }
0x13: {  	s10 =	sadd.s32 s10, s16;
	s31 =	sshll.u32 s4, $0x4;
	s14 =	sshrl.u32 s15, $0x3  }
0x14: {  	s15 =	simm.s32 $0x8;
	s16 =	simm.s32 $0x80;
	[dreg:$0x3] =	wrdreg s31  }
.LBB2_1:
0x15: {  	[spmem:s14], [sflag:s6] =	dma.local [hbm:s5], $0x2780  }
0x16: {  	_ =	swait.ge [sflag:s15], $0x2780  }
0x17: {  	[sflag:s15] =	ssyncset.done $0x0  }
0x18: {  	[sflag:s15] =	ssyncadd.s32 $0xFFFFD880  }
0x19: {  	[bflag:$0x0] =	sbarrier.arrive $0xFFFF  }
0x1a: {  	[tilespmem:s3], [sflag:$0x8] =	stream.linear.gather [hbm4b:s7+s3], $0x80, $0x38;
	[tilespmem:$0x1BE00] =	vst v63  }
0x1b: {  	_ =	swait.ge [sflag:s15], $0x80  }
0x1c: {  	[sflag:s15] =	ssyncset.done $0x0  }
0x1d: {  	[sflag:s15] =	ssyncadd.s32 $0xFFFFFF80  }
0x1e: {  	[tilespmem:s16], [sflag:$0x8] =	stream.linear.gather [hbm4b:s8+s3], $0x80, $0x38;
	[tilespmem:$0x1BE00] =	vst v63  }
0x1f: {  	_ =	swait.ge [sflag:s15], $0x80  }
0x20: {  	[sflag:s15] =	ssyncset.done $0x0  }
0x21: {  	[sflag:s15] =	ssyncadd.s32 $0xFFFFFF80  }
0x22: {  	[tilespmem:s17], [sflag:$0x8] =	stream.linear.gather [hbm4b:s9+s3], $0x80, $0x38;
	[tilespmem:$0x1BE00] =	vst v63  }
0x23: {  	_ =	swait.ge [sflag:s15], $0x80  }
0x24: {  	[sflag:s15] =	ssyncset.done $0x0  }
0x25: {  	[sflag:s15] =	ssyncadd.s32 $0xFFFFFF80  }
0x26: {  	[tilespmem:s18], [sflag:$0x8] =	stream.linear.gather [hbm4b:s10+s3], $0x80, $0x38;
	[tilespmem:$0x1BE00] =	vst v63  }
0x27: {  	_ =	swait.ge [sflag:s15], $0x80  }
0x28: {  	[sflag:s15] =	ssyncset.done $0x0  }
0x29: {  	[sflag:s15] =	ssyncadd.s32 $0xFFFFFF80  }
0x2a: {  	[tilespmem:s19], [sflag:$0x1] =	stream.indirect.gather [hbm4b:s11+s16], $0x80, s3, s16, $0xb8;
	[tilespmem:$0x1BE00] =	vst v63  }
0x2b: {  	s24 =	simm.s32 $0x2;
	s25 =	simm.s32 $0x0  }
0x2c: {  	[tilespmem:s20], [sflag:$0x2] =	stream.indirect.gather [hbm4b:s11+s16], $0x80, s16, s16, $0xb8;
	[tilespmem:$0x1BE00] =	vst v63  }
.LBB2_2:
0x2d: {  	_ =	swait.ge [sflag:s21], $0x4000  }
0x2e: {  	p0 =	seq.s32 s25, $0x0;
	[sflag:s21] =	ssyncset.done $0x0  }
0x2f: {  	s26 =	simm.s32 @!p0 $0x5;
	[sflag:s21] =	ssyncadd.s32 $0xFFFFC000  }
0x30: {  	_ =	swait.ge @!p0 [sflag:s26], $0x80  }
0x31: {  	p1 =	sge.u32 s24, s4;
	[sflag:s26] =	ssyncset.done @!p0 $0x0  }
0x32: {  	[sflag:s26] =	ssyncadd.s32 @!p0 $0xFFFFFF80;
	s26 =	simm.s32 @p1 $0x7  }
0x33: {  	[spmem:s1] =	stream.indirect.scatter.add.f32 [tilespmem:s19], [sflag:$0x7], $0x80, s17, s16, $0xb8;
	[tilespmem:$0x1BE00] =	vst v63  }
0x34: {  	_ =	swait.ge @p1 [sflag:s26], $0x4000  }
0x35: {  	s28 =	sadd.s32 @!p1 s25, s7;
	[sflag:s26] =	ssyncset.done @p1 $0x0  }
0x36: {  	[sflag:s26] =	ssyncadd.s32 @p1 $0xFFFFC000;
	s26 =	sadd.s32 @!p1 $0x20, s28;
	s28 =	simm.s32 @!p1 $0x0  }
0x37: {  	[tilespmem:s28], [sflag:$0x3] =	stream.linear.gather @!p1 [hbm4b:s26+s28], $0x80, $0x38;
	[tilespmem:$0x1BE00] =	vst v63  }
0x38: {  	s26 =	simm.s32 @!p1 $0x7  }
0x39: {  	_ =	swait.ge @!p1 [sflag:s26], $0x4000  }
0x3a: {  	s29 =	sadd.s32 @!p1 s25, s9;
	[sflag:s26] =	ssyncset.done @!p1 $0x0  }
0x3b: {  	[sflag:s26] =	ssyncadd.s32 @!p1 $0xFFFFC000;
	s26 =	sadd.s32 @!p1 $0x20, s29;
	s29 =	simm.s32 @!p1 $0x100  }
0x3c: {  	[tilespmem:s29], [sflag:$0x5] =	stream.linear.gather @!p1 [hbm4b:s26+s28], $0x80, $0x38;
	[tilespmem:$0x1BE00] =	vst v63  }
0x3d: {  	s26 =	simm.s32 @!p1 $0x3  }
0x3e: {  	_ =	swait.ge @!p1 [sflag:s26], $0x80  }
0x3f: {  	[sflag:s26] =	ssyncset.done @!p1 $0x0  }
0x40: {  	s29 =	simm.s32 @!p1 $0x200;
	[sflag:s26] =	ssyncadd.s32 @!p1 $0xFFFFFF80;
	s26 =	simm.s32 @!p1 $0x80  }
0x41: {  	[tilespmem:s29], [sflag:$0x1] =	stream.indirect.gather @!p1 [hbm4b:s11+s26], $0x80, s28, s26, $0xb8;
	[tilespmem:$0x1BE00] =	vst v63  }
0x42: {  	_ =	swait.ge [sflag:s22], $0x4000  }
0x43: {  	[sflag:s22] =	ssyncset.done $0x0  }
0x44: {  	s26 =	simm.s32 @!p0 $0x6;
	[sflag:s22] =	ssyncadd.s32 $0xFFFFC000  }
0x45: {  	_ =	swait.ge @!p0 [sflag:s26], $0x80  }
0x46: {  	s30 =	sadd.s32 $0x1, s24;
	[sflag:s26] =	ssyncset.done @!p0 $0x0  }
0x47: {  	[sflag:s26] =	ssyncadd.s32 @!p0 $0xFFFFFF80;
	p0 =	sge.u32 s30, s4  }
0x48: {  	[spmem:s1] =	stream.indirect.scatter.add.f32 [tilespmem:s20], [sflag:$0x7], $0x80, s18, s16, $0xb8;
	[tilespmem:$0x1BE00] =	vst v63  }
0x49: {  	s26 =	simm.s32 @p0 $0x7  }
0x4a: {  	_ =	swait.ge @p0 [sflag:s26], $0x4000  }
0x4b: {  	[sflag:s26] =	ssyncset.done @p0 $0x0  }
0x4c: {  	[sflag:s26] =	ssyncadd.s32 @p0 $0xFFFFC000;
	s26 =	sadd.s32 @!p0 s25, s7  }
0x4d: {  	s28 =	simm.s32 @!p0 $0x0;
	s29 =	simm.s32 @!p0 $0x80;
	s26 =	sadd.s32 @!p0 $0x30, s26  }
0x4e: {  	[tilespmem:s29], [sflag:$0x4] =	stream.linear.gather @!p0 [hbm4b:s26+s28], $0x80, $0x38;
	[tilespmem:$0x1BE00] =	vst v63  }
0x4f: {  	s26 =	simm.s32 @!p0 $0x7  }
0x50: {  	_ =	swait.ge @!p0 [sflag:s26], $0x4000  }
0x51: {  	s30 =	sadd.s32 @!p0 s25, s9;
	[sflag:s26] =	ssyncset.done @!p0 $0x0  }
0x52: {  	[sflag:s26] =	ssyncadd.s32 @!p0 $0xFFFFC000;
	s26 =	sadd.s32 @!p0 $0x30, s30;
	s30 =	simm.s32 @!p0 $0x180  }
0x53: {  	[tilespmem:s30], [sflag:$0x6] =	stream.linear.gather @!p0 [hbm4b:s26+s28], $0x80, $0x38;
	[tilespmem:$0x1BE00] =	vst v63  }
0x54: {  	s26 =	simm.s32 @!p0 $0x4  }
0x55: {  	_ =	swait.ge @!p0 [sflag:s26], $0x80  }
0x56: {  	s25 =	sadd.s32 $0x20, s25;
	[sflag:s26] =	ssyncset.done @!p0 $0x0  }
0x57: {  	s31 =	rddreg [dreg:$0x3];
	[sflag:s26] =	ssyncadd.s32 @!p0 $0xFFFFFF80;
	s26 =	simm.s32 @!p0 $0x4200  }
0x58: {  	[tilespmem:s26], [sflag:$0x2] =	stream.indirect.gather @!p0 [hbm4b:s11+s29], $0x80, s29, s29, $0xb8;
	[tilespmem:$0x1BE00] =	vst v63  }
0x59: {  	p0 =	sne.s32 s31, s25  }
.Ltmp0:
0x5a: {  	_ = 	snop;
	(pc) =	sbr.rel @p0 .LBB2_2-.Ltmp0, $2  }
0x5b: {  	_ =	sdelay $0x2  }
0x5c: {  	s24 =	sadd.s32 $0x2, s24  }
0x5d: {  	s23 =	sadd.s32 $0x1, s23  }
0x5e: {  	p0 =	sne.s32 s23, s13  }
.Ltmp1:
0x5f: {  	[bflag:$0x0] =	sbarrier.arrive $0xFFFF;
	(pc) =	sbr.rel @p0 .LBB2_1-.Ltmp1, $4  }
0x60: {  	[hbm:s12], [sflag:s6] =	dma.local [spmem:s14], $0x2780  }
0x61: {  	_ =	swait.ge [sflag:s15], $0x2780  }
0x62: {  	[sflag:s15] =	ssyncset.done $0x0  }
0x63: {  	[sflag:s15] =	ssyncadd.s32 $0xFFFFD880  }
0x64: {  	_ =	sfence.sel $0x180000  }
0x65: {  	[bflag:$0x0] =	sbarrier.arrive $0xFFFF  }
0x66: {  	p0 =	sne.s32 s2, $0x0;
	_ =	strace $0x90000050  }
0x67: {  	s0 =	sadd.s32 @!p0 $0x100000, s0;
	[bflag:$0x2] =	sbarrier.arrive $0xFFFF  }
0x68: {  	[sflag:s0] =	ssyncadd.tile.s32 @!p0 $0x1;
	_ =	shalt  }
.Lfunc_end2:
_tile_overlayer_lowered:
.L_overlay_start_2:
0x69: {  	(tag) =	ssettag $0x2  }
0x6a: {  	s0 =	rddreg [dreg:$0x0];
	s2 =	stileid.u32  }
0x6b: {  	s1 =	rddreg [dreg:$0x1];
	p0 =	sne.s32 s2, $0x0  }
0x6c: {  	s3 =	rddreg [dreg:$0x2];
	[bflag:$0x3] =	sbarrier.arrive $0xFFFF;
	s2 =	simm.s32 @!p0 $0x1C08  }
0x6d: {  	[timem:s3], [sflag:s2] =	dma.local @!p0 [hbm:s0], s1  }
0x6e: {  	s0 =	simm.s32 @!p0 $0x8  }
0x6f: {  	_ =	swait.ge @!p0 [sflag:s0], s1  }
0x70: {  	s1 =	ssub.s32 @!p0 $0x0, s1;
	[sflag:s0] =	ssyncset.done @!p0 $0x0  }
0x71: {  	[sflag:s0] =	ssyncadd.s32 @!p0 s1  }
0x72: {  	[bflag:$0x3] =	sbarrier.arrive $0xFFFF  }
0x73: {  	_ =	shalt  }

</sc_bundles>
